<compile_context>
chip_gen: v7x
topology: tpu7x:2x2x1
jax: 0.10.2.dev20260603
libtpu: 0.0.44.dev20260713+nightly
codegen_flags: <defaults>
</compile_context>

<pallas_src>
import jax
import jax.numpy as jnp
from jax import lax
from jax.experimental import pallas as pl
from jax.experimental.pallas import tpu as pltpu
from jax.experimental.pallas import tpu_sc as plsc

B = 1024
T = 77
D = 768
NC = 2
NS = 16
NW = NC * NS
ROWS = B * T
PER_W = ROWS // NW
C = 32
NCH = PER_W // C
NBUF = 4
L = NBUF // 2
NPOS = 4
DV = D // 16


def _add_pos(buf, pos_v, local_t):
    pvec = tuple(pos_v[local_t, pl.ds(j * 16, 16)] for j in range(DV))

    def row(r, pv):
        for j in range(DV):
            plsc.addupdate(buf.at[r, pl.ds(j * 16, 16)], pv[j])
        return pv

    lax.fori_loop(0, C, row, pvec)


def _body(tok_hbm, posw_hbm, tab_hbm, out_hbm, idx_v, pos_v, *rest):
    bufs = rest[:NBUF]
    gsem = rest[NBUF:2 * NBUF]
    ssem = rest[2 * NBUF:]
    wid = lax.axis_index("s") * NC + lax.axis_index("c")
    base = wid * PER_W
    t_lo = base // B

    pltpu.sync_copy(tok_hbm.at[wid], idx_v)
    pltpu.sync_copy(posw_hbm.at[wid], pos_v)

    def g_start(k, b):
        pltpu.async_copy(tab_hbm.at[idx_v.at[k]], bufs[b], gsem[b])

    def g_wait(k, b):
        pltpu.make_async_copy(tab_hbm.at[idx_v.at[k]], bufs[b], gsem[b]).wait()

    def s_start(k, b):
        pltpu.async_copy(bufs[b], out_hbm.at[pl.ds(base + k * C, C)], ssem[b])

    def s_wait(k, b):
        pltpu.make_async_copy(
            bufs[b], out_hbm.at[pl.ds(base + k * C, C)], ssem[b]).wait()

    def process(k, b):
        g_wait(k, b)
        _add_pos(bufs[b], pos_v, (base + k * C) // B - t_lo)
        s_start(k, b)

    for m in range(L):
        g_start(m, m)

    def lap(p, carry):
        for b in range(NBUF):
            k = NBUF * p + b

            @pl.when(k + L < NCH)
            def _launch():
                @pl.when(k >= NBUF - L)
                def _reuse():
                    s_wait(k + L - NBUF, (b + L) % NBUF)
                g_start(k + L, (b + L) % NBUF)

            @pl.when(k < NCH)
            def _proc():
                process(k, b)
        return carry

    lax.fori_loop(0, (NCH + NBUF - 1) // NBUF, lap, 0)

    for j in range(NBUF):
        kk = NCH - NBUF + j
        s_wait(kk, kk % NBUF)


@jax.jit
def _emb(tok, posw, tab):
    mesh = plsc.VectorSubcoreMesh(core_axis_name="c", subcore_axis_name="s",
                                  num_cores=NC, num_subcores=NS)
    f = pl.kernel(
        _body,
        out_type=jax.ShapeDtypeStruct((ROWS, D), jnp.float32),
        mesh=mesh,
        scratch_types=(
            [pltpu.VMEM((NCH, C), jnp.int32),
             pltpu.VMEM((NPOS, D), jnp.float32)]
            + [pltpu.VMEM((C, D), jnp.float32)] * NBUF
            + [pltpu.SemaphoreType.DMA] * (2 * NBUF)
        ),
    )
    return f(tok, posw, tab)


def kernel(tokens, token_embedding, position_embedding):
    tok = tokens.T.astype(jnp.int32).reshape(NW, NCH, C)
    t_lo = (jnp.arange(NW, dtype=jnp.int32) * PER_W) // B
    pos_pad = jnp.concatenate(
        [position_embedding,
         jnp.zeros((NPOS - 1, D), position_embedding.dtype)], axis=0)
    posw = pos_pad[t_lo[:, None] + jnp.arange(NPOS, dtype=jnp.int32)[None, :]]
    out = _emb(tok, posw, token_embedding)
    return out.reshape(T, B, D).transpose(1, 0, 2)

# --- scband reference (transcript-rebuilt; emitter-appended) ---
"""Pipeline reference for scband-clipembedding-14809047236801 (READ-ONLY COPY).

The authoritative reference and input builder live on the scoring server;
editing this copy changes nothing except your own understanding.
"""

import jax, jax.numpy as jnp
import numpy as np

N_VOCAB = 49408
N_EMBED = 768
N_TOKEN = 77
BATCH = 1024


def setup_inputs(seed: int = 0) -> dict:
    key = jax.random.key(seed)
    k1, k2 = jax.random.split(key, 2)
    tokens = jax.random.randint(k1, (BATCH, N_TOKEN), 0, N_VOCAB)
    token_embedding = jax.random.normal(k2, (N_VOCAB, N_EMBED), dtype=jnp.float32) * 0.02
    position_embedding = jnp.zeros((N_TOKEN, N_EMBED), dtype=jnp.float32)
    return {
        "tokens": tokens,
        "token_embedding": token_embedding,
        "position_embedding": position_embedding,
    }


def reference(tokens, token_embedding, position_embedding):
    # x = self.token_embedding(tokens)
    x = jnp.take(token_embedding, tokens, axis=0)
    # x = x + self.position_embedding  (broadcast over batch)
    x = x + position_embedding[None, :, :]
    return x

if __name__ == "__main__":
    import jax
    _d = setup_inputs()
    print(jax.jit(kernel)(*tuple(_d.values())))

</pallas_src>

<mosaic_0001>
#map = affine_map<(d0, d1) -> (0, 0, 0)>
#map1 = affine_map<(d0, d1) -> (0, 0)>
module attributes {stable_mosaic.version = 14 : i64} {
  func.func @_body(%arg0: i32, %arg1: i32, %arg2: memref<32x77x32xi32, #tpu.memory_space<hbm>>, %arg3: memref<32x4x768xf32, #tpu.memory_space<hbm>>, %arg4: memref<49408x768xf32, #tpu.memory_space<hbm>>, %arg5: memref<78848x768xf32, #tpu.memory_space<hbm>>, %arg6: memref<77x32xi32, #tpu.memory_space<vmem>>, %arg7: memref<4x768xf32, #tpu.memory_space<vmem>>, %arg8: memref<32x768xf32, #tpu.memory_space<vmem>>, %arg9: memref<32x768xf32, #tpu.memory_space<vmem>>, %arg10: memref<32x768xf32, #tpu.memory_space<vmem>>, %arg11: memref<32x768xf32, #tpu.memory_space<vmem>>, %arg12: memref<!tpu.dma_semaphore, #tpu.memory_space<semaphore_mem>>, %arg13: memref<!tpu.dma_semaphore, #tpu.memory_space<semaphore_mem>>, %arg14: memref<!tpu.dma_semaphore, #tpu.memory_space<semaphore_mem>>, %arg15: memref<!tpu.dma_semaphore, #tpu.memory_space<semaphore_mem>>, %arg16: memref<!tpu.dma_semaphore, #tpu.memory_space<semaphore_mem>>, %arg17: memref<!tpu.dma_semaphore, #tpu.memory_space<semaphore_mem>>, %arg18: memref<!tpu.dma_semaphore, #tpu.memory_space<semaphore_mem>>, %arg19: memref<!tpu.dma_semaphore, #tpu.memory_space<semaphore_mem>>) attributes {dimension_semantics = [#tpu.dimension_semantics<core_parallel>, #tpu.dimension_semantics<subcore_parallel>], iteration_bounds = array<i64: 2, 16>, scalar_prefetch = 0 : i64, scratch_operands = 14 : i64, tpu.core_type = #tpu.core_type<sc_vector_subcore>, window_params = [{transform_indices = #map}, {transform_indices = #map}, {transform_indices = #map1}, {transform_indices = #map1}]} {
    %mul3A = arith.constant 2 : i32
    %mul3A_0 = arith.muli %arg1, %mul3A : i32
    %add3A = arith.addi %mul3A_0, %arg0 : i32
    %mul3A_1 = arith.constant 2464 : i32
    %mul3A_2 = arith.muli %add3A, %mul3A_1 : i32
    %jit3A = arith.constant 1024 : i32
    %div3A = arith.divsi %mul3A_2, %jit3A : i32
    %sign3A = arith.constant 0 : i32
    %sign3A_3 = arith.cmpi sgt, %mul3A_2, %sign3A : i32
    %sign3A_4 = arith.extui %sign3A_3 : i1 to i32
    %sign3A_5 = arith.constant 0 : i32
    %sign3A_6 = arith.cmpi slt, %mul3A_2, %sign3A_5 : i32
    %sign3A_7 = arith.extui %sign3A_6 : i1 to i32
    %sign3A_8 = arith.subi %sign3A_4, %sign3A_7 : i32
    %sign3A_9 = arith.constant 0 : i32
    %sign3A_10 = arith.cmpi sgt, %jit3A, %sign3A_9 : i32
    %sign3A_11 = arith.extui %sign3A_10 : i1 to i32
    %sign3A_12 = arith.constant 0 : i32
    %sign3A_13 = arith.cmpi slt, %jit3A, %sign3A_12 : i32
    %sign3A_14 = arith.extui %sign3A_13 : i1 to i32
    %sign3A_15 = arith.subi %sign3A_11, %sign3A_14 : i32
    %ne3A = arith.cmpi ne, %sign3A_8, %sign3A_15 : i32
    %rem3A = arith.remsi %mul3A_2, %jit3A : i32
    %ne3A_16 = arith.constant 0 : i32
    %ne3A_17 = arith.cmpi ne, %rem3A, %ne3A_16 : i32
    %and3A = arith.andi %ne3A, %ne3A_17 : i1
    %sub3A = arith.constant 1 : i32
    %sub3A_18 = arith.subi %div3A, %sub3A : i32
    %select_n3A = arith.select %and3A, %sub3A_18, %div3A : i32
    "tpu.region"() ({
      %run_scoped3A = tpu.sem_alloc : memref<!tpu.dma_semaphore, #tpu.memory_space<semaphore_mem>>
      %dma_start3A_60 = arith.constant 0 : i32
      %dma_start3A_61 = arith.constant 0 : i32
      %dma_start3A_62 = tpu.memref_slice %arg2[%add3A, %dma_start3A_60, %dma_start3A_61] : memref<32x77x32xi32, #tpu.memory_space<hbm>> -> memref<1x77x32xi32, #tpu.memory_space<hbm>>
      %dma_start3A_63 = tpu.memref_squeeze %dma_start3A_62 : memref<1x77x32xi32, #tpu.memory_space<hbm>> -> memref<77x32xi32, #tpu.memory_space<hbm>>
      %dma_start3A_64 = arith.constant 0 : i32
      %dma_start3A_65 = arith.constant 0 : i32
      %dma_start3A_66 = tpu.memref_slice %arg2[%add3A, %dma_start3A_64, %dma_start3A_65] : memref<32x77x32xi32, #tpu.memory_space<hbm>> -> memref<1x77x32xi32, #tpu.memory_space<hbm>>
      %dma_start3A_67 = tpu.memref_squeeze %dma_start3A_66 : memref<1x77x32xi32, #tpu.memory_space<hbm>> -> memref<77x32xi32, #tpu.memory_space<hbm>>
      tpu.enqueue_dma source(%dma_start3A_67 : memref<77x32xi32, #tpu.memory_space<hbm>>) target(%arg6 : memref<77x32xi32, #tpu.memory_space<vmem>>) target_semaphore(%run_scoped3A : memref<!tpu.dma_semaphore, #tpu.memory_space<semaphore_mem>>)
      %dma_wait3A_68 = arith.constant 0 : i32
      %dma_wait3A_69 = arith.constant 0 : i32
      %dma_wait3A_70 = tpu.memref_slice %arg2[%add3A, %dma_wait3A_68, %dma_wait3A_69] : memref<32x77x32xi32, #tpu.memory_space<hbm>> -> memref<1x77x32xi32, #tpu.memory_space<hbm>>
      %dma_wait3A_71 = tpu.memref_squeeze %dma_wait3A_70 : memref<1x77x32xi32, #tpu.memory_space<hbm>> -> memref<77x32xi32, #tpu.memory_space<hbm>>
      %dma_wait3A_72 = arith.constant 0 : i32
      %dma_wait3A_73 = arith.constant 0 : i32
      %dma_wait3A_74 = tpu.memref_slice %arg2[%add3A, %dma_wait3A_72, %dma_wait3A_73] : memref<32x77x32xi32, #tpu.memory_space<hbm>> -> memref<1x77x32xi32, #tpu.memory_space<hbm>>
      %dma_wait3A_75 = tpu.memref_squeeze %dma_wait3A_74 : memref<1x77x32xi32, #tpu.memory_space<hbm>> -> memref<77x32xi32, #tpu.memory_space<hbm>>
      tpu.wait_dma2 semaphore(%run_scoped3A : memref<!tpu.dma_semaphore, #tpu.memory_space<semaphore_mem>>) src(%dma_wait3A_75 : memref<77x32xi32, #tpu.memory_space<hbm>>) dst(%arg6 : memref<77x32xi32, #tpu.memory_space<vmem>>)
      tpu.yield
    }) : () -> ()
    "tpu.region"() ({
      %run_scoped3A = tpu.sem_alloc : memref<!tpu.dma_semaphore, #tpu.memory_space<semaphore_mem>>
      %dma_start3A_60 = arith.constant 0 : i32
      %dma_start3A_61 = arith.constant 0 : i32
      %dma_start3A_62 = tpu.memref_slice %arg3[%add3A, %dma_start3A_60, %dma_start3A_61] : memref<32x4x768xf32, #tpu.memory_space<hbm>> -> memref<1x4x768xf32, #tpu.memory_space<hbm>>
      %dma_start3A_63 = tpu.memref_squeeze %dma_start3A_62 : memref<1x4x768xf32, #tpu.memory_space<hbm>> -> memref<4x768xf32, #tpu.memory_space<hbm>>
      %dma_start3A_64 = arith.constant 0 : i32
      %dma_start3A_65 = arith.constant 0 : i32
      %dma_start3A_66 = tpu.memref_slice %arg3[%add3A, %dma_start3A_64, %dma_start3A_65] : memref<32x4x768xf32, #tpu.memory_space<hbm>> -> memref<1x4x768xf32, #tpu.memory_space<hbm>>
      %dma_start3A_67 = tpu.memref_squeeze %dma_start3A_66 : memref<1x4x768xf32, #tpu.memory_space<hbm>> -> memref<4x768xf32, #tpu.memory_space<hbm>>
      tpu.enqueue_dma source(%dma_start3A_67 : memref<4x768xf32, #tpu.memory_space<hbm>>) target(%arg7 : memref<4x768xf32, #tpu.memory_space<vmem>>) target_semaphore(%run_scoped3A : memref<!tpu.dma_semaphore, #tpu.memory_space<semaphore_mem>>)
      %dma_wait3A_68 = arith.constant 0 : i32
      %dma_wait3A_69 = arith.constant 0 : i32
      %dma_wait3A_70 = tpu.memref_slice %arg3[%add3A, %dma_wait3A_68, %dma_wait3A_69] : memref<32x4x768xf32, #tpu.memory_space<hbm>> -> memref<1x4x768xf32, #tpu.memory_space<hbm>>
      %dma_wait3A_71 = tpu.memref_squeeze %dma_wait3A_70 : memref<1x4x768xf32, #tpu.memory_space<hbm>> -> memref<4x768xf32, #tpu.memory_space<hbm>>
      %dma_wait3A_72 = arith.constant 0 : i32
      %dma_wait3A_73 = arith.constant 0 : i32
      %dma_wait3A_74 = tpu.memref_slice %arg3[%add3A, %dma_wait3A_72, %dma_wait3A_73] : memref<32x4x768xf32, #tpu.memory_space<hbm>> -> memref<1x4x768xf32, #tpu.memory_space<hbm>>
      %dma_wait3A_75 = tpu.memref_squeeze %dma_wait3A_74 : memref<1x4x768xf32, #tpu.memory_space<hbm>> -> memref<4x768xf32, #tpu.memory_space<hbm>>
      tpu.wait_dma2 semaphore(%run_scoped3A : memref<!tpu.dma_semaphore, #tpu.memory_space<semaphore_mem>>) src(%dma_wait3A_75 : memref<4x768xf32, #tpu.memory_space<hbm>>) dst(%arg7 : memref<4x768xf32, #tpu.memory_space<vmem>>)
      tpu.yield
    }) : () -> ()
    %dma_start3A = arith.constant 0 : i32
    %dma_start3A_19 = arith.constant 0 : i32
    %dma_start3A_20 = tpu.memref_slice %arg6[%dma_start3A, %dma_start3A_19] : memref<77x32xi32, #tpu.memory_space<vmem>> -> memref<1x32xi32, #tpu.memory_space<vmem>>
    %dma_start3A_21 = tpu.memref_squeeze %dma_start3A_20 : memref<1x32xi32, #tpu.memory_space<vmem>> -> memref<32xi32, #tpu.memory_space<vmem>>
    %dma_start3A_22 = arith.constant 0 : i32
    %dma_start3A_23 = arith.constant 0 : i32
    %dma_start3A_24 = tpu.memref_slice %arg4[%dma_start3A_22, %dma_start3A_23] : memref<49408x768xf32, #tpu.memory_space<hbm>> -> memref<49408x768xf32, #tpu.memory_space<hbm>>
    tpu.enqueue_indirect_dma source(%dma_start3A_24 : memref<49408x768xf32, #tpu.memory_space<hbm>>) target(%arg8 : memref<32x768xf32, #tpu.memory_space<vmem>>) offsets(%dma_start3A_21 : memref<32xi32, #tpu.memory_space<vmem>>) semaphore(%arg12 : memref<!tpu.dma_semaphore, #tpu.memory_space<semaphore_mem>>)
    %dma_start3A_25 = arith.constant 1 : i32
    %dma_start3A_26 = arith.constant 0 : i32
    %dma_start3A_27 = tpu.memref_slice %arg6[%dma_start3A_25, %dma_start3A_26] : memref<77x32xi32, #tpu.memory_space<vmem>> -> memref<1x32xi32, #tpu.memory_space<vmem>>
    %dma_start3A_28 = tpu.memref_squeeze %dma_start3A_27 : memref<1x32xi32, #tpu.memory_space<vmem>> -> memref<32xi32, #tpu.memory_space<vmem>>
    %dma_start3A_29 = arith.constant 0 : i32
    %dma_start3A_30 = arith.constant 0 : i32
    %dma_start3A_31 = tpu.memref_slice %arg4[%dma_start3A_29, %dma_start3A_30] : memref<49408x768xf32, #tpu.memory_space<hbm>> -> memref<49408x768xf32, #tpu.memory_space<hbm>>
    tpu.enqueue_indirect_dma source(%dma_start3A_31 : memref<49408x768xf32, #tpu.memory_space<hbm>>) target(%arg9 : memref<32x768xf32, #tpu.memory_space<vmem>>) offsets(%dma_start3A_28 : memref<32xi32, #tpu.memory_space<vmem>>) semaphore(%arg13 : memref<!tpu.dma_semaphore, #tpu.memory_space<semaphore_mem>>)
    %scan3A = arith.constant 0 : i32
    %scan3A_32 = arith.constant 0 : i32
    %scan3A_33 = arith.constant 20 : i32
    %scan3A_34 = arith.addi %scan3A_32, %scan3A_33 : i32
    %scan3A_35 = arith.constant 1 : i32
    scf.for %scan3A_60 = %scan3A_32 to %scan3A_34 step %scan3A_35  : i32 {
      %mul3A_61 = arith.constant 4 : i32
      %mul3A_62 = arith.muli %mul3A_61, %scan3A_60 : i32
      %add3A_63 = arith.constant 0 : i32
      %add3A_64 = arith.addi %mul3A_62, %add3A_63 : i32
      %add3A_65 = arith.constant 2 : i32
      %add3A_66 = arith.addi %add3A_64, %add3A_65 : i32
      %lt3A = arith.constant 77 : i32
      %lt3A_67 = arith.cmpi slt, %add3A_66, %lt3A : i32
      %convert_element_type3A = arith.extui %lt3A_67 : i1 to i32
      %cond3A = arith.constant 0 : i32
      %cond3A_68 = arith.cmpi ne, %convert_element_type3A, %cond3A : i32
      scf.if %cond3A_68 {
        %ge3A = arith.constant 2 : i32
        %ge3A_122 = arith.cmpi sge, %add3A_64, %ge3A : i32
        %convert_element_type3A_123 = arith.extui %ge3A_122 : i1 to i32
        %cond3A_124 = arith.constant 0 : i32
        %cond3A_125 = arith.cmpi ne, %convert_element_type3A_123, %cond3A_124 : i32
        scf.if %cond3A_125 {
          %add3A_134 = arith.constant 2 : i32
          %add3A_135 = arith.addi %add3A_64, %add3A_134 : i32
          %sub3A_136 = arith.constant 4 : i32
          %sub3A_137 = arith.subi %add3A_135, %sub3A_136 : i32
          %mul3A_138 = arith.constant 32 : i32
          %mul3A_139 = arith.muli %sub3A_137, %mul3A_138 : i32
          %add3A_140 = arith.addi %mul3A_2, %mul3A_139 : i32
          %dma_wait3A_141 = arith.constant 0 : i32
          %dma_wait3A_142 = tpu.memref_slice %arg5[%add3A_140, %dma_wait3A_141] : memref<78848x768xf32, #tpu.memory_space<hbm>> -> memref<32x768xf32, #tpu.memory_space<hbm>>
          %dma_wait3A_143 = arith.constant 0 : i32
          %dma_wait3A_144 = tpu.memref_slice %arg5[%add3A_140, %dma_wait3A_143] : memref<78848x768xf32, #tpu.memory_space<hbm>> -> memref<32x768xf32, #tpu.memory_space<hbm>>
          tpu.wait_dma2 semaphore(%arg18 : memref<!tpu.dma_semaphore, #tpu.memory_space<semaphore_mem>>) src(%arg10 : memref<32x768xf32, #tpu.memory_space<vmem>>) dst(%dma_wait3A_144 : memref<32x768xf32, #tpu.memory_space<hbm>>)
        } else {
        }
        %add3A_126 = arith.constant 2 : i32
        %add3A_127 = arith.addi %add3A_64, %add3A_126 : i32
        %dma_start3A_128 = arith.constant 0 : i32
        %dma_start3A_129 = tpu.memref_slice %arg6[%add3A_127, %dma_start3A_128] : memref<77x32xi32, #tpu.memory_space<vmem>> -> memref<1x32xi32, #tpu.memory_space<vmem>>
        %dma_start3A_130 = tpu.memref_squeeze %dma_start3A_129 : memref<1x32xi32, #tpu.memory_space<vmem>> -> memref<32xi32, #tpu.memory_space<vmem>>
        %dma_start3A_131 = arith.constant 0 : i32
        %dma_start3A_132 = arith.constant 0 : i32
        %dma_start3A_133 = tpu.memref_slice %arg4[%dma_start3A_131, %dma_start3A_132] : memref<49408x768xf32, #tpu.memory_space<hbm>> -> memref<49408x768xf32, #tpu.memory_space<hbm>>
        tpu.enqueue_indirect_dma source(%dma_start3A_133 : memref<49408x768xf32, #tpu.memory_space<hbm>>) target(%arg10 : memref<32x768xf32, #tpu.memory_space<vmem>>) offsets(%dma_start3A_130 : memref<32xi32, #tpu.memory_space<vmem>>) semaphore(%arg14 : memref<!tpu.dma_semaphore, #tpu.memory_space<semaphore_mem>>)
      } else {
      }
      %lt3A_69 = arith.constant 77 : i32
      %lt3A_70 = arith.cmpi slt, %add3A_64, %lt3A_69 : i32
      %convert_element_type3A_71 = arith.extui %lt3A_70 : i1 to i32
      %cond3A_72 = arith.constant 0 : i32
      %cond3A_73 = arith.cmpi ne, %convert_element_type3A_71, %cond3A_72 : i32
      scf.if %cond3A_73 {
        %dma_wait3A_122 = arith.constant 0 : i32
        %dma_wait3A_123 = tpu.memref_slice %arg6[%add3A_64, %dma_wait3A_122] : memref<77x32xi32, #tpu.memory_space<vmem>> -> memref<1x32xi32, #tpu.memory_space<vmem>>
        %dma_wait3A_124 = tpu.memref_squeeze %dma_wait3A_123 : memref<1x32xi32, #tpu.memory_space<vmem>> -> memref<32xi32, #tpu.memory_space<vmem>>
        %dma_wait3A_125 = arith.constant 0 : i32
        %dma_wait3A_126 = arith.constant 0 : i32
        %dma_wait3A_127 = tpu.memref_slice %arg4[%dma_wait3A_125, %dma_wait3A_126] : memref<49408x768xf32, #tpu.memory_space<hbm>> -> memref<49408x768xf32, #tpu.memory_space<hbm>>
        tpu.wait_indirect_dma semaphore(%arg12 : memref<!tpu.dma_semaphore, #tpu.memory_space<semaphore_mem>>) src(%dma_wait3A_127 : memref<49408x768xf32, #tpu.memory_space<hbm>>) dst(%arg8 : memref<32x768xf32, #tpu.memory_space<vmem>>)
        %mul3A_128 = arith.constant 32 : i32
        %mul3A_129 = arith.muli %add3A_64, %mul3A_128 : i32
        %add3A_130 = arith.addi %mul3A_2, %mul3A_129 : i32
        %jit3A_131 = arith.constant 1024 : i32
        %div3A_132 = arith.divsi %add3A_130, %jit3A_131 : i32
        %sign3A_133 = arith.constant 0 : i32
        %sign3A_134 = arith.cmpi sgt, %add3A_130, %sign3A_133 : i32
        %sign3A_135 = arith.extui %sign3A_134 : i1 to i32
        %sign3A_136 = arith.constant 0 : i32
        %sign3A_137 = arith.cmpi slt, %add3A_130, %sign3A_136 : i32
        %sign3A_138 = arith.extui %sign3A_137 : i1 to i32
        %sign3A_139 = arith.subi %sign3A_135, %sign3A_138 : i32
        %sign3A_140 = arith.constant 0 : i32
        %sign3A_141 = arith.cmpi sgt, %jit3A_131, %sign3A_140 : i32
        %sign3A_142 = arith.extui %sign3A_141 : i1 to i32
        %sign3A_143 = arith.constant 0 : i32
        %sign3A_144 = arith.cmpi slt, %jit3A_131, %sign3A_143 : i32
        %sign3A_145 = arith.extui %sign3A_144 : i1 to i32
        %sign3A_146 = arith.subi %sign3A_142, %sign3A_145 : i32
        %ne3A_147 = arith.cmpi ne, %sign3A_139, %sign3A_146 : i32
        %rem3A_148 = arith.remsi %add3A_130, %jit3A_131 : i32
        %ne3A_149 = arith.constant 0 : i32
        %ne3A_150 = arith.cmpi ne, %rem3A_148, %ne3A_149 : i32
        %and3A_151 = arith.andi %ne3A_147, %ne3A_150 : i1
        %sub3A_152 = arith.constant 1 : i32
        %sub3A_153 = arith.subi %div3A_132, %sub3A_152 : i32
        %select_n3A_154 = arith.select %and3A_151, %sub3A_153, %div3A_132 : i32
        %sub3A_155 = arith.subi %select_n3A_154, %select_n3A : i32
        %get3A = arith.index_cast %sub3A_155 : i32 to index
        %get3A_156 = arith.constant 0 : index
        %get3A_157 = tpu.vector_load %arg7[%get3A, %get3A_156] {strides = array<i32>} : memref<4x768xf32, #tpu.memory_space<vmem>>, vector<1x16xf32>,
        %get3A_158 = vector.shape_cast %get3A_157 : vector<1x16xf32> to vector<16xf32>
        %get3A_159 = arith.index_cast %sub3A_155 : i32 to index
        %get3A_160 = arith.constant 16 : index
        %get3A_161 = tpu.vector_load %arg7[%get3A_159, %get3A_160] {strides = array<i32>} : memref<4x768xf32, #tpu.memory_space<vmem>>, vector<1x16xf32>,
        %get3A_162 = vector.shape_cast %get3A_161 : vector<1x16xf32> to vector<16xf32>
        %get3A_163 = arith.index_cast %sub3A_155 : i32 to index
        %get3A_164 = arith.constant 32 : index
        %get3A_165 = tpu.vector_load %arg7[%get3A_163, %get3A_164] {strides = array<i32>} : memref<4x768xf32, #tpu.memory_space<vmem>>, vector<1x16xf32>,
        %get3A_166 = vector.shape_cast %get3A_165 : vector<1x16xf32> to vector<16xf32>
        %get3A_167 = arith.index_cast %sub3A_155 : i32 to index
        %get3A_168 = arith.constant 48 : index
        %get3A_169 = tpu.vector_load %arg7[%get3A_167, %get3A_168] {strides = array<i32>} : memref<4x768xf32, #tpu.memory_space<vmem>>, vector<1x16xf32>,
        %get3A_170 = vector.shape_cast %get3A_169 : vector<1x16xf32> to vector<16xf32>
        %get3A_171 = arith.index_cast %sub3A_155 : i32 to index
        %get3A_172 = arith.constant 64 : index
        %get3A_173 = tpu.vector_load %arg7[%get3A_171, %get3A_172] {strides = array<i32>} : memref<4x768xf32, #tpu.memory_space<vmem>>, vector<1x16xf32>,
        %get3A_174 = vector.shape_cast %get3A_173 : vector<1x16xf32> to vector<16xf32>
        %get3A_175 = arith.index_cast %sub3A_155 : i32 to index
        %get3A_176 = arith.constant 80 : index
        %get3A_177 = tpu.vector_load %arg7[%get3A_175, %get3A_176] {strides = array<i32>} : memref<4x768xf32, #tpu.memory_space<vmem>>, vector<1x16xf32>,
        %get3A_178 = vector.shape_cast %get3A_177 : vector<1x16xf32> to vector<16xf32>
        %get3A_179 = arith.index_cast %sub3A_155 : i32 to index
        %get3A_180 = arith.constant 96 : index
        %get3A_181 = tpu.vector_load %arg7[%get3A_179, %get3A_180] {strides = array<i32>} : memref<4x768xf32, #tpu.memory_space<vmem>>, vector<1x16xf32>,
        %get3A_182 = vector.shape_cast %get3A_181 : vector<1x16xf32> to vector<16xf32>
        %get3A_183 = arith.index_cast %sub3A_155 : i32 to index
        %get3A_184 = arith.constant 112 : index
        %get3A_185 = tpu.vector_load %arg7[%get3A_183, %get3A_184] {strides = array<i32>} : memref<4x768xf32, #tpu.memory_space<vmem>>, vector<1x16xf32>,
        %get3A_186 = vector.shape_cast %get3A_185 : vector<1x16xf32> to vector<16xf32>
        %get3A_187 = arith.index_cast %sub3A_155 : i32 to index
        %get3A_188 = arith.constant 128 : index
        %get3A_189 = tpu.vector_load %arg7[%get3A_187, %get3A_188] {strides = array<i32>} : memref<4x768xf32, #tpu.memory_space<vmem>>, vector<1x16xf32>,
        %get3A_190 = vector.shape_cast %get3A_189 : vector<1x16xf32> to vector<16xf32>
        %get3A_191 = arith.index_cast %sub3A_155 : i32 to index
        %get3A_192 = arith.constant 144 : index
        %get3A_193 = tpu.vector_load %arg7[%get3A_191, %get3A_192] {strides = array<i32>} : memref<4x768xf32, #tpu.memory_space<vmem>>, vector<1x16xf32>,
        %get3A_194 = vector.shape_cast %get3A_193 : vector<1x16xf32> to vector<16xf32>
        %get3A_195 = arith.index_cast %sub3A_155 : i32 to index
        %get3A_196 = arith.constant 160 : index
        %get3A_197 = tpu.vector_load %arg7[%get3A_195, %get3A_196] {strides = array<i32>} : memref<4x768xf32, #tpu.memory_space<vmem>>, vector<1x16xf32>,
        %get3A_198 = vector.shape_cast %get3A_197 : vector<1x16xf32> to vector<16xf32>
        %get3A_199 = arith.index_cast %sub3A_155 : i32 to index
        %get3A_200 = arith.constant 176 : index
        %get3A_201 = tpu.vector_load %arg7[%get3A_199, %get3A_200] {strides = array<i32>} : memref<4x768xf32, #tpu.memory_space<vmem>>, vector<1x16xf32>,
        %get3A_202 = vector.shape_cast %get3A_201 : vector<1x16xf32> to vector<16xf32>
        %get3A_203 = arith.index_cast %sub3A_155 : i32 to index
        %get3A_204 = arith.constant 192 : index
        %get3A_205 = tpu.vector_load %arg7[%get3A_203, %get3A_204] {strides = array<i32>} : memref<4x768xf32, #tpu.memory_space<vmem>>, vector<1x16xf32>,
        %get3A_206 = vector.shape_cast %get3A_205 : vector<1x16xf32> to vector<16xf32>
        %get3A_207 = arith.index_cast %sub3A_155 : i32 to index
        %get3A_208 = arith.constant 208 : index
        %get3A_209 = tpu.vector_load %arg7[%get3A_207, %get3A_208] {strides = array<i32>} : memref<4x768xf32, #tpu.memory_space<vmem>>, vector<1x16xf32>,
        %get3A_210 = vector.shape_cast %get3A_209 : vector<1x16xf32> to vector<16xf32>
        %get3A_211 = arith.index_cast %sub3A_155 : i32 to index
        %get3A_212 = arith.constant 224 : index
        %get3A_213 = tpu.vector_load %arg7[%get3A_211, %get3A_212] {strides = array<i32>} : memref<4x768xf32, #tpu.memory_space<vmem>>, vector<1x16xf32>,
        %get3A_214 = vector.shape_cast %get3A_213 : vector<1x16xf32> to vector<16xf32>
        %get3A_215 = arith.index_cast %sub3A_155 : i32 to index
        %get3A_216 = arith.constant 240 : index
        %get3A_217 = tpu.vector_load %arg7[%get3A_215, %get3A_216] {strides = array<i32>} : memref<4x768xf32, #tpu.memory_space<vmem>>, vector<1x16xf32>,
        %get3A_218 = vector.shape_cast %get3A_217 : vector<1x16xf32> to vector<16xf32>
        %get3A_219 = arith.index_cast %sub3A_155 : i32 to index
        %get3A_220 = arith.constant 256 : index
        %get3A_221 = tpu.vector_load %arg7[%get3A_219, %get3A_220] {strides = array<i32>} : memref<4x768xf32, #tpu.memory_space<vmem>>, vector<1x16xf32>,
        %get3A_222 = vector.shape_cast %get3A_221 : vector<1x16xf32> to vector<16xf32>
        %get3A_223 = arith.index_cast %sub3A_155 : i32 to index
        %get3A_224 = arith.constant 272 : index
        %get3A_225 = tpu.vector_load %arg7[%get3A_223, %get3A_224] {strides = array<i32>} : memref<4x768xf32, #tpu.memory_space<vmem>>, vector<1x16xf32>,
        %get3A_226 = vector.shape_cast %get3A_225 : vector<1x16xf32> to vector<16xf32>
        %get3A_227 = arith.index_cast %sub3A_155 : i32 to index
        %get3A_228 = arith.constant 288 : index
        %get3A_229 = tpu.vector_load %arg7[%get3A_227, %get3A_228] {strides = array<i32>} : memref<4x768xf32, #tpu.memory_space<vmem>>, vector<1x16xf32>,
        %get3A_230 = vector.shape_cast %get3A_229 : vector<1x16xf32> to vector<16xf32>
        %get3A_231 = arith.index_cast %sub3A_155 : i32 to index
        %get3A_232 = arith.constant 304 : index
        %get3A_233 = tpu.vector_load %arg7[%get3A_231, %get3A_232] {strides = array<i32>} : memref<4x768xf32, #tpu.memory_space<vmem>>, vector<1x16xf32>,
        %get3A_234 = vector.shape_cast %get3A_233 : vector<1x16xf32> to vector<16xf32>
        %get3A_235 = arith.index_cast %sub3A_155 : i32 to index
        %get3A_236 = arith.constant 320 : index
        %get3A_237 = tpu.vector_load %arg7[%get3A_235, %get3A_236] {strides = array<i32>} : memref<4x768xf32, #tpu.memory_space<vmem>>, vector<1x16xf32>,
        %get3A_238 = vector.shape_cast %get3A_237 : vector<1x16xf32> to vector<16xf32>
        %get3A_239 = arith.index_cast %sub3A_155 : i32 to index
        %get3A_240 = arith.constant 336 : index
        %get3A_241 = tpu.vector_load %arg7[%get3A_239, %get3A_240] {strides = array<i32>} : memref<4x768xf32, #tpu.memory_space<vmem>>, vector<1x16xf32>,
        %get3A_242 = vector.shape_cast %get3A_241 : vector<1x16xf32> to vector<16xf32>
        %get3A_243 = arith.index_cast %sub3A_155 : i32 to index
        %get3A_244 = arith.constant 352 : index
        %get3A_245 = tpu.vector_load %arg7[%get3A_243, %get3A_244] {strides = array<i32>} : memref<4x768xf32, #tpu.memory_space<vmem>>, vector<1x16xf32>,
        %get3A_246 = vector.shape_cast %get3A_245 : vector<1x16xf32> to vector<16xf32>
        %get3A_247 = arith.index_cast %sub3A_155 : i32 to index
        %get3A_248 = arith.constant 368 : index
        %get3A_249 = tpu.vector_load %arg7[%get3A_247, %get3A_248] {strides = array<i32>} : memref<4x768xf32, #tpu.memory_space<vmem>>, vector<1x16xf32>,
        %get3A_250 = vector.shape_cast %get3A_249 : vector<1x16xf32> to vector<16xf32>
        %get3A_251 = arith.index_cast %sub3A_155 : i32 to index
        %get3A_252 = arith.constant 384 : index
        %get3A_253 = tpu.vector_load %arg7[%get3A_251, %get3A_252] {strides = array<i32>} : memref<4x768xf32, #tpu.memory_space<vmem>>, vector<1x16xf32>,
        %get3A_254 = vector.shape_cast %get3A_253 : vector<1x16xf32> to vector<16xf32>
        %get3A_255 = arith.index_cast %sub3A_155 : i32 to index
        %get3A_256 = arith.constant 400 : index
        %get3A_257 = tpu.vector_load %arg7[%get3A_255, %get3A_256] {strides = array<i32>} : memref<4x768xf32, #tpu.memory_space<vmem>>, vector<1x16xf32>,
        %get3A_258 = vector.shape_cast %get3A_257 : vector<1x16xf32> to vector<16xf32>
        %get3A_259 = arith.index_cast %sub3A_155 : i32 to index
        %get3A_260 = arith.constant 416 : index
        %get3A_261 = tpu.vector_load %arg7[%get3A_259, %get3A_260] {strides = array<i32>} : memref<4x768xf32, #tpu.memory_space<vmem>>, vector<1x16xf32>,
        %get3A_262 = vector.shape_cast %get3A_261 : vector<1x16xf32> to vector<16xf32>
        %get3A_263 = arith.index_cast %sub3A_155 : i32 to index
        %get3A_264 = arith.constant 432 : index
        %get3A_265 = tpu.vector_load %arg7[%get3A_263, %get3A_264] {strides = array<i32>} : memref<4x768xf32, #tpu.memory_space<vmem>>, vector<1x16xf32>,
        %get3A_266 = vector.shape_cast %get3A_265 : vector<1x16xf32> to vector<16xf32>
        %get3A_267 = arith.index_cast %sub3A_155 : i32 to index
        %get3A_268 = arith.constant 448 : index
        %get3A_269 = tpu.vector_load %arg7[%get3A_267, %get3A_268] {strides = array<i32>} : memref<4x768xf32, #tpu.memory_space<vmem>>, vector<1x16xf32>,
        %get3A_270 = vector.shape_cast %get3A_269 : vector<1x16xf32> to vector<16xf32>
        %get3A_271 = arith.index_cast %sub3A_155 : i32 to index
        %get3A_272 = arith.constant 464 : index
        %get3A_273 = tpu.vector_load %arg7[%get3A_271, %get3A_272] {strides = array<i32>} : memref<4x768xf32, #tpu.memory_space<vmem>>, vector<1x16xf32>,
        %get3A_274 = vector.shape_cast %get3A_273 : vector<1x16xf32> to vector<16xf32>
        %get3A_275 = arith.index_cast %sub3A_155 : i32 to index
        %get3A_276 = arith.constant 480 : index
        %get3A_277 = tpu.vector_load %arg7[%get3A_275, %get3A_276] {strides = array<i32>} : memref<4x768xf32, #tpu.memory_space<vmem>>, vector<1x16xf32>,
        %get3A_278 = vector.shape_cast %get3A_277 : vector<1x16xf32> to vector<16xf32>
        %get3A_279 = arith.index_cast %sub3A_155 : i32 to index
        %get3A_280 = arith.constant 496 : index
        %get3A_281 = tpu.vector_load %arg7[%get3A_279, %get3A_280] {strides = array<i32>} : memref<4x768xf32, #tpu.memory_space<vmem>>, vector<1x16xf32>,
        %get3A_282 = vector.shape_cast %get3A_281 : vector<1x16xf32> to vector<16xf32>
        %get3A_283 = arith.index_cast %sub3A_155 : i32 to index
        %get3A_284 = arith.constant 512 : index
        %get3A_285 = tpu.vector_load %arg7[%get3A_283, %get3A_284] {strides = array<i32>} : memref<4x768xf32, #tpu.memory_space<vmem>>, vector<1x16xf32>,
        %get3A_286 = vector.shape_cast %get3A_285 : vector<1x16xf32> to vector<16xf32>
        %get3A_287 = arith.index_cast %sub3A_155 : i32 to index
        %get3A_288 = arith.constant 528 : index
        %get3A_289 = tpu.vector_load %arg7[%get3A_287, %get3A_288] {strides = array<i32>} : memref<4x768xf32, #tpu.memory_space<vmem>>, vector<1x16xf32>,
        %get3A_290 = vector.shape_cast %get3A_289 : vector<1x16xf32> to vector<16xf32>
        %get3A_291 = arith.index_cast %sub3A_155 : i32 to index
        %get3A_292 = arith.constant 544 : index
        %get3A_293 = tpu.vector_load %arg7[%get3A_291, %get3A_292] {strides = array<i32>} : memref<4x768xf32, #tpu.memory_space<vmem>>, vector<1x16xf32>,
        %get3A_294 = vector.shape_cast %get3A_293 : vector<1x16xf32> to vector<16xf32>
        %get3A_295 = arith.index_cast %sub3A_155 : i32 to index
        %get3A_296 = arith.constant 560 : index
        %get3A_297 = tpu.vector_load %arg7[%get3A_295, %get3A_296] {strides = array<i32>} : memref<4x768xf32, #tpu.memory_space<vmem>>, vector<1x16xf32>,
        %get3A_298 = vector.shape_cast %get3A_297 : vector<1x16xf32> to vector<16xf32>
        %get3A_299 = arith.index_cast %sub3A_155 : i32 to index
        %get3A_300 = arith.constant 576 : index
        %get3A_301 = tpu.vector_load %arg7[%get3A_299, %get3A_300] {strides = array<i32>} : memref<4x768xf32, #tpu.memory_space<vmem>>, vector<1x16xf32>,
        %get3A_302 = vector.shape_cast %get3A_301 : vector<1x16xf32> to vector<16xf32>
        %get3A_303 = arith.index_cast %sub3A_155 : i32 to index
        %get3A_304 = arith.constant 592 : index
        %get3A_305 = tpu.vector_load %arg7[%get3A_303, %get3A_304] {strides = array<i32>} : memref<4x768xf32, #tpu.memory_space<vmem>>, vector<1x16xf32>,
        %get3A_306 = vector.shape_cast %get3A_305 : vector<1x16xf32> to vector<16xf32>
        %get3A_307 = arith.index_cast %sub3A_155 : i32 to index
        %get3A_308 = arith.constant 608 : index
        %get3A_309 = tpu.vector_load %arg7[%get3A_307, %get3A_308] {strides = array<i32>} : memref<4x768xf32, #tpu.memory_space<vmem>>, vector<1x16xf32>,
        %get3A_310 = vector.shape_cast %get3A_309 : vector<1x16xf32> to vector<16xf32>
        %get3A_311 = arith.index_cast %sub3A_155 : i32 to index
        %get3A_312 = arith.constant 624 : index
        %get3A_313 = tpu.vector_load %arg7[%get3A_311, %get3A_312] {strides = array<i32>} : memref<4x768xf32, #tpu.memory_space<vmem>>, vector<1x16xf32>,
        %get3A_314 = vector.shape_cast %get3A_313 : vector<1x16xf32> to vector<16xf32>
        %get3A_315 = arith.index_cast %sub3A_155 : i32 to index
        %get3A_316 = arith.constant 640 : index
        %get3A_317 = tpu.vector_load %arg7[%get3A_315, %get3A_316] {strides = array<i32>} : memref<4x768xf32, #tpu.memory_space<vmem>>, vector<1x16xf32>,
        %get3A_318 = vector.shape_cast %get3A_317 : vector<1x16xf32> to vector<16xf32>
        %get3A_319 = arith.index_cast %sub3A_155 : i32 to index
        %get3A_320 = arith.constant 656 : index
        %get3A_321 = tpu.vector_load %arg7[%get3A_319, %get3A_320] {strides = array<i32>} : memref<4x768xf32, #tpu.memory_space<vmem>>, vector<1x16xf32>,
        %get3A_322 = vector.shape_cast %get3A_321 : vector<1x16xf32> to vector<16xf32>
        %get3A_323 = arith.index_cast %sub3A_155 : i32 to index
        %get3A_324 = arith.constant 672 : index
        %get3A_325 = tpu.vector_load %arg7[%get3A_323, %get3A_324] {strides = array<i32>} : memref<4x768xf32, #tpu.memory_space<vmem>>, vector<1x16xf32>,
        %get3A_326 = vector.shape_cast %get3A_325 : vector<1x16xf32> to vector<16xf32>
        %get3A_327 = arith.index_cast %sub3A_155 : i32 to index
        %get3A_328 = arith.constant 688 : index
        %get3A_329 = tpu.vector_load %arg7[%get3A_327, %get3A_328] {strides = array<i32>} : memref<4x768xf32, #tpu.memory_space<vmem>>, vector<1x16xf32>,
        %get3A_330 = vector.shape_cast %get3A_329 : vector<1x16xf32> to vector<16xf32>
        %get3A_331 = arith.index_cast %sub3A_155 : i32 to index
        %get3A_332 = arith.constant 704 : index
        %get3A_333 = tpu.vector_load %arg7[%get3A_331, %get3A_332] {strides = array<i32>} : memref<4x768xf32, #tpu.memory_space<vmem>>, vector<1x16xf32>,
        %get3A_334 = vector.shape_cast %get3A_333 : vector<1x16xf32> to vector<16xf32>
        %get3A_335 = arith.index_cast %sub3A_155 : i32 to index
        %get3A_336 = arith.constant 720 : index
        %get3A_337 = tpu.vector_load %arg7[%get3A_335, %get3A_336] {strides = array<i32>} : memref<4x768xf32, #tpu.memory_space<vmem>>, vector<1x16xf32>,
        %get3A_338 = vector.shape_cast %get3A_337 : vector<1x16xf32> to vector<16xf32>
        %get3A_339 = arith.index_cast %sub3A_155 : i32 to index
        %get3A_340 = arith.constant 736 : index
        %get3A_341 = tpu.vector_load %arg7[%get3A_339, %get3A_340] {strides = array<i32>} : memref<4x768xf32, #tpu.memory_space<vmem>>, vector<1x16xf32>,
        %get3A_342 = vector.shape_cast %get3A_341 : vector<1x16xf32> to vector<16xf32>
        %get3A_343 = arith.index_cast %sub3A_155 : i32 to index
        %get3A_344 = arith.constant 752 : index
        %get3A_345 = tpu.vector_load %arg7[%get3A_343, %get3A_344] {strides = array<i32>} : memref<4x768xf32, #tpu.memory_space<vmem>>, vector<1x16xf32>,
        %get3A_346 = vector.shape_cast %get3A_345 : vector<1x16xf32> to vector<16xf32>
        %scan3A_347 = arith.constant 0 : i32
        %scan3A_348 = arith.constant 32 : i32
        %scan3A_349 = arith.addi %scan3A_347, %scan3A_348 : i32
        %scan3A_350 = arith.constant 1 : i32
        scf.for %scan3A_359 = %scan3A_347 to %scan3A_349 step %scan3A_350  : i32 {
          %swap3A = arith.index_cast %scan3A_359 : i32 to index
          %swap3A_360 = arith.constant 0 : index
          %swap3A_361 = tpu.vector_load %arg8[%swap3A, %swap3A_360] {strides = array<i32>} : memref<32x768xf32, #tpu.memory_space<vmem>>, vector<1x16xf32>,
          %swap3A_362 = vector.shape_cast %swap3A_361 : vector<1x16xf32> to vector<16xf32>
          %swap3A_363 = vector.shape_cast %get3A_158 : vector<16xf32> to vector<1x16xf32>
          tpu.vector_store %arg8[%swap3A, %swap3A_360], %swap3A_363 {add = true, strides = array<i32>} : memref<32x768xf32, #tpu.memory_space<vmem>>, vector<1x16xf32>,
          %swap3A_364 = arith.index_cast %scan3A_359 : i32 to index
          %swap3A_365 = arith.constant 16 : index
          %swap3A_366 = tpu.vector_load %arg8[%swap3A_364, %swap3A_365] {strides = array<i32>} : memref<32x768xf32, #tpu.memory_space<vmem>>, vector<1x16xf32>,
          %swap3A_367 = vector.shape_cast %swap3A_366 : vector<1x16xf32> to vector<16xf32>
          %swap3A_368 = vector.shape_cast %get3A_162 : vector<16xf32> to vector<1x16xf32>
          tpu.vector_store %arg8[%swap3A_364, %swap3A_365], %swap3A_368 {add = true, strides = array<i32>} : memref<32x768xf32, #tpu.memory_space<vmem>>, vector<1x16xf32>,
          %swap3A_369 = arith.index_cast %scan3A_359 : i32 to index
          %swap3A_370 = arith.constant 32 : index
          %swap3A_371 = tpu.vector_load %arg8[%swap3A_369, %swap3A_370] {strides = array<i32>} : memref<32x768xf32, #tpu.memory_space<vmem>>, vector<1x16xf32>,
          %swap3A_372 = vector.shape_cast %swap3A_371 : vector<1x16xf32> to vector<16xf32>
          %swap3A_373 = vector.shape_cast %get3A_166 : vector<16xf32> to vector<1x16xf32>
          tpu.vector_store %arg8[%swap3A_369, %swap3A_370], %swap3A_373 {add = true, strides = array<i32>} : memref<32x768xf32, #tpu.memory_space<vmem>>, vector<1x16xf32>,
          %swap3A_374 = arith.index_cast %scan3A_359 : i32 to index
          %swap3A_375 = arith.constant 48 : index
          %swap3A_376 = tpu.vector_load %arg8[%swap3A_374, %swap3A_375] {strides = array<i32>} : memref<32x768xf32, #tpu.memory_space<vmem>>, vector<1x16xf32>,
          %swap3A_377 = vector.shape_cast %swap3A_376 : vector<1x16xf32> to vector<16xf32>
          %swap3A_378 = vector.shape_cast %get3A_170 : vector<16xf32> to vector<1x16xf32>
          tpu.vector_store %arg8[%swap3A_374, %swap3A_375], %swap3A_378 {add = true, strides = array<i32>} : memref<32x768xf32, #tpu.memory_space<vmem>>, vector<1x16xf32>,
          %swap3A_379 = arith.index_cast %scan3A_359 : i32 to index
          %swap3A_380 = arith.constant 64 : index
          %swap3A_381 = tpu.vector_load %arg8[%swap3A_379, %swap3A_380] {strides = array<i32>} : memref<32x768xf32, #tpu.memory_space<vmem>>, vector<1x16xf32>,
          %swap3A_382 = vector.shape_cast %swap3A_381 : vector<1x16xf32> to vector<16xf32>
          %swap3A_383 = vector.shape_cast %get3A_174 : vector<16xf32> to vector<1x16xf32>
          tpu.vector_store %arg8[%swap3A_379, %swap3A_380], %swap3A_383 {add = true, strides = array<i32>} : memref<32x768xf32, #tpu.memory_space<vmem>>, vector<1x16xf32>,
          %swap3A_384 = arith.index_cast %scan3A_359 : i32 to index
          %swap3A_385 = arith.constant 80 : index
          %swap3A_386 = tpu.vector_load %arg8[%swap3A_384, %swap3A_385] {strides = array<i32>} : memref<32x768xf32, #tpu.memory_space<vmem>>, vector<1x16xf32>,
          %swap3A_387 = vector.shape_cast %swap3A_386 : vector<1x16xf32> to vector<16xf32>
          %swap3A_388 = vector.shape_cast %get3A_178 : vector<16xf32> to vector<1x16xf32>
          tpu.vector_store %arg8[%swap3A_384, %swap3A_385], %swap3A_388 {add = true, strides = array<i32>} : memref<32x768xf32, #tpu.memory_space<vmem>>, vector<1x16xf32>,
          %swap3A_389 = arith.index_cast %scan3A_359 : i32 to index
          %swap3A_390 = arith.constant 96 : index
          %swap3A_391 = tpu.vector_load %arg8[%swap3A_389, %swap3A_390] {strides = array<i32>} : memref<32x768xf32, #tpu.memory_space<vmem>>, vector<1x16xf32>,
          %swap3A_392 = vector.shape_cast %swap3A_391 : vector<1x16xf32> to vector<16xf32>
          %swap3A_393 = vector.shape_cast %get3A_182 : vector<16xf32> to vector<1x16xf32>
          tpu.vector_store %arg8[%swap3A_389, %swap3A_390], %swap3A_393 {add = true, strides = array<i32>} : memref<32x768xf32, #tpu.memory_space<vmem>>, vector<1x16xf32>,
          %swap3A_394 = arith.index_cast %scan3A_359 : i32 to index
          %swap3A_395 = arith.constant 112 : index
          %swap3A_396 = tpu.vector_load %arg8[%swap3A_394, %swap3A_395] {strides = array<i32>} : memref<32x768xf32, #tpu.memory_space<vmem>>, vector<1x16xf32>,
          %swap3A_397 = vector.shape_cast %swap3A_396 : vector<1x16xf32> to vector<16xf32>
          %swap3A_398 = vector.shape_cast %get3A_186 : vector<16xf32> to vector<1x16xf32>
          tpu.vector_store %arg8[%swap3A_394, %swap3A_395], %swap3A_398 {add = true, strides = array<i32>} : memref<32x768xf32, #tpu.memory_space<vmem>>, vector<1x16xf32>,
          %swap3A_399 = arith.index_cast %scan3A_359 : i32 to index
          %swap3A_400 = arith.constant 128 : index
          %swap3A_401 = tpu.vector_load %arg8[%swap3A_399, %swap3A_400] {strides = array<i32>} : memref<32x768xf32, #tpu.memory_space<vmem>>, vector<1x16xf32>,
          %swap3A_402 = vector.shape_cast %swap3A_401 : vector<1x16xf32> to vector<16xf32>
          %swap3A_403 = vector.shape_cast %get3A_190 : vector<16xf32> to vector<1x16xf32>
          tpu.vector_store %arg8[%swap3A_399, %swap3A_400], %swap3A_403 {add = true, strides = array<i32>} : memref<32x768xf32, #tpu.memory_space<vmem>>, vector<1x16xf32>,
          %swap3A_404 = arith.index_cast %scan3A_359 : i32 to index
          %swap3A_405 = arith.constant 144 : index
          %swap3A_406 = tpu.vector_load %arg8[%swap3A_404, %swap3A_405] {strides = array<i32>} : memref<32x768xf32, #tpu.memory_space<vmem>>, vector<1x16xf32>,
          %swap3A_407 = vector.shape_cast %swap3A_406 : vector<1x16xf32> to vector<16xf32>
          %swap3A_408 = vector.shape_cast %get3A_194 : vector<16xf32> to vector<1x16xf32>
          tpu.vector_store %arg8[%swap3A_404, %swap3A_405], %swap3A_408 {add = true, strides = array<i32>} : memref<32x768xf32, #tpu.memory_space<vmem>>, vector<1x16xf32>,
          %swap3A_409 = arith.index_cast %scan3A_359 : i32 to index
          %swap3A_410 = arith.constant 160 : index
          %swap3A_411 = tpu.vector_load %arg8[%swap3A_409, %swap3A_410] {strides = array<i32>} : memref<32x768xf32, #tpu.memory_space<vmem>>, vector<1x16xf32>,
          %swap3A_412 = vector.shape_cast %swap3A_411 : vector<1x16xf32> to vector<16xf32>
          %swap3A_413 = vector.shape_cast %get3A_198 : vector<16xf32> to vector<1x16xf32>
          tpu.vector_store %arg8[%swap3A_409, %swap3A_410], %swap3A_413 {add = true, strides = array<i32>} : memref<32x768xf32, #tpu.memory_space<vmem>>, vector<1x16xf32>,
          %swap3A_414 = arith.index_cast %scan3A_359 : i32 to index
          %swap3A_415 = arith.constant 176 : index
          %swap3A_416 = tpu.vector_load %arg8[%swap3A_414, %swap3A_415] {strides = array<i32>} : memref<32x768xf32, #tpu.memory_space<vmem>>, vector<1x16xf32>,
          %swap3A_417 = vector.shape_cast %swap3A_416 : vector<1x16xf32> to vector<16xf32>
          %swap3A_418 = vector.shape_cast %get3A_202 : vector<16xf32> to vector<1x16xf32>
          tpu.vector_store %arg8[%swap3A_414, %swap3A_415], %swap3A_418 {add = true, strides = array<i32>} : memref<32x768xf32, #tpu.memory_space<vmem>>, vector<1x16xf32>,
          %swap3A_419 = arith.index_cast %scan3A_359 : i32 to index
          %swap3A_420 = arith.constant 192 : index
          %swap3A_421 = tpu.vector_load %arg8[%swap3A_419, %swap3A_420] {strides = array<i32>} : memref<32x768xf32, #tpu.memory_space<vmem>>, vector<1x16xf32>,
          %swap3A_422 = vector.shape_cast %swap3A_421 : vector<1x16xf32> to vector<16xf32>
          %swap3A_423 = vector.shape_cast %get3A_206 : vector<16xf32> to vector<1x16xf32>
          tpu.vector_store %arg8[%swap3A_419, %swap3A_420], %swap3A_423 {add = true, strides = array<i32>} : memref<32x768xf32, #tpu.memory_space<vmem>>, vector<1x16xf32>,
          %swap3A_424 = arith.index_cast %scan3A_359 : i32 to index
          %swap3A_425 = arith.constant 208 : index
          %swap3A_426 = tpu.vector_load %arg8[%swap3A_424, %swap3A_425] {strides = array<i32>} : memref<32x768xf32, #tpu.memory_space<vmem>>, vector<1x16xf32>,
          %swap3A_427 = vector.shape_cast %swap3A_426 : vector<1x16xf32> to vector<16xf32>
          %swap3A_428 = vector.shape_cast %get3A_210 : vector<16xf32> to vector<1x16xf32>
          tpu.vector_store %arg8[%swap3A_424, %swap3A_425], %swap3A_428 {add = true, strides = array<i32>} : memref<32x768xf32, #tpu.memory_space<vmem>>, vector<1x16xf32>,
          %swap3A_429 = arith.index_cast %scan3A_359 : i32 to index
          %swap3A_430 = arith.constant 224 : index
          %swap3A_431 = tpu.vector_load %arg8[%swap3A_429, %swap3A_430] {strides = array<i32>} : memref<32x768xf32, #tpu.memory_space<vmem>>, vector<1x16xf32>,
          %swap3A_432 = vector.shape_cast %swap3A_431 : vector<1x16xf32> to vector<16xf32>
          %swap3A_433 = vector.shape_cast %get3A_214 : vector<16xf32> to vector<1x16xf32>
          tpu.vector_store %arg8[%swap3A_429, %swap3A_430], %swap3A_433 {add = true, strides = array<i32>} : memref<32x768xf32, #tpu.memory_space<vmem>>, vector<1x16xf32>,
          %swap3A_434 = arith.index_cast %scan3A_359 : i32 to index
          %swap3A_435 = arith.constant 240 : index
          %swap3A_436 = tpu.vector_load %arg8[%swap3A_434, %swap3A_435] {strides = array<i32>} : memref<32x768xf32, #tpu.memory_space<vmem>>, vector<1x16xf32>,
          %swap3A_437 = vector.shape_cast %swap3A_436 : vector<1x16xf32> to vector<16xf32>
          %swap3A_438 = vector.shape_cast %get3A_218 : vector<16xf32> to vector<1x16xf32>
          tpu.vector_store %arg8[%swap3A_434, %swap3A_435], %swap3A_438 {add = true, strides = array<i32>} : memref<32x768xf32, #tpu.memory_space<vmem>>, vector<1x16xf32>,
          %swap3A_439 = arith.index_cast %scan3A_359 : i32 to index
          %swap3A_440 = arith.constant 256 : index
          %swap3A_441 = tpu.vector_load %arg8[%swap3A_439, %swap3A_440] {strides = array<i32>} : memref<32x768xf32, #tpu.memory_space<vmem>>, vector<1x16xf32>,
          %swap3A_442 = vector.shape_cast %swap3A_441 : vector<1x16xf32> to vector<16xf32>
          %swap3A_443 = vector.shape_cast %get3A_222 : vector<16xf32> to vector<1x16xf32>
          tpu.vector_store %arg8[%swap3A_439, %swap3A_440], %swap3A_443 {add = true, strides = array<i32>} : memref<32x768xf32, #tpu.memory_space<vmem>>, vector<1x16xf32>,
          %swap3A_444 = arith.index_cast %scan3A_359 : i32 to index
          %swap3A_445 = arith.constant 272 : index
          %swap3A_446 = tpu.vector_load %arg8[%swap3A_444, %swap3A_445] {strides = array<i32>} : memref<32x768xf32, #tpu.memory_space<vmem>>, vector<1x16xf32>,
          %swap3A_447 = vector.shape_cast %swap3A_446 : vector<1x16xf32> to vector<16xf32>
          %swap3A_448 = vector.shape_cast %get3A_226 : vector<16xf32> to vector<1x16xf32>
          tpu.vector_store %arg8[%swap3A_444, %swap3A_445], %swap3A_448 {add = true, strides = array<i32>} : memref<32x768xf32, #tpu.memory_space<vmem>>, vector<1x16xf32>,
          %swap3A_449 = arith.index_cast %scan3A_359 : i32 to index
          %swap3A_450 = arith.constant 288 : index
          %swap3A_451 = tpu.vector_load %arg8[%swap3A_449, %swap3A_450] {strides = array<i32>} : memref<32x768xf32, #tpu.memory_space<vmem>>, vector<1x16xf32>,
          %swap3A_452 = vector.shape_cast %swap3A_451 : vector<1x16xf32> to vector<16xf32>
          %swap3A_453 = vector.shape_cast %get3A_230 : vector<16xf32> to vector<1x16xf32>
          tpu.vector_store %arg8[%swap3A_449, %swap3A_450], %swap3A_453 {add = true, strides = array<i32>} : memref<32x768xf32, #tpu.memory_space<vmem>>, vector<1x16xf32>,
          %swap3A_454 = arith.index_cast %scan3A_359 : i32 to index
          %swap3A_455 = arith.constant 304 : index
          %swap3A_456 = tpu.vector_load %arg8[%swap3A_454, %swap3A_455] {strides = array<i32>} : memref<32x768xf32, #tpu.memory_space<vmem>>, vector<1x16xf32>,
          %swap3A_457 = vector.shape_cast %swap3A_456 : vector<1x16xf32> to vector<16xf32>
          %swap3A_458 = vector.shape_cast %get3A_234 : vector<16xf32> to vector<1x16xf32>
          tpu.vector_store %arg8[%swap3A_454, %swap3A_455], %swap3A_458 {add = true, strides = array<i32>} : memref<32x768xf32, #tpu.memory_space<vmem>>, vector<1x16xf32>,
          %swap3A_459 = arith.index_cast %scan3A_359 : i32 to index
          %swap3A_460 = arith.constant 320 : index
          %swap3A_461 = tpu.vector_load %arg8[%swap3A_459, %swap3A_460] {strides = array<i32>} : memref<32x768xf32, #tpu.memory_space<vmem>>, vector<1x16xf32>,
          %swap3A_462 = vector.shape_cast %swap3A_461 : vector<1x16xf32> to vector<16xf32>
          %swap3A_463 = vector.shape_cast %get3A_238 : vector<16xf32> to vector<1x16xf32>
          tpu.vector_store %arg8[%swap3A_459, %swap3A_460], %swap3A_463 {add = true, strides = array<i32>} : memref<32x768xf32, #tpu.memory_space<vmem>>, vector<1x16xf32>,
          %swap3A_464 = arith.index_cast %scan3A_359 : i32 to index
          %swap3A_465 = arith.constant 336 : index
          %swap3A_466 = tpu.vector_load %arg8[%swap3A_464, %swap3A_465] {strides = array<i32>} : memref<32x768xf32, #tpu.memory_space<vmem>>, vector<1x16xf32>,
          %swap3A_467 = vector.shape_cast %swap3A_466 : vector<1x16xf32> to vector<16xf32>
          %swap3A_468 = vector.shape_cast %get3A_242 : vector<16xf32> to vector<1x16xf32>
          tpu.vector_store %arg8[%swap3A_464, %swap3A_465], %swap3A_468 {add = true, strides = array<i32>} : memref<32x768xf32, #tpu.memory_space<vmem>>, vector<1x16xf32>,
          %swap3A_469 = arith.index_cast %scan3A_359 : i32 to index
          %swap3A_470 = arith.constant 352 : index
          %swap3A_471 = tpu.vector_load %arg8[%swap3A_469, %swap3A_470] {strides = array<i32>} : memref<32x768xf32, #tpu.memory_space<vmem>>, vector<1x16xf32>,
          %swap3A_472 = vector.shape_cast %swap3A_471 : vector<1x16xf32> to vector<16xf32>
          %swap3A_473 = vector.shape_cast %get3A_246 : vector<16xf32> to vector<1x16xf32>
          tpu.vector_store %arg8[%swap3A_469, %swap3A_470], %swap3A_473 {add = true, strides = array<i32>} : memref<32x768xf32, #tpu.memory_space<vmem>>, vector<1x16xf32>,
          %swap3A_474 = arith.index_cast %scan3A_359 : i32 to index
          %swap3A_475 = arith.constant 368 : index
          %swap3A_476 = tpu.vector_load %arg8[%swap3A_474, %swap3A_475] {strides = array<i32>} : memref<32x768xf32, #tpu.memory_space<vmem>>, vector<1x16xf32>,
          %swap3A_477 = vector.shape_cast %swap3A_476 : vector<1x16xf32> to vector<16xf32>
          %swap3A_478 = vector.shape_cast %get3A_250 : vector<16xf32> to vector<1x16xf32>
          tpu.vector_store %arg8[%swap3A_474, %swap3A_475], %swap3A_478 {add = true, strides = array<i32>} : memref<32x768xf32, #tpu.memory_space<vmem>>, vector<1x16xf32>,
          %swap3A_479 = arith.index_cast %scan3A_359 : i32 to index
          %swap3A_480 = arith.constant 384 : index
          %swap3A_481 = tpu.vector_load %arg8[%swap3A_479, %swap3A_480] {strides = array<i32>} : memref<32x768xf32, #tpu.memory_space<vmem>>, vector<1x16xf32>,
          %swap3A_482 = vector.shape_cast %swap3A_481 : vector<1x16xf32> to vector<16xf32>
          %swap3A_483 = vector.shape_cast %get3A_254 : vector<16xf32> to vector<1x16xf32>
          tpu.vector_store %arg8[%swap3A_479, %swap3A_480], %swap3A_483 {add = true, strides = array<i32>} : memref<32x768xf32, #tpu.memory_space<vmem>>, vector<1x16xf32>,
          %swap3A_484 = arith.index_cast %scan3A_359 : i32 to index
          %swap3A_485 = arith.constant 400 : index
          %swap3A_486 = tpu.vector_load %arg8[%swap3A_484, %swap3A_485] {strides = array<i32>} : memref<32x768xf32, #tpu.memory_space<vmem>>, vector<1x16xf32>,
          %swap3A_487 = vector.shape_cast %swap3A_486 : vector<1x16xf32> to vector<16xf32>
          %swap3A_488 = vector.shape_cast %get3A_258 : vector<16xf32> to vector<1x16xf32>
          tpu.vector_store %arg8[%swap3A_484, %swap3A_485], %swap3A_488 {add = true, strides = array<i32>} : memref<32x768xf32, #tpu.memory_space<vmem>>, vector<1x16xf32>,
          %swap3A_489 = arith.index_cast %scan3A_359 : i32 to index
          %swap3A_490 = arith.constant 416 : index
          %swap3A_491 = tpu.vector_load %arg8[%swap3A_489, %swap3A_490] {strides = array<i32>} : memref<32x768xf32, #tpu.memory_space<vmem>>, vector<1x16xf32>,
          %swap3A_492 = vector.shape_cast %swap3A_491 : vector<1x16xf32> to vector<16xf32>
          %swap3A_493 = vector.shape_cast %get3A_262 : vector<16xf32> to vector<1x16xf32>
          tpu.vector_store %arg8[%swap3A_489, %swap3A_490], %swap3A_493 {add = true, strides = array<i32>} : memref<32x768xf32, #tpu.memory_space<vmem>>, vector<1x16xf32>,
          %swap3A_494 = arith.index_cast %scan3A_359 : i32 to index
          %swap3A_495 = arith.constant 432 : index
          %swap3A_496 = tpu.vector_load %arg8[%swap3A_494, %swap3A_495] {strides = array<i32>} : memref<32x768xf32, #tpu.memory_space<vmem>>, vector<1x16xf32>,
          %swap3A_497 = vector.shape_cast %swap3A_496 : vector<1x16xf32> to vector<16xf32>
          %swap3A_498 = vector.shape_cast %get3A_266 : vector<16xf32> to vector<1x16xf32>
          tpu.vector_store %arg8[%swap3A_494, %swap3A_495], %swap3A_498 {add = true, strides = array<i32>} : memref<32x768xf32, #tpu.memory_space<vmem>>, vector<1x16xf32>,
          %swap3A_499 = arith.index_cast %scan3A_359 : i32 to index
          %swap3A_500 = arith.constant 448 : index
          %swap3A_501 = tpu.vector_load %arg8[%swap3A_499, %swap3A_500] {strides = array<i32>} : memref<32x768xf32, #tpu.memory_space<vmem>>, vector<1x16xf32>,
          %swap3A_502 = vector.shape_cast %swap3A_501 : vector<1x16xf32> to vector<16xf32>
          %swap3A_503 = vector.shape_cast %get3A_270 : vector<16xf32> to vector<1x16xf32>
          tpu.vector_store %arg8[%swap3A_499, %swap3A_500], %swap3A_503 {add = true, strides = array<i32>} : memref<32x768xf32, #tpu.memory_space<vmem>>, vector<1x16xf32>,
          %swap3A_504 = arith.index_cast %scan3A_359 : i32 to index
          %swap3A_505 = arith.constant 464 : index
          %swap3A_506 = tpu.vector_load %arg8[%swap3A_504, %swap3A_505] {strides = array<i32>} : memref<32x768xf32, #tpu.memory_space<vmem>>, vector<1x16xf32>,
          %swap3A_507 = vector.shape_cast %swap3A_506 : vector<1x16xf32> to vector<16xf32>
          %swap3A_508 = vector.shape_cast %get3A_274 : vector<16xf32> to vector<1x16xf32>
          tpu.vector_store %arg8[%swap3A_504, %swap3A_505], %swap3A_508 {add = true, strides = array<i32>} : memref<32x768xf32, #tpu.memory_space<vmem>>, vector<1x16xf32>,
          %swap3A_509 = arith.index_cast %scan3A_359 : i32 to index
          %swap3A_510 = arith.constant 480 : index
          %swap3A_511 = tpu.vector_load %arg8[%swap3A_509, %swap3A_510] {strides = array<i32>} : memref<32x768xf32, #tpu.memory_space<vmem>>, vector<1x16xf32>,
          %swap3A_512 = vector.shape_cast %swap3A_511 : vector<1x16xf32> to vector<16xf32>
          %swap3A_513 = vector.shape_cast %get3A_278 : vector<16xf32> to vector<1x16xf32>
          tpu.vector_store %arg8[%swap3A_509, %swap3A_510], %swap3A_513 {add = true, strides = array<i32>} : memref<32x768xf32, #tpu.memory_space<vmem>>, vector<1x16xf32>,
          %swap3A_514 = arith.index_cast %scan3A_359 : i32 to index
          %swap3A_515 = arith.constant 496 : index
          %swap3A_516 = tpu.vector_load %arg8[%swap3A_514, %swap3A_515] {strides = array<i32>} : memref<32x768xf32, #tpu.memory_space<vmem>>, vector<1x16xf32>,
          %swap3A_517 = vector.shape_cast %swap3A_516 : vector<1x16xf32> to vector<16xf32>
          %swap3A_518 = vector.shape_cast %get3A_282 : vector<16xf32> to vector<1x16xf32>
          tpu.vector_store %arg8[%swap3A_514, %swap3A_515], %swap3A_518 {add = true, strides = array<i32>} : memref<32x768xf32, #tpu.memory_space<vmem>>, vector<1x16xf32>,
          %swap3A_519 = arith.index_cast %scan3A_359 : i32 to index
          %swap3A_520 = arith.constant 512 : index
          %swap3A_521 = tpu.vector_load %arg8[%swap3A_519, %swap3A_520] {strides = array<i32>} : memref<32x768xf32, #tpu.memory_space<vmem>>, vector<1x16xf32>,
          %swap3A_522 = vector.shape_cast %swap3A_521 : vector<1x16xf32> to vector<16xf32>
          %swap3A_523 = vector.shape_cast %get3A_286 : vector<16xf32> to vector<1x16xf32>
          tpu.vector_store %arg8[%swap3A_519, %swap3A_520], %swap3A_523 {add = true, strides = array<i32>} : memref<32x768xf32, #tpu.memory_space<vmem>>, vector<1x16xf32>,
          %swap3A_524 = arith.index_cast %scan3A_359 : i32 to index
          %swap3A_525 = arith.constant 528 : index
          %swap3A_526 = tpu.vector_load %arg8[%swap3A_524, %swap3A_525] {strides = array<i32>} : memref<32x768xf32, #tpu.memory_space<vmem>>, vector<1x16xf32>,
          %swap3A_527 = vector.shape_cast %swap3A_526 : vector<1x16xf32> to vector<16xf32>
          %swap3A_528 = vector.shape_cast %get3A_290 : vector<16xf32> to vector<1x16xf32>
          tpu.vector_store %arg8[%swap3A_524, %swap3A_525], %swap3A_528 {add = true, strides = array<i32>} : memref<32x768xf32, #tpu.memory_space<vmem>>, vector<1x16xf32>,
          %swap3A_529 = arith.index_cast %scan3A_359 : i32 to index
          %swap3A_530 = arith.constant 544 : index
          %swap3A_531 = tpu.vector_load %arg8[%swap3A_529, %swap3A_530] {strides = array<i32>} : memref<32x768xf32, #tpu.memory_space<vmem>>, vector<1x16xf32>,
          %swap3A_532 = vector.shape_cast %swap3A_531 : vector<1x16xf32> to vector<16xf32>
          %swap3A_533 = vector.shape_cast %get3A_294 : vector<16xf32> to vector<1x16xf32>
          tpu.vector_store %arg8[%swap3A_529, %swap3A_530], %swap3A_533 {add = true, strides = array<i32>} : memref<32x768xf32, #tpu.memory_space<vmem>>, vector<1x16xf32>,
          %swap3A_534 = arith.index_cast %scan3A_359 : i32 to index
          %swap3A_535 = arith.constant 560 : index
          %swap3A_536 = tpu.vector_load %arg8[%swap3A_534, %swap3A_535] {strides = array<i32>} : memref<32x768xf32, #tpu.memory_space<vmem>>, vector<1x16xf32>,
          %swap3A_537 = vector.shape_cast %swap3A_536 : vector<1x16xf32> to vector<16xf32>
          %swap3A_538 = vector.shape_cast %get3A_298 : vector<16xf32> to vector<1x16xf32>
          tpu.vector_store %arg8[%swap3A_534, %swap3A_535], %swap3A_538 {add = true, strides = array<i32>} : memref<32x768xf32, #tpu.memory_space<vmem>>, vector<1x16xf32>,
          %swap3A_539 = arith.index_cast %scan3A_359 : i32 to index
          %swap3A_540 = arith.constant 576 : index
          %swap3A_541 = tpu.vector_load %arg8[%swap3A_539, %swap3A_540] {strides = array<i32>} : memref<32x768xf32, #tpu.memory_space<vmem>>, vector<1x16xf32>,
          %swap3A_542 = vector.shape_cast %swap3A_541 : vector<1x16xf32> to vector<16xf32>
          %swap3A_543 = vector.shape_cast %get3A_302 : vector<16xf32> to vector<1x16xf32>
          tpu.vector_store %arg8[%swap3A_539, %swap3A_540], %swap3A_543 {add = true, strides = array<i32>} : memref<32x768xf32, #tpu.memory_space<vmem>>, vector<1x16xf32>,
          %swap3A_544 = arith.index_cast %scan3A_359 : i32 to index
          %swap3A_545 = arith.constant 592 : index
          %swap3A_546 = tpu.vector_load %arg8[%swap3A_544, %swap3A_545] {strides = array<i32>} : memref<32x768xf32, #tpu.memory_space<vmem>>, vector<1x16xf32>,
          %swap3A_547 = vector.shape_cast %swap3A_546 : vector<1x16xf32> to vector<16xf32>
          %swap3A_548 = vector.shape_cast %get3A_306 : vector<16xf32> to vector<1x16xf32>
          tpu.vector_store %arg8[%swap3A_544, %swap3A_545], %swap3A_548 {add = true, strides = array<i32>} : memref<32x768xf32, #tpu.memory_space<vmem>>, vector<1x16xf32>,
          %swap3A_549 = arith.index_cast %scan3A_359 : i32 to index
          %swap3A_550 = arith.constant 608 : index
          %swap3A_551 = tpu.vector_load %arg8[%swap3A_549, %swap3A_550] {strides = array<i32>} : memref<32x768xf32, #tpu.memory_space<vmem>>, vector<1x16xf32>,
          %swap3A_552 = vector.shape_cast %swap3A_551 : vector<1x16xf32> to vector<16xf32>
          %swap3A_553 = vector.shape_cast %get3A_310 : vector<16xf32> to vector<1x16xf32>
          tpu.vector_store %arg8[%swap3A_549, %swap3A_550], %swap3A_553 {add = true, strides = array<i32>} : memref<32x768xf32, #tpu.memory_space<vmem>>, vector<1x16xf32>,
          %swap3A_554 = arith.index_cast %scan3A_359 : i32 to index
          %swap3A_555 = arith.constant 624 : index
          %swap3A_556 = tpu.vector_load %arg8[%swap3A_554, %swap3A_555] {strides = array<i32>} : memref<32x768xf32, #tpu.memory_space<vmem>>, vector<1x16xf32>,
          %swap3A_557 = vector.shape_cast %swap3A_556 : vector<1x16xf32> to vector<16xf32>
          %swap3A_558 = vector.shape_cast %get3A_314 : vector<16xf32> to vector<1x16xf32>
          tpu.vector_store %arg8[%swap3A_554, %swap3A_555], %swap3A_558 {add = true, strides = array<i32>} : memref<32x768xf32, #tpu.memory_space<vmem>>, vector<1x16xf32>,
          %swap3A_559 = arith.index_cast %scan3A_359 : i32 to index
          %swap3A_560 = arith.constant 640 : index
          %swap3A_561 = tpu.vector_load %arg8[%swap3A_559, %swap3A_560] {strides = array<i32>} : memref<32x768xf32, #tpu.memory_space<vmem>>, vector<1x16xf32>,
          %swap3A_562 = vector.shape_cast %swap3A_561 : vector<1x16xf32> to vector<16xf32>
          %swap3A_563 = vector.shape_cast %get3A_318 : vector<16xf32> to vector<1x16xf32>
          tpu.vector_store %arg8[%swap3A_559, %swap3A_560], %swap3A_563 {add = true, strides = array<i32>} : memref<32x768xf32, #tpu.memory_space<vmem>>, vector<1x16xf32>,
          %swap3A_564 = arith.index_cast %scan3A_359 : i32 to index
          %swap3A_565 = arith.constant 656 : index
          %swap3A_566 = tpu.vector_load %arg8[%swap3A_564, %swap3A_565] {strides = array<i32>} : memref<32x768xf32, #tpu.memory_space<vmem>>, vector<1x16xf32>,
          %swap3A_567 = vector.shape_cast %swap3A_566 : vector<1x16xf32> to vector<16xf32>
          %swap3A_568 = vector.shape_cast %get3A_322 : vector<16xf32> to vector<1x16xf32>
          tpu.vector_store %arg8[%swap3A_564, %swap3A_565], %swap3A_568 {add = true, strides = array<i32>} : memref<32x768xf32, #tpu.memory_space<vmem>>, vector<1x16xf32>,
          %swap3A_569 = arith.index_cast %scan3A_359 : i32 to index
          %swap3A_570 = arith.constant 672 : index
          %swap3A_571 = tpu.vector_load %arg8[%swap3A_569, %swap3A_570] {strides = array<i32>} : memref<32x768xf32, #tpu.memory_space<vmem>>, vector<1x16xf32>,
          %swap3A_572 = vector.shape_cast %swap3A_571 : vector<1x16xf32> to vector<16xf32>
          %swap3A_573 = vector.shape_cast %get3A_326 : vector<16xf32> to vector<1x16xf32>
          tpu.vector_store %arg8[%swap3A_569, %swap3A_570], %swap3A_573 {add = true, strides = array<i32>} : memref<32x768xf32, #tpu.memory_space<vmem>>, vector<1x16xf32>,
          %swap3A_574 = arith.index_cast %scan3A_359 : i32 to index
          %swap3A_575 = arith.constant 688 : index
          %swap3A_576 = tpu.vector_load %arg8[%swap3A_574, %swap3A_575] {strides = array<i32>} : memref<32x768xf32, #tpu.memory_space<vmem>>, vector<1x16xf32>,
          %swap3A_577 = vector.shape_cast %swap3A_576 : vector<1x16xf32> to vector<16xf32>
          %swap3A_578 = vector.shape_cast %get3A_330 : vector<16xf32> to vector<1x16xf32>
          tpu.vector_store %arg8[%swap3A_574, %swap3A_575], %swap3A_578 {add = true, strides = array<i32>} : memref<32x768xf32, #tpu.memory_space<vmem>>, vector<1x16xf32>,
          %swap3A_579 = arith.index_cast %scan3A_359 : i32 to index
          %swap3A_580 = arith.constant 704 : index
          %swap3A_581 = tpu.vector_load %arg8[%swap3A_579, %swap3A_580] {strides = array<i32>} : memref<32x768xf32, #tpu.memory_space<vmem>>, vector<1x16xf32>,
          %swap3A_582 = vector.shape_cast %swap3A_581 : vector<1x16xf32> to vector<16xf32>
          %swap3A_583 = vector.shape_cast %get3A_334 : vector<16xf32> to vector<1x16xf32>
          tpu.vector_store %arg8[%swap3A_579, %swap3A_580], %swap3A_583 {add = true, strides = array<i32>} : memref<32x768xf32, #tpu.memory_space<vmem>>, vector<1x16xf32>,
          %swap3A_584 = arith.index_cast %scan3A_359 : i32 to index
          %swap3A_585 = arith.constant 720 : index
          %swap3A_586 = tpu.vector_load %arg8[%swap3A_584, %swap3A_585] {strides = array<i32>} : memref<32x768xf32, #tpu.memory_space<vmem>>, vector<1x16xf32>,
          %swap3A_587 = vector.shape_cast %swap3A_586 : vector<1x16xf32> to vector<16xf32>
          %swap3A_588 = vector.shape_cast %get3A_338 : vector<16xf32> to vector<1x16xf32>
          tpu.vector_store %arg8[%swap3A_584, %swap3A_585], %swap3A_588 {add = true, strides = array<i32>} : memref<32x768xf32, #tpu.memory_space<vmem>>, vector<1x16xf32>,
          %swap3A_589 = arith.index_cast %scan3A_359 : i32 to index
          %swap3A_590 = arith.constant 736 : index
          %swap3A_591 = tpu.vector_load %arg8[%swap3A_589, %swap3A_590] {strides = array<i32>} : memref<32x768xf32, #tpu.memory_space<vmem>>, vector<1x16xf32>,
          %swap3A_592 = vector.shape_cast %swap3A_591 : vector<1x16xf32> to vector<16xf32>
          %swap3A_593 = vector.shape_cast %get3A_342 : vector<16xf32> to vector<1x16xf32>
          tpu.vector_store %arg8[%swap3A_589, %swap3A_590], %swap3A_593 {add = true, strides = array<i32>} : memref<32x768xf32, #tpu.memory_space<vmem>>, vector<1x16xf32>,
          %swap3A_594 = arith.index_cast %scan3A_359 : i32 to index
          %swap3A_595 = arith.constant 752 : index
          %swap3A_596 = tpu.vector_load %arg8[%swap3A_594, %swap3A_595] {strides = array<i32>} : memref<32x768xf32, #tpu.memory_space<vmem>>, vector<1x16xf32>,
          %swap3A_597 = vector.shape_cast %swap3A_596 : vector<1x16xf32> to vector<16xf32>
          %swap3A_598 = vector.shape_cast %get3A_346 : vector<16xf32> to vector<1x16xf32>
          tpu.vector_store %arg8[%swap3A_594, %swap3A_595], %swap3A_598 {add = true, strides = array<i32>} : memref<32x768xf32, #tpu.memory_space<vmem>>, vector<1x16xf32>,
        }
        %scan3A_351 = arith.constant 32 : i32
        %mul3A_352 = arith.constant 32 : i32
        %mul3A_353 = arith.muli %add3A_64, %mul3A_352 : i32
        %add3A_354 = arith.addi %mul3A_2, %mul3A_353 : i32
        %dma_start3A_355 = arith.constant 0 : i32
        %dma_start3A_356 = tpu.memref_slice %arg5[%add3A_354, %dma_start3A_355] : memref<78848x768xf32, #tpu.memory_space<hbm>> -> memref<32x768xf32, #tpu.memory_space<hbm>>
        %dma_start3A_357 = arith.constant 0 : i32
        %dma_start3A_358 = tpu.memref_slice %arg5[%add3A_354, %dma_start3A_357] : memref<78848x768xf32, #tpu.memory_space<hbm>> -> memref<32x768xf32, #tpu.memory_space<hbm>>
        tpu.enqueue_dma source(%arg8 : memref<32x768xf32, #tpu.memory_space<vmem>>) target(%dma_start3A_358 : memref<32x768xf32, #tpu.memory_space<hbm>>) target_semaphore(%arg16 : memref<!tpu.dma_semaphore, #tpu.memory_space<semaphore_mem>>)
      } else {
      }
      %mul3A_74 = arith.constant 4 : i32
      %mul3A_75 = arith.muli %mul3A_74, %scan3A_60 : i32
      %add3A_76 = arith.constant 1 : i32
      %add3A_77 = arith.addi %mul3A_75, %add3A_76 : i32
      %add3A_78 = arith.constant 2 : i32
      %add3A_79 = arith.addi %add3A_77, %add3A_78 : i32
      %lt3A_80 = arith.constant 77 : i32
      %lt3A_81 = arith.cmpi slt, %add3A_79, %lt3A_80 : i32
      %convert_element_type3A_82 = arith.extui %lt3A_81 : i1 to i32
      %cond3A_83 = arith.constant 0 : i32
      %cond3A_84 = arith.cmpi ne, %convert_element_type3A_82, %cond3A_83 : i32
      scf.if %cond3A_84 {
        %ge3A = arith.constant 2 : i32
        %ge3A_122 = arith.cmpi sge, %add3A_77, %ge3A : i32
        %convert_element_type3A_123 = arith.extui %ge3A_122 : i1 to i32
        %cond3A_124 = arith.constant 0 : i32
        %cond3A_125 = arith.cmpi ne, %convert_element_type3A_123, %cond3A_124 : i32
        scf.if %cond3A_125 {
          %add3A_134 = arith.constant 2 : i32
          %add3A_135 = arith.addi %add3A_77, %add3A_134 : i32
          %sub3A_136 = arith.constant 4 : i32
          %sub3A_137 = arith.subi %add3A_135, %sub3A_136 : i32
          %mul3A_138 = arith.constant 32 : i32
          %mul3A_139 = arith.muli %sub3A_137, %mul3A_138 : i32
          %add3A_140 = arith.addi %mul3A_2, %mul3A_139 : i32
          %dma_wait3A_141 = arith.constant 0 : i32
          %dma_wait3A_142 = tpu.memref_slice %arg5[%add3A_140, %dma_wait3A_141] : memref<78848x768xf32, #tpu.memory_space<hbm>> -> memref<32x768xf32, #tpu.memory_space<hbm>>
          %dma_wait3A_143 = arith.constant 0 : i32
          %dma_wait3A_144 = tpu.memref_slice %arg5[%add3A_140, %dma_wait3A_143] : memref<78848x768xf32, #tpu.memory_space<hbm>> -> memref<32x768xf32, #tpu.memory_space<hbm>>
          tpu.wait_dma2 semaphore(%arg19 : memref<!tpu.dma_semaphore, #tpu.memory_space<semaphore_mem>>) src(%arg11 : memref<32x768xf32, #tpu.memory_space<vmem>>) dst(%dma_wait3A_144 : memref<32x768xf32, #tpu.memory_space<hbm>>)
        } else {
        }
        %add3A_126 = arith.constant 2 : i32
        %add3A_127 = arith.addi %add3A_77, %add3A_126 : i32
        %dma_start3A_128 = arith.constant 0 : i32
        %dma_start3A_129 = tpu.memref_slice %arg6[%add3A_127, %dma_start3A_128] : memref<77x32xi32, #tpu.memory_space<vmem>> -> memref<1x32xi32, #tpu.memory_space<vmem>>
        %dma_start3A_130 = tpu.memref_squeeze %dma_start3A_129 : memref<1x32xi32, #tpu.memory_space<vmem>> -> memref<32xi32, #tpu.memory_space<vmem>>
        %dma_start3A_131 = arith.constant 0 : i32
        %dma_start3A_132 = arith.constant 0 : i32
        %dma_start3A_133 = tpu.memref_slice %arg4[%dma_start3A_131, %dma_start3A_132] : memref<49408x768xf32, #tpu.memory_space<hbm>> -> memref<49408x768xf32, #tpu.memory_space<hbm>>
        tpu.enqueue_indirect_dma source(%dma_start3A_133 : memref<49408x768xf32, #tpu.memory_space<hbm>>) target(%arg11 : memref<32x768xf32, #tpu.memory_space<vmem>>) offsets(%dma_start3A_130 : memref<32xi32, #tpu.memory_space<vmem>>) semaphore(%arg15 : memref<!tpu.dma_semaphore, #tpu.memory_space<semaphore_mem>>)
      } else {
      }
      %lt3A_85 = arith.constant 77 : i32
      %lt3A_86 = arith.cmpi slt, %add3A_77, %lt3A_85 : i32
      %convert_element_type3A_87 = arith.extui %lt3A_86 : i1 to i32
      %cond3A_88 = arith.constant 0 : i32
      %cond3A_89 = arith.cmpi ne, %convert_element_type3A_87, %cond3A_88 : i32
      scf.if %cond3A_89 {
        %dma_wait3A_122 = arith.constant 0 : i32
        %dma_wait3A_123 = tpu.memref_slice %arg6[%add3A_77, %dma_wait3A_122] : memref<77x32xi32, #tpu.memory_space<vmem>> -> memref<1x32xi32, #tpu.memory_space<vmem>>
        %dma_wait3A_124 = tpu.memref_squeeze %dma_wait3A_123 : memref<1x32xi32, #tpu.memory_space<vmem>> -> memref<32xi32, #tpu.memory_space<vmem>>
        %dma_wait3A_125 = arith.constant 0 : i32
        %dma_wait3A_126 = arith.constant 0 : i32
        %dma_wait3A_127 = tpu.memref_slice %arg4[%dma_wait3A_125, %dma_wait3A_126] : memref<49408x768xf32, #tpu.memory_space<hbm>> -> memref<49408x768xf32, #tpu.memory_space<hbm>>
        tpu.wait_indirect_dma semaphore(%arg13 : memref<!tpu.dma_semaphore, #tpu.memory_space<semaphore_mem>>) src(%dma_wait3A_127 : memref<49408x768xf32, #tpu.memory_space<hbm>>) dst(%arg9 : memref<32x768xf32, #tpu.memory_space<vmem>>)
        %mul3A_128 = arith.constant 32 : i32
        %mul3A_129 = arith.muli %add3A_77, %mul3A_128 : i32
        %add3A_130 = arith.addi %mul3A_2, %mul3A_129 : i32
        %jit3A_131 = arith.constant 1024 : i32
        %div3A_132 = arith.divsi %add3A_130, %jit3A_131 : i32
        %sign3A_133 = arith.constant 0 : i32
        %sign3A_134 = arith.cmpi sgt, %add3A_130, %sign3A_133 : i32
        %sign3A_135 = arith.extui %sign3A_134 : i1 to i32
        %sign3A_136 = arith.constant 0 : i32
        %sign3A_137 = arith.cmpi slt, %add3A_130, %sign3A_136 : i32
        %sign3A_138 = arith.extui %sign3A_137 : i1 to i32
        %sign3A_139 = arith.subi %sign3A_135, %sign3A_138 : i32
        %sign3A_140 = arith.constant 0 : i32
        %sign3A_141 = arith.cmpi sgt, %jit3A_131, %sign3A_140 : i32
        %sign3A_142 = arith.extui %sign3A_141 : i1 to i32
        %sign3A_143 = arith.constant 0 : i32
        %sign3A_144 = arith.cmpi slt, %jit3A_131, %sign3A_143 : i32
        %sign3A_145 = arith.extui %sign3A_144 : i1 to i32
        %sign3A_146 = arith.subi %sign3A_142, %sign3A_145 : i32
        %ne3A_147 = arith.cmpi ne, %sign3A_139, %sign3A_146 : i32
        %rem3A_148 = arith.remsi %add3A_130, %jit3A_131 : i32
        %ne3A_149 = arith.constant 0 : i32
        %ne3A_150 = arith.cmpi ne, %rem3A_148, %ne3A_149 : i32
        %and3A_151 = arith.andi %ne3A_147, %ne3A_150 : i1
        %sub3A_152 = arith.constant 1 : i32
        %sub3A_153 = arith.subi %div3A_132, %sub3A_152 : i32
        %select_n3A_154 = arith.select %and3A_151, %sub3A_153, %div3A_132 : i32
        %sub3A_155 = arith.subi %select_n3A_154, %select_n3A : i32
        %get3A = arith.index_cast %sub3A_155 : i32 to index
        %get3A_156 = arith.constant 0 : index
        %get3A_157 = tpu.vector_load %arg7[%get3A, %get3A_156] {strides = array<i32>} : memref<4x768xf32, #tpu.memory_space<vmem>>, vector<1x16xf32>,
        %get3A_158 = vector.shape_cast %get3A_157 : vector<1x16xf32> to vector<16xf32>
        %get3A_159 = arith.index_cast %sub3A_155 : i32 to index
        %get3A_160 = arith.constant 16 : index
        %get3A_161 = tpu.vector_load %arg7[%get3A_159, %get3A_160] {strides = array<i32>} : memref<4x768xf32, #tpu.memory_space<vmem>>, vector<1x16xf32>,
        %get3A_162 = vector.shape_cast %get3A_161 : vector<1x16xf32> to vector<16xf32>
        %get3A_163 = arith.index_cast %sub3A_155 : i32 to index
        %get3A_164 = arith.constant 32 : index
        %get3A_165 = tpu.vector_load %arg7[%get3A_163, %get3A_164] {strides = array<i32>} : memref<4x768xf32, #tpu.memory_space<vmem>>, vector<1x16xf32>,
        %get3A_166 = vector.shape_cast %get3A_165 : vector<1x16xf32> to vector<16xf32>
        %get3A_167 = arith.index_cast %sub3A_155 : i32 to index
        %get3A_168 = arith.constant 48 : index
        %get3A_169 = tpu.vector_load %arg7[%get3A_167, %get3A_168] {strides = array<i32>} : memref<4x768xf32, #tpu.memory_space<vmem>>, vector<1x16xf32>,
        %get3A_170 = vector.shape_cast %get3A_169 : vector<1x16xf32> to vector<16xf32>
        %get3A_171 = arith.index_cast %sub3A_155 : i32 to index
        %get3A_172 = arith.constant 64 : index
        %get3A_173 = tpu.vector_load %arg7[%get3A_171, %get3A_172] {strides = array<i32>} : memref<4x768xf32, #tpu.memory_space<vmem>>, vector<1x16xf32>,
        %get3A_174 = vector.shape_cast %get3A_173 : vector<1x16xf32> to vector<16xf32>
        %get3A_175 = arith.index_cast %sub3A_155 : i32 to index
        %get3A_176 = arith.constant 80 : index
        %get3A_177 = tpu.vector_load %arg7[%get3A_175, %get3A_176] {strides = array<i32>} : memref<4x768xf32, #tpu.memory_space<vmem>>, vector<1x16xf32>,
        %get3A_178 = vector.shape_cast %get3A_177 : vector<1x16xf32> to vector<16xf32>
        %get3A_179 = arith.index_cast %sub3A_155 : i32 to index
        %get3A_180 = arith.constant 96 : index
        %get3A_181 = tpu.vector_load %arg7[%get3A_179, %get3A_180] {strides = array<i32>} : memref<4x768xf32, #tpu.memory_space<vmem>>, vector<1x16xf32>,
        %get3A_182 = vector.shape_cast %get3A_181 : vector<1x16xf32> to vector<16xf32>
        %get3A_183 = arith.index_cast %sub3A_155 : i32 to index
        %get3A_184 = arith.constant 112 : index
        %get3A_185 = tpu.vector_load %arg7[%get3A_183, %get3A_184] {strides = array<i32>} : memref<4x768xf32, #tpu.memory_space<vmem>>, vector<1x16xf32>,
        %get3A_186 = vector.shape_cast %get3A_185 : vector<1x16xf32> to vector<16xf32>
        %get3A_187 = arith.index_cast %sub3A_155 : i32 to index
        %get3A_188 = arith.constant 128 : index
        %get3A_189 = tpu.vector_load %arg7[%get3A_187, %get3A_188] {strides = array<i32>} : memref<4x768xf32, #tpu.memory_space<vmem>>, vector<1x16xf32>,
        %get3A_190 = vector.shape_cast %get3A_189 : vector<1x16xf32> to vector<16xf32>
        %get3A_191 = arith.index_cast %sub3A_155 : i32 to index
        %get3A_192 = arith.constant 144 : index
        %get3A_193 = tpu.vector_load %arg7[%get3A_191, %get3A_192] {strides = array<i32>} : memref<4x768xf32, #tpu.memory_space<vmem>>, vector<1x16xf32>,
        %get3A_194 = vector.shape_cast %get3A_193 : vector<1x16xf32> to vector<16xf32>
        %get3A_195 = arith.index_cast %sub3A_155 : i32 to index
        %get3A_196 = arith.constant 160 : index
        %get3A_197 = tpu.vector_load %arg7[%get3A_195, %get3A_196] {strides = array<i32>} : memref<4x768xf32, #tpu.memory_space<vmem>>, vector<1x16xf32>,
        %get3A_198 = vector.shape_cast %get3A_197 : vector<1x16xf32> to vector<16xf32>
        %get3A_199 = arith.index_cast %sub3A_155 : i32 to index
        %get3A_200 = arith.constant 176 : index
        %get3A_201 = tpu.vector_load %arg7[%get3A_199, %get3A_200] {strides = array<i32>} : memref<4x768xf32, #tpu.memory_space<vmem>>, vector<1x16xf32>,
        %get3A_202 = vector.shape_cast %get3A_201 : vector<1x16xf32> to vector<16xf32>
        %get3A_203 = arith.index_cast %sub3A_155 : i32 to index
        %get3A_204 = arith.constant 192 : index
        %get3A_205 = tpu.vector_load %arg7[%get3A_203, %get3A_204] {strides = array<i32>} : memref<4x768xf32, #tpu.memory_space<vmem>>, vector<1x16xf32>,
        %get3A_206 = vector.shape_cast %get3A_205 : vector<1x16xf32> to vector<16xf32>
        %get3A_207 = arith.index_cast %sub3A_155 : i32 to index
        %get3A_208 = arith.constant 208 : index
        %get3A_209 = tpu.vector_load %arg7[%get3A_207, %get3A_208] {strides = array<i32>} : memref<4x768xf32, #tpu.memory_space<vmem>>, vector<1x16xf32>,
        %get3A_210 = vector.shape_cast %get3A_209 : vector<1x16xf32> to vector<16xf32>
        %get3A_211 = arith.index_cast %sub3A_155 : i32 to index
        %get3A_212 = arith.constant 224 : index
        %get3A_213 = tpu.vector_load %arg7[%get3A_211, %get3A_212] {strides = array<i32>} : memref<4x768xf32, #tpu.memory_space<vmem>>, vector<1x16xf32>,
        %get3A_214 = vector.shape_cast %get3A_213 : vector<1x16xf32> to vector<16xf32>
        %get3A_215 = arith.index_cast %sub3A_155 : i32 to index
        %get3A_216 = arith.constant 240 : index
        %get3A_217 = tpu.vector_load %arg7[%get3A_215, %get3A_216] {strides = array<i32>} : memref<4x768xf32, #tpu.memory_space<vmem>>, vector<1x16xf32>,
        %get3A_218 = vector.shape_cast %get3A_217 : vector<1x16xf32> to vector<16xf32>
        %get3A_219 = arith.index_cast %sub3A_155 : i32 to index
        %get3A_220 = arith.constant 256 : index
        %get3A_221 = tpu.vector_load %arg7[%get3A_219, %get3A_220] {strides = array<i32>} : memref<4x768xf32, #tpu.memory_space<vmem>>, vector<1x16xf32>,
        %get3A_222 = vector.shape_cast %get3A_221 : vector<1x16xf32> to vector<16xf32>
        %get3A_223 = arith.index_cast %sub3A_155 : i32 to index
        %get3A_224 = arith.constant 272 : index
        %get3A_225 = tpu.vector_load %arg7[%get3A_223, %get3A_224] {strides = array<i32>} : memref<4x768xf32, #tpu.memory_space<vmem>>, vector<1x16xf32>,
        %get3A_226 = vector.shape_cast %get3A_225 : vector<1x16xf32> to vector<16xf32>
        %get3A_227 = arith.index_cast %sub3A_155 : i32 to index
        %get3A_228 = arith.constant 288 : index
        %get3A_229 = tpu.vector_load %arg7[%get3A_227, %get3A_228] {strides = array<i32>} : memref<4x768xf32, #tpu.memory_space<vmem>>, vector<1x16xf32>,
        %get3A_230 = vector.shape_cast %get3A_229 : vector<1x16xf32> to vector<16xf32>
        %get3A_231 = arith.index_cast %sub3A_155 : i32 to index
        %get3A_232 = arith.constant 304 : index
        %get3A_233 = tpu.vector_load %arg7[%get3A_231, %get3A_232] {strides = array<i32>} : memref<4x768xf32, #tpu.memory_space<vmem>>, vector<1x16xf32>,
        %get3A_234 = vector.shape_cast %get3A_233 : vector<1x16xf32> to vector<16xf32>
        %get3A_235 = arith.index_cast %sub3A_155 : i32 to index
        %get3A_236 = arith.constant 320 : index
        %get3A_237 = tpu.vector_load %arg7[%get3A_235, %get3A_236] {strides = array<i32>} : memref<4x768xf32, #tpu.memory_space<vmem>>, vector<1x16xf32>,
        %get3A_238 = vector.shape_cast %get3A_237 : vector<1x16xf32> to vector<16xf32>
        %get3A_239 = arith.index_cast %sub3A_155 : i32 to index
        %get3A_240 = arith.constant 336 : index
        %get3A_241 = tpu.vector_load %arg7[%get3A_239, %get3A_240] {strides = array<i32>} : memref<4x768xf32, #tpu.memory_space<vmem>>, vector<1x16xf32>,
        %get3A_242 = vector.shape_cast %get3A_241 : vector<1x16xf32> to vector<16xf32>
        %get3A_243 = arith.index_cast %sub3A_155 : i32 to index
        %get3A_244 = arith.constant 352 : index
        %get3A_245 = tpu.vector_load %arg7[%get3A_243, %get3A_244] {strides = array<i32>} : memref<4x768xf32, #tpu.memory_space<vmem>>, vector<1x16xf32>,
        %get3A_246 = vector.shape_cast %get3A_245 : vector<1x16xf32> to vector<16xf32>
        %get3A_247 = arith.index_cast %sub3A_155 : i32 to index
        %get3A_248 = arith.constant 368 : index
        %get3A_249 = tpu.vector_load %arg7[%get3A_247, %get3A_248] {strides = array<i32>} : memref<4x768xf32, #tpu.memory_space<vmem>>, vector<1x16xf32>,
        %get3A_250 = vector.shape_cast %get3A_249 : vector<1x16xf32> to vector<16xf32>
        %get3A_251 = arith.index_cast %sub3A_155 : i32 to index
        %get3A_252 = arith.constant 384 : index
        %get3A_253 = tpu.vector_load %arg7[%get3A_251, %get3A_252] {strides = array<i32>} : memref<4x768xf32, #tpu.memory_space<vmem>>, vector<1x16xf32>,
        %get3A_254 = vector.shape_cast %get3A_253 : vector<1x16xf32> to vector<16xf32>
        %get3A_255 = arith.index_cast %sub3A_155 : i32 to index
        %get3A_256 = arith.constant 400 : index
        %get3A_257 = tpu.vector_load %arg7[%get3A_255, %get3A_256] {strides = array<i32>} : memref<4x768xf32, #tpu.memory_space<vmem>>, vector<1x16xf32>,
        %get3A_258 = vector.shape_cast %get3A_257 : vector<1x16xf32> to vector<16xf32>
        %get3A_259 = arith.index_cast %sub3A_155 : i32 to index
        %get3A_260 = arith.constant 416 : index
        %get3A_261 = tpu.vector_load %arg7[%get3A_259, %get3A_260] {strides = array<i32>} : memref<4x768xf32, #tpu.memory_space<vmem>>, vector<1x16xf32>,
        %get3A_262 = vector.shape_cast %get3A_261 : vector<1x16xf32> to vector<16xf32>
        %get3A_263 = arith.index_cast %sub3A_155 : i32 to index
        %get3A_264 = arith.constant 432 : index
        %get3A_265 = tpu.vector_load %arg7[%get3A_263, %get3A_264] {strides = array<i32>} : memref<4x768xf32, #tpu.memory_space<vmem>>, vector<1x16xf32>,
        %get3A_266 = vector.shape_cast %get3A_265 : vector<1x16xf32> to vector<16xf32>
        %get3A_267 = arith.index_cast %sub3A_155 : i32 to index
        %get3A_268 = arith.constant 448 : index
        %get3A_269 = tpu.vector_load %arg7[%get3A_267, %get3A_268] {strides = array<i32>} : memref<4x768xf32, #tpu.memory_space<vmem>>, vector<1x16xf32>,
        %get3A_270 = vector.shape_cast %get3A_269 : vector<1x16xf32> to vector<16xf32>
        %get3A_271 = arith.index_cast %sub3A_155 : i32 to index
        %get3A_272 = arith.constant 464 : index
        %get3A_273 = tpu.vector_load %arg7[%get3A_271, %get3A_272] {strides = array<i32>} : memref<4x768xf32, #tpu.memory_space<vmem>>, vector<1x16xf32>,
        %get3A_274 = vector.shape_cast %get3A_273 : vector<1x16xf32> to vector<16xf32>
        %get3A_275 = arith.index_cast %sub3A_155 : i32 to index
        %get3A_276 = arith.constant 480 : index
        %get3A_277 = tpu.vector_load %arg7[%get3A_275, %get3A_276] {strides = array<i32>} : memref<4x768xf32, #tpu.memory_space<vmem>>, vector<1x16xf32>,
        %get3A_278 = vector.shape_cast %get3A_277 : vector<1x16xf32> to vector<16xf32>
        %get3A_279 = arith.index_cast %sub3A_155 : i32 to index
        %get3A_280 = arith.constant 496 : index
        %get3A_281 = tpu.vector_load %arg7[%get3A_279, %get3A_280] {strides = array<i32>} : memref<4x768xf32, #tpu.memory_space<vmem>>, vector<1x16xf32>,
        %get3A_282 = vector.shape_cast %get3A_281 : vector<1x16xf32> to vector<16xf32>
        %get3A_283 = arith.index_cast %sub3A_155 : i32 to index
        %get3A_284 = arith.constant 512 : index
        %get3A_285 = tpu.vector_load %arg7[%get3A_283, %get3A_284] {strides = array<i32>} : memref<4x768xf32, #tpu.memory_space<vmem>>, vector<1x16xf32>,
        %get3A_286 = vector.shape_cast %get3A_285 : vector<1x16xf32> to vector<16xf32>
        %get3A_287 = arith.index_cast %sub3A_155 : i32 to index
        %get3A_288 = arith.constant 528 : index
        %get3A_289 = tpu.vector_load %arg7[%get3A_287, %get3A_288] {strides = array<i32>} : memref<4x768xf32, #tpu.memory_space<vmem>>, vector<1x16xf32>,
        %get3A_290 = vector.shape_cast %get3A_289 : vector<1x16xf32> to vector<16xf32>
        %get3A_291 = arith.index_cast %sub3A_155 : i32 to index
        %get3A_292 = arith.constant 544 : index
        %get3A_293 = tpu.vector_load %arg7[%get3A_291, %get3A_292] {strides = array<i32>} : memref<4x768xf32, #tpu.memory_space<vmem>>, vector<1x16xf32>,
        %get3A_294 = vector.shape_cast %get3A_293 : vector<1x16xf32> to vector<16xf32>
        %get3A_295 = arith.index_cast %sub3A_155 : i32 to index
        %get3A_296 = arith.constant 560 : index
        %get3A_297 = tpu.vector_load %arg7[%get3A_295, %get3A_296] {strides = array<i32>} : memref<4x768xf32, #tpu.memory_space<vmem>>, vector<1x16xf32>,
        %get3A_298 = vector.shape_cast %get3A_297 : vector<1x16xf32> to vector<16xf32>
        %get3A_299 = arith.index_cast %sub3A_155 : i32 to index
        %get3A_300 = arith.constant 576 : index
        %get3A_301 = tpu.vector_load %arg7[%get3A_299, %get3A_300] {strides = array<i32>} : memref<4x768xf32, #tpu.memory_space<vmem>>, vector<1x16xf32>,
        %get3A_302 = vector.shape_cast %get3A_301 : vector<1x16xf32> to vector<16xf32>
        %get3A_303 = arith.index_cast %sub3A_155 : i32 to index
        %get3A_304 = arith.constant 592 : index
        %get3A_305 = tpu.vector_load %arg7[%get3A_303, %get3A_304] {strides = array<i32>} : memref<4x768xf32, #tpu.memory_space<vmem>>, vector<1x16xf32>,
        %get3A_306 = vector.shape_cast %get3A_305 : vector<1x16xf32> to vector<16xf32>
        %get3A_307 = arith.index_cast %sub3A_155 : i32 to index
        %get3A_308 = arith.constant 608 : index
        %get3A_309 = tpu.vector_load %arg7[%get3A_307, %get3A_308] {strides = array<i32>} : memref<4x768xf32, #tpu.memory_space<vmem>>, vector<1x16xf32>,
        %get3A_310 = vector.shape_cast %get3A_309 : vector<1x16xf32> to vector<16xf32>
        %get3A_311 = arith.index_cast %sub3A_155 : i32 to index
        %get3A_312 = arith.constant 624 : index
        %get3A_313 = tpu.vector_load %arg7[%get3A_311, %get3A_312] {strides = array<i32>} : memref<4x768xf32, #tpu.memory_space<vmem>>, vector<1x16xf32>,
        %get3A_314 = vector.shape_cast %get3A_313 : vector<1x16xf32> to vector<16xf32>
        %get3A_315 = arith.index_cast %sub3A_155 : i32 to index
        %get3A_316 = arith.constant 640 : index
        %get3A_317 = tpu.vector_load %arg7[%get3A_315, %get3A_316] {strides = array<i32>} : memref<4x768xf32, #tpu.memory_space<vmem>>, vector<1x16xf32>,
        %get3A_318 = vector.shape_cast %get3A_317 : vector<1x16xf32> to vector<16xf32>
        %get3A_319 = arith.index_cast %sub3A_155 : i32 to index
        %get3A_320 = arith.constant 656 : index
        %get3A_321 = tpu.vector_load %arg7[%get3A_319, %get3A_320] {strides = array<i32>} : memref<4x768xf32, #tpu.memory_space<vmem>>, vector<1x16xf32>,
        %get3A_322 = vector.shape_cast %get3A_321 : vector<1x16xf32> to vector<16xf32>
        %get3A_323 = arith.index_cast %sub3A_155 : i32 to index
        %get3A_324 = arith.constant 672 : index
        %get3A_325 = tpu.vector_load %arg7[%get3A_323, %get3A_324] {strides = array<i32>} : memref<4x768xf32, #tpu.memory_space<vmem>>, vector<1x16xf32>,
        %get3A_326 = vector.shape_cast %get3A_325 : vector<1x16xf32> to vector<16xf32>
        %get3A_327 = arith.index_cast %sub3A_155 : i32 to index
        %get3A_328 = arith.constant 688 : index
        %get3A_329 = tpu.vector_load %arg7[%get3A_327, %get3A_328] {strides = array<i32>} : memref<4x768xf32, #tpu.memory_space<vmem>>, vector<1x16xf32>,
        %get3A_330 = vector.shape_cast %get3A_329 : vector<1x16xf32> to vector<16xf32>
        %get3A_331 = arith.index_cast %sub3A_155 : i32 to index
        %get3A_332 = arith.constant 704 : index
        %get3A_333 = tpu.vector_load %arg7[%get3A_331, %get3A_332] {strides = array<i32>} : memref<4x768xf32, #tpu.memory_space<vmem>>, vector<1x16xf32>,
        %get3A_334 = vector.shape_cast %get3A_333 : vector<1x16xf32> to vector<16xf32>
        %get3A_335 = arith.index_cast %sub3A_155 : i32 to index
        %get3A_336 = arith.constant 720 : index
        %get3A_337 = tpu.vector_load %arg7[%get3A_335, %get3A_336] {strides = array<i32>} : memref<4x768xf32, #tpu.memory_space<vmem>>, vector<1x16xf32>,
        %get3A_338 = vector.shape_cast %get3A_337 : vector<1x16xf32> to vector<16xf32>
        %get3A_339 = arith.index_cast %sub3A_155 : i32 to index
        %get3A_340 = arith.constant 736 : index
        %get3A_341 = tpu.vector_load %arg7[%get3A_339, %get3A_340] {strides = array<i32>} : memref<4x768xf32, #tpu.memory_space<vmem>>, vector<1x16xf32>,
        %get3A_342 = vector.shape_cast %get3A_341 : vector<1x16xf32> to vector<16xf32>
        %get3A_343 = arith.index_cast %sub3A_155 : i32 to index
        %get3A_344 = arith.constant 752 : index
        %get3A_345 = tpu.vector_load %arg7[%get3A_343, %get3A_344] {strides = array<i32>} : memref<4x768xf32, #tpu.memory_space<vmem>>, vector<1x16xf32>,
        %get3A_346 = vector.shape_cast %get3A_345 : vector<1x16xf32> to vector<16xf32>
        %scan3A_347 = arith.constant 0 : i32
        %scan3A_348 = arith.constant 32 : i32
        %scan3A_349 = arith.addi %scan3A_347, %scan3A_348 : i32
        %scan3A_350 = arith.constant 1 : i32
        scf.for %scan3A_359 = %scan3A_347 to %scan3A_349 step %scan3A_350  : i32 {
          %swap3A = arith.index_cast %scan3A_359 : i32 to index
          %swap3A_360 = arith.constant 0 : index
          %swap3A_361 = tpu.vector_load %arg9[%swap3A, %swap3A_360] {strides = array<i32>} : memref<32x768xf32, #tpu.memory_space<vmem>>, vector<1x16xf32>,
          %swap3A_362 = vector.shape_cast %swap3A_361 : vector<1x16xf32> to vector<16xf32>
          %swap3A_363 = vector.shape_cast %get3A_158 : vector<16xf32> to vector<1x16xf32>
          tpu.vector_store %arg9[%swap3A, %swap3A_360], %swap3A_363 {add = true, strides = array<i32>} : memref<32x768xf32, #tpu.memory_space<vmem>>, vector<1x16xf32>,
          %swap3A_364 = arith.index_cast %scan3A_359 : i32 to index
          %swap3A_365 = arith.constant 16 : index
          %swap3A_366 = tpu.vector_load %arg9[%swap3A_364, %swap3A_365] {strides = array<i32>} : memref<32x768xf32, #tpu.memory_space<vmem>>, vector<1x16xf32>,
          %swap3A_367 = vector.shape_cast %swap3A_366 : vector<1x16xf32> to vector<16xf32>
          %swap3A_368 = vector.shape_cast %get3A_162 : vector<16xf32> to vector<1x16xf32>
          tpu.vector_store %arg9[%swap3A_364, %swap3A_365], %swap3A_368 {add = true, strides = array<i32>} : memref<32x768xf32, #tpu.memory_space<vmem>>, vector<1x16xf32>,
          %swap3A_369 = arith.index_cast %scan3A_359 : i32 to index
          %swap3A_370 = arith.constant 32 : index
          %swap3A_371 = tpu.vector_load %arg9[%swap3A_369, %swap3A_370] {strides = array<i32>} : memref<32x768xf32, #tpu.memory_space<vmem>>, vector<1x16xf32>,
          %swap3A_372 = vector.shape_cast %swap3A_371 : vector<1x16xf32> to vector<16xf32>
          %swap3A_373 = vector.shape_cast %get3A_166 : vector<16xf32> to vector<1x16xf32>
          tpu.vector_store %arg9[%swap3A_369, %swap3A_370], %swap3A_373 {add = true, strides = array<i32>} : memref<32x768xf32, #tpu.memory_space<vmem>>, vector<1x16xf32>,
          %swap3A_374 = arith.index_cast %scan3A_359 : i32 to index
          %swap3A_375 = arith.constant 48 : index
          %swap3A_376 = tpu.vector_load %arg9[%swap3A_374, %swap3A_375] {strides = array<i32>} : memref<32x768xf32, #tpu.memory_space<vmem>>, vector<1x16xf32>,
          %swap3A_377 = vector.shape_cast %swap3A_376 : vector<1x16xf32> to vector<16xf32>
          %swap3A_378 = vector.shape_cast %get3A_170 : vector<16xf32> to vector<1x16xf32>
          tpu.vector_store %arg9[%swap3A_374, %swap3A_375], %swap3A_378 {add = true, strides = array<i32>} : memref<32x768xf32, #tpu.memory_space<vmem>>, vector<1x16xf32>,
          %swap3A_379 = arith.index_cast %scan3A_359 : i32 to index
          %swap3A_380 = arith.constant 64 : index
          %swap3A_381 = tpu.vector_load %arg9[%swap3A_379, %swap3A_380] {strides = array<i32>} : memref<32x768xf32, #tpu.memory_space<vmem>>, vector<1x16xf32>,
          %swap3A_382 = vector.shape_cast %swap3A_381 : vector<1x16xf32> to vector<16xf32>
          %swap3A_383 = vector.shape_cast %get3A_174 : vector<16xf32> to vector<1x16xf32>
          tpu.vector_store %arg9[%swap3A_379, %swap3A_380], %swap3A_383 {add = true, strides = array<i32>} : memref<32x768xf32, #tpu.memory_space<vmem>>, vector<1x16xf32>,
          %swap3A_384 = arith.index_cast %scan3A_359 : i32 to index
          %swap3A_385 = arith.constant 80 : index
          %swap3A_386 = tpu.vector_load %arg9[%swap3A_384, %swap3A_385] {strides = array<i32>} : memref<32x768xf32, #tpu.memory_space<vmem>>, vector<1x16xf32>,
          %swap3A_387 = vector.shape_cast %swap3A_386 : vector<1x16xf32> to vector<16xf32>
          %swap3A_388 = vector.shape_cast %get3A_178 : vector<16xf32> to vector<1x16xf32>
          tpu.vector_store %arg9[%swap3A_384, %swap3A_385], %swap3A_388 {add = true, strides = array<i32>} : memref<32x768xf32, #tpu.memory_space<vmem>>, vector<1x16xf32>,
          %swap3A_389 = arith.index_cast %scan3A_359 : i32 to index
          %swap3A_390 = arith.constant 96 : index
          %swap3A_391 = tpu.vector_load %arg9[%swap3A_389, %swap3A_390] {strides = array<i32>} : memref<32x768xf32, #tpu.memory_space<vmem>>, vector<1x16xf32>,
          %swap3A_392 = vector.shape_cast %swap3A_391 : vector<1x16xf32> to vector<16xf32>
          %swap3A_393 = vector.shape_cast %get3A_182 : vector<16xf32> to vector<1x16xf32>
          tpu.vector_store %arg9[%swap3A_389, %swap3A_390], %swap3A_393 {add = true, strides = array<i32>} : memref<32x768xf32, #tpu.memory_space<vmem>>, vector<1x16xf32>,
          %swap3A_394 = arith.index_cast %scan3A_359 : i32 to index
          %swap3A_395 = arith.constant 112 : index
          %swap3A_396 = tpu.vector_load %arg9[%swap3A_394, %swap3A_395] {strides = array<i32>} : memref<32x768xf32, #tpu.memory_space<vmem>>, vector<1x16xf32>,
          %swap3A_397 = vector.shape_cast %swap3A_396 : vector<1x16xf32> to vector<16xf32>
          %swap3A_398 = vector.shape_cast %get3A_186 : vector<16xf32> to vector<1x16xf32>
          tpu.vector_store %arg9[%swap3A_394, %swap3A_395], %swap3A_398 {add = true, strides = array<i32>} : memref<32x768xf32, #tpu.memory_space<vmem>>, vector<1x16xf32>,
          %swap3A_399 = arith.index_cast %scan3A_359 : i32 to index
          %swap3A_400 = arith.constant 128 : index
          %swap3A_401 = tpu.vector_load %arg9[%swap3A_399, %swap3A_400] {strides = array<i32>} : memref<32x768xf32, #tpu.memory_space<vmem>>, vector<1x16xf32>,
          %swap3A_402 = vector.shape_cast %swap3A_401 : vector<1x16xf32> to vector<16xf32>
          %swap3A_403 = vector.shape_cast %get3A_190 : vector<16xf32> to vector<1x16xf32>
          tpu.vector_store %arg9[%swap3A_399, %swap3A_400], %swap3A_403 {add = true, strides = array<i32>} : memref<32x768xf32, #tpu.memory_space<vmem>>, vector<1x16xf32>,
          %swap3A_404 = arith.index_cast %scan3A_359 : i32 to index
          %swap3A_405 = arith.constant 144 : index
          %swap3A_406 = tpu.vector_load %arg9[%swap3A_404, %swap3A_405] {strides = array<i32>} : memref<32x768xf32, #tpu.memory_space<vmem>>, vector<1x16xf32>,
          %swap3A_407 = vector.shape_cast %swap3A_406 : vector<1x16xf32> to vector<16xf32>
          %swap3A_408 = vector.shape_cast %get3A_194 : vector<16xf32> to vector<1x16xf32>
          tpu.vector_store %arg9[%swap3A_404, %swap3A_405], %swap3A_408 {add = true, strides = array<i32>} : memref<32x768xf32, #tpu.memory_space<vmem>>, vector<1x16xf32>,
          %swap3A_409 = arith.index_cast %scan3A_359 : i32 to index
          %swap3A_410 = arith.constant 160 : index
          %swap3A_411 = tpu.vector_load %arg9[%swap3A_409, %swap3A_410] {strides = array<i32>} : memref<32x768xf32, #tpu.memory_space<vmem>>, vector<1x16xf32>,
          %swap3A_412 = vector.shape_cast %swap3A_411 : vector<1x16xf32> to vector<16xf32>
          %swap3A_413 = vector.shape_cast %get3A_198 : vector<16xf32> to vector<1x16xf32>
          tpu.vector_store %arg9[%swap3A_409, %swap3A_410], %swap3A_413 {add = true, strides = array<i32>} : memref<32x768xf32, #tpu.memory_space<vmem>>, vector<1x16xf32>,
          %swap3A_414 = arith.index_cast %scan3A_359 : i32 to index
          %swap3A_415 = arith.constant 176 : index
          %swap3A_416 = tpu.vector_load %arg9[%swap3A_414, %swap3A_415] {strides = array<i32>} : memref<32x768xf32, #tpu.memory_space<vmem>>, vector<1x16xf32>,
          %swap3A_417 = vector.shape_cast %swap3A_416 : vector<1x16xf32> to vector<16xf32>
          %swap3A_418 = vector.shape_cast %get3A_202 : vector<16xf32> to vector<1x16xf32>
          tpu.vector_store %arg9[%swap3A_414, %swap3A_415], %swap3A_418 {add = true, strides = array<i32>} : memref<32x768xf32, #tpu.memory_space<vmem>>, vector<1x16xf32>,
          %swap3A_419 = arith.index_cast %scan3A_359 : i32 to index
          %swap3A_420 = arith.constant 192 : index
          %swap3A_421 = tpu.vector_load %arg9[%swap3A_419, %swap3A_420] {strides = array<i32>} : memref<32x768xf32, #tpu.memory_space<vmem>>, vector<1x16xf32>,
          %swap3A_422 = vector.shape_cast %swap3A_421 : vector<1x16xf32> to vector<16xf32>
          %swap3A_423 = vector.shape_cast %get3A_206 : vector<16xf32> to vector<1x16xf32>
          tpu.vector_store %arg9[%swap3A_419, %swap3A_420], %swap3A_423 {add = true, strides = array<i32>} : memref<32x768xf32, #tpu.memory_space<vmem>>, vector<1x16xf32>,
          %swap3A_424 = arith.index_cast %scan3A_359 : i32 to index
          %swap3A_425 = arith.constant 208 : index
          %swap3A_426 = tpu.vector_load %arg9[%swap3A_424, %swap3A_425] {strides = array<i32>} : memref<32x768xf32, #tpu.memory_space<vmem>>, vector<1x16xf32>,
          %swap3A_427 = vector.shape_cast %swap3A_426 : vector<1x16xf32> to vector<16xf32>
          %swap3A_428 = vector.shape_cast %get3A_210 : vector<16xf32> to vector<1x16xf32>
          tpu.vector_store %arg9[%swap3A_424, %swap3A_425], %swap3A_428 {add = true, strides = array<i32>} : memref<32x768xf32, #tpu.memory_space<vmem>>, vector<1x16xf32>,
          %swap3A_429 = arith.index_cast %scan3A_359 : i32 to index
          %swap3A_430 = arith.constant 224 : index
          %swap3A_431 = tpu.vector_load %arg9[%swap3A_429, %swap3A_430] {strides = array<i32>} : memref<32x768xf32, #tpu.memory_space<vmem>>, vector<1x16xf32>,
          %swap3A_432 = vector.shape_cast %swap3A_431 : vector<1x16xf32> to vector<16xf32>
          %swap3A_433 = vector.shape_cast %get3A_214 : vector<16xf32> to vector<1x16xf32>
          tpu.vector_store %arg9[%swap3A_429, %swap3A_430], %swap3A_433 {add = true, strides = array<i32>} : memref<32x768xf32, #tpu.memory_space<vmem>>, vector<1x16xf32>,
          %swap3A_434 = arith.index_cast %scan3A_359 : i32 to index
          %swap3A_435 = arith.constant 240 : index
          %swap3A_436 = tpu.vector_load %arg9[%swap3A_434, %swap3A_435] {strides = array<i32>} : memref<32x768xf32, #tpu.memory_space<vmem>>, vector<1x16xf32>,
          %swap3A_437 = vector.shape_cast %swap3A_436 : vector<1x16xf32> to vector<16xf32>
          %swap3A_438 = vector.shape_cast %get3A_218 : vector<16xf32> to vector<1x16xf32>
          tpu.vector_store %arg9[%swap3A_434, %swap3A_435], %swap3A_438 {add = true, strides = array<i32>} : memref<32x768xf32, #tpu.memory_space<vmem>>, vector<1x16xf32>,
          %swap3A_439 = arith.index_cast %scan3A_359 : i32 to index
          %swap3A_440 = arith.constant 256 : index
          %swap3A_441 = tpu.vector_load %arg9[%swap3A_439, %swap3A_440] {strides = array<i32>} : memref<32x768xf32, #tpu.memory_space<vmem>>, vector<1x16xf32>,
          %swap3A_442 = vector.shape_cast %swap3A_441 : vector<1x16xf32> to vector<16xf32>
          %swap3A_443 = vector.shape_cast %get3A_222 : vector<16xf32> to vector<1x16xf32>
          tpu.vector_store %arg9[%swap3A_439, %swap3A_440], %swap3A_443 {add = true, strides = array<i32>} : memref<32x768xf32, #tpu.memory_space<vmem>>, vector<1x16xf32>,
          %swap3A_444 = arith.index_cast %scan3A_359 : i32 to index
          %swap3A_445 = arith.constant 272 : index
          %swap3A_446 = tpu.vector_load %arg9[%swap3A_444, %swap3A_445] {strides = array<i32>} : memref<32x768xf32, #tpu.memory_space<vmem>>, vector<1x16xf32>,
          %swap3A_447 = vector.shape_cast %swap3A_446 : vector<1x16xf32> to vector<16xf32>
          %swap3A_448 = vector.shape_cast %get3A_226 : vector<16xf32> to vector<1x16xf32>
          tpu.vector_store %arg9[%swap3A_444, %swap3A_445], %swap3A_448 {add = true, strides = array<i32>} : memref<32x768xf32, #tpu.memory_space<vmem>>, vector<1x16xf32>,
          %swap3A_449 = arith.index_cast %scan3A_359 : i32 to index
          %swap3A_450 = arith.constant 288 : index
          %swap3A_451 = tpu.vector_load %arg9[%swap3A_449, %swap3A_450] {strides = array<i32>} : memref<32x768xf32, #tpu.memory_space<vmem>>, vector<1x16xf32>,
          %swap3A_452 = vector.shape_cast %swap3A_451 : vector<1x16xf32> to vector<16xf32>
          %swap3A_453 = vector.shape_cast %get3A_230 : vector<16xf32> to vector<1x16xf32>
          tpu.vector_store %arg9[%swap3A_449, %swap3A_450], %swap3A_453 {add = true, strides = array<i32>} : memref<32x768xf32, #tpu.memory_space<vmem>>, vector<1x16xf32>,
          %swap3A_454 = arith.index_cast %scan3A_359 : i32 to index
          %swap3A_455 = arith.constant 304 : index
          %swap3A_456 = tpu.vector_load %arg9[%swap3A_454, %swap3A_455] {strides = array<i32>} : memref<32x768xf32, #tpu.memory_space<vmem>>, vector<1x16xf32>,
          %swap3A_457 = vector.shape_cast %swap3A_456 : vector<1x16xf32> to vector<16xf32>
          %swap3A_458 = vector.shape_cast %get3A_234 : vector<16xf32> to vector<1x16xf32>
          tpu.vector_store %arg9[%swap3A_454, %swap3A_455], %swap3A_458 {add = true, strides = array<i32>} : memref<32x768xf32, #tpu.memory_space<vmem>>, vector<1x16xf32>,
          %swap3A_459 = arith.index_cast %scan3A_359 : i32 to index
          %swap3A_460 = arith.constant 320 : index
          %swap3A_461 = tpu.vector_load %arg9[%swap3A_459, %swap3A_460] {strides = array<i32>} : memref<32x768xf32, #tpu.memory_space<vmem>>, vector<1x16xf32>,
          %swap3A_462 = vector.shape_cast %swap3A_461 : vector<1x16xf32> to vector<16xf32>
          %swap3A_463 = vector.shape_cast %get3A_238 : vector<16xf32> to vector<1x16xf32>
          tpu.vector_store %arg9[%swap3A_459, %swap3A_460], %swap3A_463 {add = true, strides = array<i32>} : memref<32x768xf32, #tpu.memory_space<vmem>>, vector<1x16xf32>,
          %swap3A_464 = arith.index_cast %scan3A_359 : i32 to index
          %swap3A_465 = arith.constant 336 : index
          %swap3A_466 = tpu.vector_load %arg9[%swap3A_464, %swap3A_465] {strides = array<i32>} : memref<32x768xf32, #tpu.memory_space<vmem>>, vector<1x16xf32>,
          %swap3A_467 = vector.shape_cast %swap3A_466 : vector<1x16xf32> to vector<16xf32>
          %swap3A_468 = vector.shape_cast %get3A_242 : vector<16xf32> to vector<1x16xf32>
          tpu.vector_store %arg9[%swap3A_464, %swap3A_465], %swap3A_468 {add = true, strides = array<i32>} : memref<32x768xf32, #tpu.memory_space<vmem>>, vector<1x16xf32>,
          %swap3A_469 = arith.index_cast %scan3A_359 : i32 to index
          %swap3A_470 = arith.constant 352 : index
          %swap3A_471 = tpu.vector_load %arg9[%swap3A_469, %swap3A_470] {strides = array<i32>} : memref<32x768xf32, #tpu.memory_space<vmem>>, vector<1x16xf32>,
          %swap3A_472 = vector.shape_cast %swap3A_471 : vector<1x16xf32> to vector<16xf32>
          %swap3A_473 = vector.shape_cast %get3A_246 : vector<16xf32> to vector<1x16xf32>
          tpu.vector_store %arg9[%swap3A_469, %swap3A_470], %swap3A_473 {add = true, strides = array<i32>} : memref<32x768xf32, #tpu.memory_space<vmem>>, vector<1x16xf32>,
          %swap3A_474 = arith.index_cast %scan3A_359 : i32 to index
          %swap3A_475 = arith.constant 368 : index
          %swap3A_476 = tpu.vector_load %arg9[%swap3A_474, %swap3A_475] {strides = array<i32>} : memref<32x768xf32, #tpu.memory_space<vmem>>, vector<1x16xf32>,
          %swap3A_477 = vector.shape_cast %swap3A_476 : vector<1x16xf32> to vector<16xf32>
          %swap3A_478 = vector.shape_cast %get3A_250 : vector<16xf32> to vector<1x16xf32>
          tpu.vector_store %arg9[%swap3A_474, %swap3A_475], %swap3A_478 {add = true, strides = array<i32>} : memref<32x768xf32, #tpu.memory_space<vmem>>, vector<1x16xf32>,
          %swap3A_479 = arith.index_cast %scan3A_359 : i32 to index
          %swap3A_480 = arith.constant 384 : index
          %swap3A_481 = tpu.vector_load %arg9[%swap3A_479, %swap3A_480] {strides = array<i32>} : memref<32x768xf32, #tpu.memory_space<vmem>>, vector<1x16xf32>,
          %swap3A_482 = vector.shape_cast %swap3A_481 : vector<1x16xf32> to vector<16xf32>
          %swap3A_483 = vector.shape_cast %get3A_254 : vector<16xf32> to vector<1x16xf32>
          tpu.vector_store %arg9[%swap3A_479, %swap3A_480], %swap3A_483 {add = true, strides = array<i32>} : memref<32x768xf32, #tpu.memory_space<vmem>>, vector<1x16xf32>,
          %swap3A_484 = arith.index_cast %scan3A_359 : i32 to index
          %swap3A_485 = arith.constant 400 : index
          %swap3A_486 = tpu.vector_load %arg9[%swap3A_484, %swap3A_485] {strides = array<i32>} : memref<32x768xf32, #tpu.memory_space<vmem>>, vector<1x16xf32>,
          %swap3A_487 = vector.shape_cast %swap3A_486 : vector<1x16xf32> to vector<16xf32>
          %swap3A_488 = vector.shape_cast %get3A_258 : vector<16xf32> to vector<1x16xf32>
          tpu.vector_store %arg9[%swap3A_484, %swap3A_485], %swap3A_488 {add = true, strides = array<i32>} : memref<32x768xf32, #tpu.memory_space<vmem>>, vector<1x16xf32>,
          %swap3A_489 = arith.index_cast %scan3A_359 : i32 to index
          %swap3A_490 = arith.constant 416 : index
          %swap3A_491 = tpu.vector_load %arg9[%swap3A_489, %swap3A_490] {strides = array<i32>} : memref<32x768xf32, #tpu.memory_space<vmem>>, vector<1x16xf32>,
          %swap3A_492 = vector.shape_cast %swap3A_491 : vector<1x16xf32> to vector<16xf32>
          %swap3A_493 = vector.shape_cast %get3A_262 : vector<16xf32> to vector<1x16xf32>
          tpu.vector_store %arg9[%swap3A_489, %swap3A_490], %swap3A_493 {add = true, strides = array<i32>} : memref<32x768xf32, #tpu.memory_space<vmem>>, vector<1x16xf32>,
          %swap3A_494 = arith.index_cast %scan3A_359 : i32 to index
          %swap3A_495 = arith.constant 432 : index
          %swap3A_496 = tpu.vector_load %arg9[%swap3A_494, %swap3A_495] {strides = array<i32>} : memref<32x768xf32, #tpu.memory_space<vmem>>, vector<1x16xf32>,
          %swap3A_497 = vector.shape_cast %swap3A_496 : vector<1x16xf32> to vector<16xf32>
          %swap3A_498 = vector.shape_cast %get3A_266 : vector<16xf32> to vector<1x16xf32>
          tpu.vector_store %arg9[%swap3A_494, %swap3A_495], %swap3A_498 {add = true, strides = array<i32>} : memref<32x768xf32, #tpu.memory_space<vmem>>, vector<1x16xf32>,
          %swap3A_499 = arith.index_cast %scan3A_359 : i32 to index
          %swap3A_500 = arith.constant 448 : index
          %swap3A_501 = tpu.vector_load %arg9[%swap3A_499, %swap3A_500] {strides = array<i32>} : memref<32x768xf32, #tpu.memory_space<vmem>>, vector<1x16xf32>,
          %swap3A_502 = vector.shape_cast %swap3A_501 : vector<1x16xf32> to vector<16xf32>
          %swap3A_503 = vector.shape_cast %get3A_270 : vector<16xf32> to vector<1x16xf32>
          tpu.vector_store %arg9[%swap3A_499, %swap3A_500], %swap3A_503 {add = true, strides = array<i32>} : memref<32x768xf32, #tpu.memory_space<vmem>>, vector<1x16xf32>,
          %swap3A_504 = arith.index_cast %scan3A_359 : i32 to index
          %swap3A_505 = arith.constant 464 : index
          %swap3A_506 = tpu.vector_load %arg9[%swap3A_504, %swap3A_505] {strides = array<i32>} : memref<32x768xf32, #tpu.memory_space<vmem>>, vector<1x16xf32>,
          %swap3A_507 = vector.shape_cast %swap3A_506 : vector<1x16xf32> to vector<16xf32>
          %swap3A_508 = vector.shape_cast %get3A_274 : vector<16xf32> to vector<1x16xf32>
          tpu.vector_store %arg9[%swap3A_504, %swap3A_505], %swap3A_508 {add = true, strides = array<i32>} : memref<32x768xf32, #tpu.memory_space<vmem>>, vector<1x16xf32>,
          %swap3A_509 = arith.index_cast %scan3A_359 : i32 to index
          %swap3A_510 = arith.constant 480 : index
          %swap3A_511 = tpu.vector_load %arg9[%swap3A_509, %swap3A_510] {strides = array<i32>} : memref<32x768xf32, #tpu.memory_space<vmem>>, vector<1x16xf32>,
          %swap3A_512 = vector.shape_cast %swap3A_511 : vector<1x16xf32> to vector<16xf32>
          %swap3A_513 = vector.shape_cast %get3A_278 : vector<16xf32> to vector<1x16xf32>
          tpu.vector_store %arg9[%swap3A_509, %swap3A_510], %swap3A_513 {add = true, strides = array<i32>} : memref<32x768xf32, #tpu.memory_space<vmem>>, vector<1x16xf32>,
          %swap3A_514 = arith.index_cast %scan3A_359 : i32 to index
          %swap3A_515 = arith.constant 496 : index
          %swap3A_516 = tpu.vector_load %arg9[%swap3A_514, %swap3A_515] {strides = array<i32>} : memref<32x768xf32, #tpu.memory_space<vmem>>, vector<1x16xf32>,
          %swap3A_517 = vector.shape_cast %swap3A_516 : vector<1x16xf32> to vector<16xf32>
          %swap3A_518 = vector.shape_cast %get3A_282 : vector<16xf32> to vector<1x16xf32>
          tpu.vector_store %arg9[%swap3A_514, %swap3A_515], %swap3A_518 {add = true, strides = array<i32>} : memref<32x768xf32, #tpu.memory_space<vmem>>, vector<1x16xf32>,
          %swap3A_519 = arith.index_cast %scan3A_359 : i32 to index
          %swap3A_520 = arith.constant 512 : index
          %swap3A_521 = tpu.vector_load %arg9[%swap3A_519, %swap3A_520] {strides = array<i32>} : memref<32x768xf32, #tpu.memory_space<vmem>>, vector<1x16xf32>,
          %swap3A_522 = vector.shape_cast %swap3A_521 : vector<1x16xf32> to vector<16xf32>
          %swap3A_523 = vector.shape_cast %get3A_286 : vector<16xf32> to vector<1x16xf32>
          tpu.vector_store %arg9[%swap3A_519, %swap3A_520], %swap3A_523 {add = true, strides = array<i32>} : memref<32x768xf32, #tpu.memory_space<vmem>>, vector<1x16xf32>,
          %swap3A_524 = arith.index_cast %scan3A_359 : i32 to index
          %swap3A_525 = arith.constant 528 : index
          %swap3A_526 = tpu.vector_load %arg9[%swap3A_524, %swap3A_525] {strides = array<i32>} : memref<32x768xf32, #tpu.memory_space<vmem>>, vector<1x16xf32>,
          %swap3A_527 = vector.shape_cast %swap3A_526 : vector<1x16xf32> to vector<16xf32>
          %swap3A_528 = vector.shape_cast %get3A_290 : vector<16xf32> to vector<1x16xf32>
          tpu.vector_store %arg9[%swap3A_524, %swap3A_525], %swap3A_528 {add = true, strides = array<i32>} : memref<32x768xf32, #tpu.memory_space<vmem>>, vector<1x16xf32>,
          %swap3A_529 = arith.index_cast %scan3A_359 : i32 to index
          %swap3A_530 = arith.constant 544 : index
          %swap3A_531 = tpu.vector_load %arg9[%swap3A_529, %swap3A_530] {strides = array<i32>} : memref<32x768xf32, #tpu.memory_space<vmem>>, vector<1x16xf32>,
          %swap3A_532 = vector.shape_cast %swap3A_531 : vector<1x16xf32> to vector<16xf32>
          %swap3A_533 = vector.shape_cast %get3A_294 : vector<16xf32> to vector<1x16xf32>
          tpu.vector_store %arg9[%swap3A_529, %swap3A_530], %swap3A_533 {add = true, strides = array<i32>} : memref<32x768xf32, #tpu.memory_space<vmem>>, vector<1x16xf32>,
          %swap3A_534 = arith.index_cast %scan3A_359 : i32 to index
          %swap3A_535 = arith.constant 560 : index
          %swap3A_536 = tpu.vector_load %arg9[%swap3A_534, %swap3A_535] {strides = array<i32>} : memref<32x768xf32, #tpu.memory_space<vmem>>, vector<1x16xf32>,
          %swap3A_537 = vector.shape_cast %swap3A_536 : vector<1x16xf32> to vector<16xf32>
          %swap3A_538 = vector.shape_cast %get3A_298 : vector<16xf32> to vector<1x16xf32>
          tpu.vector_store %arg9[%swap3A_534, %swap3A_535], %swap3A_538 {add = true, strides = array<i32>} : memref<32x768xf32, #tpu.memory_space<vmem>>, vector<1x16xf32>,
          %swap3A_539 = arith.index_cast %scan3A_359 : i32 to index
          %swap3A_540 = arith.constant 576 : index
          %swap3A_541 = tpu.vector_load %arg9[%swap3A_539, %swap3A_540] {strides = array<i32>} : memref<32x768xf32, #tpu.memory_space<vmem>>, vector<1x16xf32>,
          %swap3A_542 = vector.shape_cast %swap3A_541 : vector<1x16xf32> to vector<16xf32>
          %swap3A_543 = vector.shape_cast %get3A_302 : vector<16xf32> to vector<1x16xf32>
          tpu.vector_store %arg9[%swap3A_539, %swap3A_540], %swap3A_543 {add = true, strides = array<i32>} : memref<32x768xf32, #tpu.memory_space<vmem>>, vector<1x16xf32>,
          %swap3A_544 = arith.index_cast %scan3A_359 : i32 to index
          %swap3A_545 = arith.constant 592 : index
          %swap3A_546 = tpu.vector_load %arg9[%swap3A_544, %swap3A_545] {strides = array<i32>} : memref<32x768xf32, #tpu.memory_space<vmem>>, vector<1x16xf32>,
          %swap3A_547 = vector.shape_cast %swap3A_546 : vector<1x16xf32> to vector<16xf32>
          %swap3A_548 = vector.shape_cast %get3A_306 : vector<16xf32> to vector<1x16xf32>
          tpu.vector_store %arg9[%swap3A_544, %swap3A_545], %swap3A_548 {add = true, strides = array<i32>} : memref<32x768xf32, #tpu.memory_space<vmem>>, vector<1x16xf32>,
          %swap3A_549 = arith.index_cast %scan3A_359 : i32 to index
          %swap3A_550 = arith.constant 608 : index
          %swap3A_551 = tpu.vector_load %arg9[%swap3A_549, %swap3A_550] {strides = array<i32>} : memref<32x768xf32, #tpu.memory_space<vmem>>, vector<1x16xf32>,
          %swap3A_552 = vector.shape_cast %swap3A_551 : vector<1x16xf32> to vector<16xf32>
          %swap3A_553 = vector.shape_cast %get3A_310 : vector<16xf32> to vector<1x16xf32>
          tpu.vector_store %arg9[%swap3A_549, %swap3A_550], %swap3A_553 {add = true, strides = array<i32>} : memref<32x768xf32, #tpu.memory_space<vmem>>, vector<1x16xf32>,
          %swap3A_554 = arith.index_cast %scan3A_359 : i32 to index
          %swap3A_555 = arith.constant 624 : index
          %swap3A_556 = tpu.vector_load %arg9[%swap3A_554, %swap3A_555] {strides = array<i32>} : memref<32x768xf32, #tpu.memory_space<vmem>>, vector<1x16xf32>,
          %swap3A_557 = vector.shape_cast %swap3A_556 : vector<1x16xf32> to vector<16xf32>
          %swap3A_558 = vector.shape_cast %get3A_314 : vector<16xf32> to vector<1x16xf32>
          tpu.vector_store %arg9[%swap3A_554, %swap3A_555], %swap3A_558 {add = true, strides = array<i32>} : memref<32x768xf32, #tpu.memory_space<vmem>>, vector<1x16xf32>,
          %swap3A_559 = arith.index_cast %scan3A_359 : i32 to index
          %swap3A_560 = arith.constant 640 : index
          %swap3A_561 = tpu.vector_load %arg9[%swap3A_559, %swap3A_560] {strides = array<i32>} : memref<32x768xf32, #tpu.memory_space<vmem>>, vector<1x16xf32>,
          %swap3A_562 = vector.shape_cast %swap3A_561 : vector<1x16xf32> to vector<16xf32>
          %swap3A_563 = vector.shape_cast %get3A_318 : vector<16xf32> to vector<1x16xf32>
          tpu.vector_store %arg9[%swap3A_559, %swap3A_560], %swap3A_563 {add = true, strides = array<i32>} : memref<32x768xf32, #tpu.memory_space<vmem>>, vector<1x16xf32>,
          %swap3A_564 = arith.index_cast %scan3A_359 : i32 to index
          %swap3A_565 = arith.constant 656 : index
          %swap3A_566 = tpu.vector_load %arg9[%swap3A_564, %swap3A_565] {strides = array<i32>} : memref<32x768xf32, #tpu.memory_space<vmem>>, vector<1x16xf32>,
          %swap3A_567 = vector.shape_cast %swap3A_566 : vector<1x16xf32> to vector<16xf32>
          %swap3A_568 = vector.shape_cast %get3A_322 : vector<16xf32> to vector<1x16xf32>
          tpu.vector_store %arg9[%swap3A_564, %swap3A_565], %swap3A_568 {add = true, strides = array<i32>} : memref<32x768xf32, #tpu.memory_space<vmem>>, vector<1x16xf32>,
          %swap3A_569 = arith.index_cast %scan3A_359 : i32 to index
          %swap3A_570 = arith.constant 672 : index
          %swap3A_571 = tpu.vector_load %arg9[%swap3A_569, %swap3A_570] {strides = array<i32>} : memref<32x768xf32, #tpu.memory_space<vmem>>, vector<1x16xf32>,
          %swap3A_572 = vector.shape_cast %swap3A_571 : vector<1x16xf32> to vector<16xf32>
          %swap3A_573 = vector.shape_cast %get3A_326 : vector<16xf32> to vector<1x16xf32>
          tpu.vector_store %arg9[%swap3A_569, %swap3A_570], %swap3A_573 {add = true, strides = array<i32>} : memref<32x768xf32, #tpu.memory_space<vmem>>, vector<1x16xf32>,
          %swap3A_574 = arith.index_cast %scan3A_359 : i32 to index
          %swap3A_575 = arith.constant 688 : index
          %swap3A_576 = tpu.vector_load %arg9[%swap3A_574, %swap3A_575] {strides = array<i32>} : memref<32x768xf32, #tpu.memory_space<vmem>>, vector<1x16xf32>,
          %swap3A_577 = vector.shape_cast %swap3A_576 : vector<1x16xf32> to vector<16xf32>
          %swap3A_578 = vector.shape_cast %get3A_330 : vector<16xf32> to vector<1x16xf32>
          tpu.vector_store %arg9[%swap3A_574, %swap3A_575], %swap3A_578 {add = true, strides = array<i32>} : memref<32x768xf32, #tpu.memory_space<vmem>>, vector<1x16xf32>,
          %swap3A_579 = arith.index_cast %scan3A_359 : i32 to index
          %swap3A_580 = arith.constant 704 : index
          %swap3A_581 = tpu.vector_load %arg9[%swap3A_579, %swap3A_580] {strides = array<i32>} : memref<32x768xf32, #tpu.memory_space<vmem>>, vector<1x16xf32>,
          %swap3A_582 = vector.shape_cast %swap3A_581 : vector<1x16xf32> to vector<16xf32>
          %swap3A_583 = vector.shape_cast %get3A_334 : vector<16xf32> to vector<1x16xf32>
          tpu.vector_store %arg9[%swap3A_579, %swap3A_580], %swap3A_583 {add = true, strides = array<i32>} : memref<32x768xf32, #tpu.memory_space<vmem>>, vector<1x16xf32>,
          %swap3A_584 = arith.index_cast %scan3A_359 : i32 to index
          %swap3A_585 = arith.constant 720 : index
          %swap3A_586 = tpu.vector_load %arg9[%swap3A_584, %swap3A_585] {strides = array<i32>} : memref<32x768xf32, #tpu.memory_space<vmem>>, vector<1x16xf32>,
          %swap3A_587 = vector.shape_cast %swap3A_586 : vector<1x16xf32> to vector<16xf32>
          %swap3A_588 = vector.shape_cast %get3A_338 : vector<16xf32> to vector<1x16xf32>
          tpu.vector_store %arg9[%swap3A_584, %swap3A_585], %swap3A_588 {add = true, strides = array<i32>} : memref<32x768xf32, #tpu.memory_space<vmem>>, vector<1x16xf32>,
          %swap3A_589 = arith.index_cast %scan3A_359 : i32 to index
          %swap3A_590 = arith.constant 736 : index
          %swap3A_591 = tpu.vector_load %arg9[%swap3A_589, %swap3A_590] {strides = array<i32>} : memref<32x768xf32, #tpu.memory_space<vmem>>, vector<1x16xf32>,
          %swap3A_592 = vector.shape_cast %swap3A_591 : vector<1x16xf32> to vector<16xf32>
          %swap3A_593 = vector.shape_cast %get3A_342 : vector<16xf32> to vector<1x16xf32>
          tpu.vector_store %arg9[%swap3A_589, %swap3A_590], %swap3A_593 {add = true, strides = array<i32>} : memref<32x768xf32, #tpu.memory_space<vmem>>, vector<1x16xf32>,
          %swap3A_594 = arith.index_cast %scan3A_359 : i32 to index
          %swap3A_595 = arith.constant 752 : index
          %swap3A_596 = tpu.vector_load %arg9[%swap3A_594, %swap3A_595] {strides = array<i32>} : memref<32x768xf32, #tpu.memory_space<vmem>>, vector<1x16xf32>,
          %swap3A_597 = vector.shape_cast %swap3A_596 : vector<1x16xf32> to vector<16xf32>
          %swap3A_598 = vector.shape_cast %get3A_346 : vector<16xf32> to vector<1x16xf32>
          tpu.vector_store %arg9[%swap3A_594, %swap3A_595], %swap3A_598 {add = true, strides = array<i32>} : memref<32x768xf32, #tpu.memory_space<vmem>>, vector<1x16xf32>,
        }
        %scan3A_351 = arith.constant 32 : i32
        %mul3A_352 = arith.constant 32 : i32
        %mul3A_353 = arith.muli %add3A_77, %mul3A_352 : i32
        %add3A_354 = arith.addi %mul3A_2, %mul3A_353 : i32
        %dma_start3A_355 = arith.constant 0 : i32
        %dma_start3A_356 = tpu.memref_slice %arg5[%add3A_354, %dma_start3A_355] : memref<78848x768xf32, #tpu.memory_space<hbm>> -> memref<32x768xf32, #tpu.memory_space<hbm>>
        %dma_start3A_357 = arith.constant 0 : i32
        %dma_start3A_358 = tpu.memref_slice %arg5[%add3A_354, %dma_start3A_357] : memref<78848x768xf32, #tpu.memory_space<hbm>> -> memref<32x768xf32, #tpu.memory_space<hbm>>
        tpu.enqueue_dma source(%arg9 : memref<32x768xf32, #tpu.memory_space<vmem>>) target(%dma_start3A_358 : memref<32x768xf32, #tpu.memory_space<hbm>>) target_semaphore(%arg17 : memref<!tpu.dma_semaphore, #tpu.memory_space<semaphore_mem>>)
      } else {
      }
      %mul3A_90 = arith.constant 4 : i32
      %mul3A_91 = arith.muli %mul3A_90, %scan3A_60 : i32
      %add3A_92 = arith.constant 2 : i32
      %add3A_93 = arith.addi %mul3A_91, %add3A_92 : i32
      %add3A_94 = arith.constant 2 : i32
      %add3A_95 = arith.addi %add3A_93, %add3A_94 : i32
      %lt3A_96 = arith.constant 77 : i32
      %lt3A_97 = arith.cmpi slt, %add3A_95, %lt3A_96 : i32
      %convert_element_type3A_98 = arith.extui %lt3A_97 : i1 to i32
      %cond3A_99 = arith.constant 0 : i32
      %cond3A_100 = arith.cmpi ne, %convert_element_type3A_98, %cond3A_99 : i32
      scf.if %cond3A_100 {
        %ge3A = arith.constant 2 : i32
        %ge3A_122 = arith.cmpi sge, %add3A_93, %ge3A : i32
        %convert_element_type3A_123 = arith.extui %ge3A_122 : i1 to i32
        %cond3A_124 = arith.constant 0 : i32
        %cond3A_125 = arith.cmpi ne, %convert_element_type3A_123, %cond3A_124 : i32
        scf.if %cond3A_125 {
          %add3A_134 = arith.constant 2 : i32
          %add3A_135 = arith.addi %add3A_93, %add3A_134 : i32
          %sub3A_136 = arith.constant 4 : i32
          %sub3A_137 = arith.subi %add3A_135, %sub3A_136 : i32
          %mul3A_138 = arith.constant 32 : i32
          %mul3A_139 = arith.muli %sub3A_137, %mul3A_138 : i32
          %add3A_140 = arith.addi %mul3A_2, %mul3A_139 : i32
          %dma_wait3A_141 = arith.constant 0 : i32
          %dma_wait3A_142 = tpu.memref_slice %arg5[%add3A_140, %dma_wait3A_141] : memref<78848x768xf32, #tpu.memory_space<hbm>> -> memref<32x768xf32, #tpu.memory_space<hbm>>
          %dma_wait3A_143 = arith.constant 0 : i32
          %dma_wait3A_144 = tpu.memref_slice %arg5[%add3A_140, %dma_wait3A_143] : memref<78848x768xf32, #tpu.memory_space<hbm>> -> memref<32x768xf32, #tpu.memory_space<hbm>>
          tpu.wait_dma2 semaphore(%arg16 : memref<!tpu.dma_semaphore, #tpu.memory_space<semaphore_mem>>) src(%arg8 : memref<32x768xf32, #tpu.memory_space<vmem>>) dst(%dma_wait3A_144 : memref<32x768xf32, #tpu.memory_space<hbm>>)
        } else {
        }
        %add3A_126 = arith.constant 2 : i32
        %add3A_127 = arith.addi %add3A_93, %add3A_126 : i32
        %dma_start3A_128 = arith.constant 0 : i32
        %dma_start3A_129 = tpu.memref_slice %arg6[%add3A_127, %dma_start3A_128] : memref<77x32xi32, #tpu.memory_space<vmem>> -> memref<1x32xi32, #tpu.memory_space<vmem>>
        %dma_start3A_130 = tpu.memref_squeeze %dma_start3A_129 : memref<1x32xi32, #tpu.memory_space<vmem>> -> memref<32xi32, #tpu.memory_space<vmem>>
        %dma_start3A_131 = arith.constant 0 : i32
        %dma_start3A_132 = arith.constant 0 : i32
        %dma_start3A_133 = tpu.memref_slice %arg4[%dma_start3A_131, %dma_start3A_132] : memref<49408x768xf32, #tpu.memory_space<hbm>> -> memref<49408x768xf32, #tpu.memory_space<hbm>>
        tpu.enqueue_indirect_dma source(%dma_start3A_133 : memref<49408x768xf32, #tpu.memory_space<hbm>>) target(%arg8 : memref<32x768xf32, #tpu.memory_space<vmem>>) offsets(%dma_start3A_130 : memref<32xi32, #tpu.memory_space<vmem>>) semaphore(%arg12 : memref<!tpu.dma_semaphore, #tpu.memory_space<semaphore_mem>>)
      } else {
      }
      %lt3A_101 = arith.constant 77 : i32
      %lt3A_102 = arith.cmpi slt, %add3A_93, %lt3A_101 : i32
      %convert_element_type3A_103 = arith.extui %lt3A_102 : i1 to i32
      %cond3A_104 = arith.constant 0 : i32
      %cond3A_105 = arith.cmpi ne, %convert_element_type3A_103, %cond3A_104 : i32
      scf.if %cond3A_105 {
        %dma_wait3A_122 = arith.constant 0 : i32
        %dma_wait3A_123 = tpu.memref_slice %arg6[%add3A_93, %dma_wait3A_122] : memref<77x32xi32, #tpu.memory_space<vmem>> -> memref<1x32xi32, #tpu.memory_space<vmem>>
        %dma_wait3A_124 = tpu.memref_squeeze %dma_wait3A_123 : memref<1x32xi32, #tpu.memory_space<vmem>> -> memref<32xi32, #tpu.memory_space<vmem>>
        %dma_wait3A_125 = arith.constant 0 : i32
        %dma_wait3A_126 = arith.constant 0 : i32
        %dma_wait3A_127 = tpu.memref_slice %arg4[%dma_wait3A_125, %dma_wait3A_126] : memref<49408x768xf32, #tpu.memory_space<hbm>> -> memref<49408x768xf32, #tpu.memory_space<hbm>>
        tpu.wait_indirect_dma semaphore(%arg14 : memref<!tpu.dma_semaphore, #tpu.memory_space<semaphore_mem>>) src(%dma_wait3A_127 : memref<49408x768xf32, #tpu.memory_space<hbm>>) dst(%arg10 : memref<32x768xf32, #tpu.memory_space<vmem>>)
        %mul3A_128 = arith.constant 32 : i32
        %mul3A_129 = arith.muli %add3A_93, %mul3A_128 : i32
        %add3A_130 = arith.addi %mul3A_2, %mul3A_129 : i32
        %jit3A_131 = arith.constant 1024 : i32
        %div3A_132 = arith.divsi %add3A_130, %jit3A_131 : i32
        %sign3A_133 = arith.constant 0 : i32
        %sign3A_134 = arith.cmpi sgt, %add3A_130, %sign3A_133 : i32
        %sign3A_135 = arith.extui %sign3A_134 : i1 to i32
        %sign3A_136 = arith.constant 0 : i32
        %sign3A_137 = arith.cmpi slt, %add3A_130, %sign3A_136 : i32
        %sign3A_138 = arith.extui %sign3A_137 : i1 to i32
        %sign3A_139 = arith.subi %sign3A_135, %sign3A_138 : i32
        %sign3A_140 = arith.constant 0 : i32
        %sign3A_141 = arith.cmpi sgt, %jit3A_131, %sign3A_140 : i32
        %sign3A_142 = arith.extui %sign3A_141 : i1 to i32
        %sign3A_143 = arith.constant 0 : i32
        %sign3A_144 = arith.cmpi slt, %jit3A_131, %sign3A_143 : i32
        %sign3A_145 = arith.extui %sign3A_144 : i1 to i32
        %sign3A_146 = arith.subi %sign3A_142, %sign3A_145 : i32
        %ne3A_147 = arith.cmpi ne, %sign3A_139, %sign3A_146 : i32
        %rem3A_148 = arith.remsi %add3A_130, %jit3A_131 : i32
        %ne3A_149 = arith.constant 0 : i32
        %ne3A_150 = arith.cmpi ne, %rem3A_148, %ne3A_149 : i32
        %and3A_151 = arith.andi %ne3A_147, %ne3A_150 : i1
        %sub3A_152 = arith.constant 1 : i32
        %sub3A_153 = arith.subi %div3A_132, %sub3A_152 : i32
        %select_n3A_154 = arith.select %and3A_151, %sub3A_153, %div3A_132 : i32
        %sub3A_155 = arith.subi %select_n3A_154, %select_n3A : i32
        %get3A = arith.index_cast %sub3A_155 : i32 to index
        %get3A_156 = arith.constant 0 : index
        %get3A_157 = tpu.vector_load %arg7[%get3A, %get3A_156] {strides = array<i32>} : memref<4x768xf32, #tpu.memory_space<vmem>>, vector<1x16xf32>,
        %get3A_158 = vector.shape_cast %get3A_157 : vector<1x16xf32> to vector<16xf32>
        %get3A_159 = arith.index_cast %sub3A_155 : i32 to index
        %get3A_160 = arith.constant 16 : index
        %get3A_161 = tpu.vector_load %arg7[%get3A_159, %get3A_160] {strides = array<i32>} : memref<4x768xf32, #tpu.memory_space<vmem>>, vector<1x16xf32>,
        %get3A_162 = vector.shape_cast %get3A_161 : vector<1x16xf32> to vector<16xf32>
        %get3A_163 = arith.index_cast %sub3A_155 : i32 to index
        %get3A_164 = arith.constant 32 : index
        %get3A_165 = tpu.vector_load %arg7[%get3A_163, %get3A_164] {strides = array<i32>} : memref<4x768xf32, #tpu.memory_space<vmem>>, vector<1x16xf32>,
        %get3A_166 = vector.shape_cast %get3A_165 : vector<1x16xf32> to vector<16xf32>
        %get3A_167 = arith.index_cast %sub3A_155 : i32 to index
        %get3A_168 = arith.constant 48 : index
        %get3A_169 = tpu.vector_load %arg7[%get3A_167, %get3A_168] {strides = array<i32>} : memref<4x768xf32, #tpu.memory_space<vmem>>, vector<1x16xf32>,
        %get3A_170 = vector.shape_cast %get3A_169 : vector<1x16xf32> to vector<16xf32>
        %get3A_171 = arith.index_cast %sub3A_155 : i32 to index
        %get3A_172 = arith.constant 64 : index
        %get3A_173 = tpu.vector_load %arg7[%get3A_171, %get3A_172] {strides = array<i32>} : memref<4x768xf32, #tpu.memory_space<vmem>>, vector<1x16xf32>,
        %get3A_174 = vector.shape_cast %get3A_173 : vector<1x16xf32> to vector<16xf32>
        %get3A_175 = arith.index_cast %sub3A_155 : i32 to index
        %get3A_176 = arith.constant 80 : index
        %get3A_177 = tpu.vector_load %arg7[%get3A_175, %get3A_176] {strides = array<i32>} : memref<4x768xf32, #tpu.memory_space<vmem>>, vector<1x16xf32>,
        %get3A_178 = vector.shape_cast %get3A_177 : vector<1x16xf32> to vector<16xf32>
        %get3A_179 = arith.index_cast %sub3A_155 : i32 to index
        %get3A_180 = arith.constant 96 : index
        %get3A_181 = tpu.vector_load %arg7[%get3A_179, %get3A_180] {strides = array<i32>} : memref<4x768xf32, #tpu.memory_space<vmem>>, vector<1x16xf32>,
        %get3A_182 = vector.shape_cast %get3A_181 : vector<1x16xf32> to vector<16xf32>
        %get3A_183 = arith.index_cast %sub3A_155 : i32 to index
        %get3A_184 = arith.constant 112 : index
        %get3A_185 = tpu.vector_load %arg7[%get3A_183, %get3A_184] {strides = array<i32>} : memref<4x768xf32, #tpu.memory_space<vmem>>, vector<1x16xf32>,
        %get3A_186 = vector.shape_cast %get3A_185 : vector<1x16xf32> to vector<16xf32>
        %get3A_187 = arith.index_cast %sub3A_155 : i32 to index
        %get3A_188 = arith.constant 128 : index
        %get3A_189 = tpu.vector_load %arg7[%get3A_187, %get3A_188] {strides = array<i32>} : memref<4x768xf32, #tpu.memory_space<vmem>>, vector<1x16xf32>,
        %get3A_190 = vector.shape_cast %get3A_189 : vector<1x16xf32> to vector<16xf32>
        %get3A_191 = arith.index_cast %sub3A_155 : i32 to index
        %get3A_192 = arith.constant 144 : index
        %get3A_193 = tpu.vector_load %arg7[%get3A_191, %get3A_192] {strides = array<i32>} : memref<4x768xf32, #tpu.memory_space<vmem>>, vector<1x16xf32>,
        %get3A_194 = vector.shape_cast %get3A_193 : vector<1x16xf32> to vector<16xf32>
        %get3A_195 = arith.index_cast %sub3A_155 : i32 to index
        %get3A_196 = arith.constant 160 : index
        %get3A_197 = tpu.vector_load %arg7[%get3A_195, %get3A_196] {strides = array<i32>} : memref<4x768xf32, #tpu.memory_space<vmem>>, vector<1x16xf32>,
        %get3A_198 = vector.shape_cast %get3A_197 : vector<1x16xf32> to vector<16xf32>
        %get3A_199 = arith.index_cast %sub3A_155 : i32 to index
        %get3A_200 = arith.constant 176 : index
        %get3A_201 = tpu.vector_load %arg7[%get3A_199, %get3A_200] {strides = array<i32>} : memref<4x768xf32, #tpu.memory_space<vmem>>, vector<1x16xf32>,
        %get3A_202 = vector.shape_cast %get3A_201 : vector<1x16xf32> to vector<16xf32>
        %get3A_203 = arith.index_cast %sub3A_155 : i32 to index
        %get3A_204 = arith.constant 192 : index
        %get3A_205 = tpu.vector_load %arg7[%get3A_203, %get3A_204] {strides = array<i32>} : memref<4x768xf32, #tpu.memory_space<vmem>>, vector<1x16xf32>,
        %get3A_206 = vector.shape_cast %get3A_205 : vector<1x16xf32> to vector<16xf32>
        %get3A_207 = arith.index_cast %sub3A_155 : i32 to index
        %get3A_208 = arith.constant 208 : index
        %get3A_209 = tpu.vector_load %arg7[%get3A_207, %get3A_208] {strides = array<i32>} : memref<4x768xf32, #tpu.memory_space<vmem>>, vector<1x16xf32>,
        %get3A_210 = vector.shape_cast %get3A_209 : vector<1x16xf32> to vector<16xf32>
        %get3A_211 = arith.index_cast %sub3A_155 : i32 to index
        %get3A_212 = arith.constant 224 : index
        %get3A_213 = tpu.vector_load %arg7[%get3A_211, %get3A_212] {strides = array<i32>} : memref<4x768xf32, #tpu.memory_space<vmem>>, vector<1x16xf32>,
        %get3A_214 = vector.shape_cast %get3A_213 : vector<1x16xf32> to vector<16xf32>
        %get3A_215 = arith.index_cast %sub3A_155 : i32 to index
        %get3A_216 = arith.constant 240 : index
        %get3A_217 = tpu.vector_load %arg7[%get3A_215, %get3A_216] {strides = array<i32>} : memref<4x768xf32, #tpu.memory_space<vmem>>, vector<1x16xf32>,
        %get3A_218 = vector.shape_cast %get3A_217 : vector<1x16xf32> to vector<16xf32>
        %get3A_219 = arith.index_cast %sub3A_155 : i32 to index
        %get3A_220 = arith.constant 256 : index
        %get3A_221 = tpu.vector_load %arg7[%get3A_219, %get3A_220] {strides = array<i32>} : memref<4x768xf32, #tpu.memory_space<vmem>>, vector<1x16xf32>,
        %get3A_222 = vector.shape_cast %get3A_221 : vector<1x16xf32> to vector<16xf32>
        %get3A_223 = arith.index_cast %sub3A_155 : i32 to index
        %get3A_224 = arith.constant 272 : index
        %get3A_225 = tpu.vector_load %arg7[%get3A_223, %get3A_224] {strides = array<i32>} : memref<4x768xf32, #tpu.memory_space<vmem>>, vector<1x16xf32>,
        %get3A_226 = vector.shape_cast %get3A_225 : vector<1x16xf32> to vector<16xf32>
        %get3A_227 = arith.index_cast %sub3A_155 : i32 to index
        %get3A_228 = arith.constant 288 : index
        %get3A_229 = tpu.vector_load %arg7[%get3A_227, %get3A_228] {strides = array<i32>} : memref<4x768xf32, #tpu.memory_space<vmem>>, vector<1x16xf32>,
        %get3A_230 = vector.shape_cast %get3A_229 : vector<1x16xf32> to vector<16xf32>
        %get3A_231 = arith.index_cast %sub3A_155 : i32 to index
        %get3A_232 = arith.constant 304 : index
        %get3A_233 = tpu.vector_load %arg7[%get3A_231, %get3A_232] {strides = array<i32>} : memref<4x768xf32, #tpu.memory_space<vmem>>, vector<1x16xf32>,
        %get3A_234 = vector.shape_cast %get3A_233 : vector<1x16xf32> to vector<16xf32>
        %get3A_235 = arith.index_cast %sub3A_155 : i32 to index
        %get3A_236 = arith.constant 320 : index
        %get3A_237 = tpu.vector_load %arg7[%get3A_235, %get3A_236] {strides = array<i32>} : memref<4x768xf32, #tpu.memory_space<vmem>>, vector<1x16xf32>,
        %get3A_238 = vector.shape_cast %get3A_237 : vector<1x16xf32> to vector<16xf32>
        %get3A_239 = arith.index_cast %sub3A_155 : i32 to index
        %get3A_240 = arith.constant 336 : index
        %get3A_241 = tpu.vector_load %arg7[%get3A_239, %get3A_240] {strides = array<i32>} : memref<4x768xf32, #tpu.memory_space<vmem>>, vector<1x16xf32>,
        %get3A_242 = vector.shape_cast %get3A_241 : vector<1x16xf32> to vector<16xf32>
        %get3A_243 = arith.index_cast %sub3A_155 : i32 to index
        %get3A_244 = arith.constant 352 : index
        %get3A_245 = tpu.vector_load %arg7[%get3A_243, %get3A_244] {strides = array<i32>} : memref<4x768xf32, #tpu.memory_space<vmem>>, vector<1x16xf32>,
        %get3A_246 = vector.shape_cast %get3A_245 : vector<1x16xf32> to vector<16xf32>
        %get3A_247 = arith.index_cast %sub3A_155 : i32 to index
        %get3A_248 = arith.constant 368 : index
        %get3A_249 = tpu.vector_load %arg7[%get3A_247, %get3A_248] {strides = array<i32>} : memref<4x768xf32, #tpu.memory_space<vmem>>, vector<1x16xf32>,
        %get3A_250 = vector.shape_cast %get3A_249 : vector<1x16xf32> to vector<16xf32>
        %get3A_251 = arith.index_cast %sub3A_155 : i32 to index
        %get3A_252 = arith.constant 384 : index
        %get3A_253 = tpu.vector_load %arg7[%get3A_251, %get3A_252] {strides = array<i32>} : memref<4x768xf32, #tpu.memory_space<vmem>>, vector<1x16xf32>,
        %get3A_254 = vector.shape_cast %get3A_253 : vector<1x16xf32> to vector<16xf32>
        %get3A_255 = arith.index_cast %sub3A_155 : i32 to index
        %get3A_256 = arith.constant 400 : index
        %get3A_257 = tpu.vector_load %arg7[%get3A_255, %get3A_256] {strides = array<i32>} : memref<4x768xf32, #tpu.memory_space<vmem>>, vector<1x16xf32>,
        %get3A_258 = vector.shape_cast %get3A_257 : vector<1x16xf32> to vector<16xf32>
        %get3A_259 = arith.index_cast %sub3A_155 : i32 to index
        %get3A_260 = arith.constant 416 : index
        %get3A_261 = tpu.vector_load %arg7[%get3A_259, %get3A_260] {strides = array<i32>} : memref<4x768xf32, #tpu.memory_space<vmem>>, vector<1x16xf32>,
        %get3A_262 = vector.shape_cast %get3A_261 : vector<1x16xf32> to vector<16xf32>
        %get3A_263 = arith.index_cast %sub3A_155 : i32 to index
        %get3A_264 = arith.constant 432 : index
        %get3A_265 = tpu.vector_load %arg7[%get3A_263, %get3A_264] {strides = array<i32>} : memref<4x768xf32, #tpu.memory_space<vmem>>, vector<1x16xf32>,
        %get3A_266 = vector.shape_cast %get3A_265 : vector<1x16xf32> to vector<16xf32>
        %get3A_267 = arith.index_cast %sub3A_155 : i32 to index
        %get3A_268 = arith.constant 448 : index
        %get3A_269 = tpu.vector_load %arg7[%get3A_267, %get3A_268] {strides = array<i32>} : memref<4x768xf32, #tpu.memory_space<vmem>>, vector<1x16xf32>,
        %get3A_270 = vector.shape_cast %get3A_269 : vector<1x16xf32> to vector<16xf32>
        %get3A_271 = arith.index_cast %sub3A_155 : i32 to index
        %get3A_272 = arith.constant 464 : index
        %get3A_273 = tpu.vector_load %arg7[%get3A_271, %get3A_272] {strides = array<i32>} : memref<4x768xf32, #tpu.memory_space<vmem>>, vector<1x16xf32>,
        %get3A_274 = vector.shape_cast %get3A_273 : vector<1x16xf32> to vector<16xf32>
        %get3A_275 = arith.index_cast %sub3A_155 : i32 to index
        %get3A_276 = arith.constant 480 : index
        %get3A_277 = tpu.vector_load %arg7[%get3A_275, %get3A_276] {strides = array<i32>} : memref<4x768xf32, #tpu.memory_space<vmem>>, vector<1x16xf32>,
        %get3A_278 = vector.shape_cast %get3A_277 : vector<1x16xf32> to vector<16xf32>
        %get3A_279 = arith.index_cast %sub3A_155 : i32 to index
        %get3A_280 = arith.constant 496 : index
        %get3A_281 = tpu.vector_load %arg7[%get3A_279, %get3A_280] {strides = array<i32>} : memref<4x768xf32, #tpu.memory_space<vmem>>, vector<1x16xf32>,
        %get3A_282 = vector.shape_cast %get3A_281 : vector<1x16xf32> to vector<16xf32>
        %get3A_283 = arith.index_cast %sub3A_155 : i32 to index
        %get3A_284 = arith.constant 512 : index
        %get3A_285 = tpu.vector_load %arg7[%get3A_283, %get3A_284] {strides = array<i32>} : memref<4x768xf32, #tpu.memory_space<vmem>>, vector<1x16xf32>,
        %get3A_286 = vector.shape_cast %get3A_285 : vector<1x16xf32> to vector<16xf32>
        %get3A_287 = arith.index_cast %sub3A_155 : i32 to index
        %get3A_288 = arith.constant 528 : index
        %get3A_289 = tpu.vector_load %arg7[%get3A_287, %get3A_288] {strides = array<i32>} : memref<4x768xf32, #tpu.memory_space<vmem>>, vector<1x16xf32>,
        %get3A_290 = vector.shape_cast %get3A_289 : vector<1x16xf32> to vector<16xf32>
        %get3A_291 = arith.index_cast %sub3A_155 : i32 to index
        %get3A_292 = arith.constant 544 : index
        %get3A_293 = tpu.vector_load %arg7[%get3A_291, %get3A_292] {strides = array<i32>} : memref<4x768xf32, #tpu.memory_space<vmem>>, vector<1x16xf32>,
        %get3A_294 = vector.shape_cast %get3A_293 : vector<1x16xf32> to vector<16xf32>
        %get3A_295 = arith.index_cast %sub3A_155 : i32 to index
        %get3A_296 = arith.constant 560 : index
        %get3A_297 = tpu.vector_load %arg7[%get3A_295, %get3A_296] {strides = array<i32>} : memref<4x768xf32, #tpu.memory_space<vmem>>, vector<1x16xf32>,
        %get3A_298 = vector.shape_cast %get3A_297 : vector<1x16xf32> to vector<16xf32>
        %get3A_299 = arith.index_cast %sub3A_155 : i32 to index
        %get3A_300 = arith.constant 576 : index
        %get3A_301 = tpu.vector_load %arg7[%get3A_299, %get3A_300] {strides = array<i32>} : memref<4x768xf32, #tpu.memory_space<vmem>>, vector<1x16xf32>,
        %get3A_302 = vector.shape_cast %get3A_301 : vector<1x16xf32> to vector<16xf32>
        %get3A_303 = arith.index_cast %sub3A_155 : i32 to index
        %get3A_304 = arith.constant 592 : index
        %get3A_305 = tpu.vector_load %arg7[%get3A_303, %get3A_304] {strides = array<i32>} : memref<4x768xf32, #tpu.memory_space<vmem>>, vector<1x16xf32>,
        %get3A_306 = vector.shape_cast %get3A_305 : vector<1x16xf32> to vector<16xf32>
        %get3A_307 = arith.index_cast %sub3A_155 : i32 to index
        %get3A_308 = arith.constant 608 : index
        %get3A_309 = tpu.vector_load %arg7[%get3A_307, %get3A_308] {strides = array<i32>} : memref<4x768xf32, #tpu.memory_space<vmem>>, vector<1x16xf32>,
        %get3A_310 = vector.shape_cast %get3A_309 : vector<1x16xf32> to vector<16xf32>
        %get3A_311 = arith.index_cast %sub3A_155 : i32 to index
        %get3A_312 = arith.constant 624 : index
        %get3A_313 = tpu.vector_load %arg7[%get3A_311, %get3A_312] {strides = array<i32>} : memref<4x768xf32, #tpu.memory_space<vmem>>, vector<1x16xf32>,
        %get3A_314 = vector.shape_cast %get3A_313 : vector<1x16xf32> to vector<16xf32>
        %get3A_315 = arith.index_cast %sub3A_155 : i32 to index
        %get3A_316 = arith.constant 640 : index
        %get3A_317 = tpu.vector_load %arg7[%get3A_315, %get3A_316] {strides = array<i32>} : memref<4x768xf32, #tpu.memory_space<vmem>>, vector<1x16xf32>,
        %get3A_318 = vector.shape_cast %get3A_317 : vector<1x16xf32> to vector<16xf32>
        %get3A_319 = arith.index_cast %sub3A_155 : i32 to index
        %get3A_320 = arith.constant 656 : index
        %get3A_321 = tpu.vector_load %arg7[%get3A_319, %get3A_320] {strides = array<i32>} : memref<4x768xf32, #tpu.memory_space<vmem>>, vector<1x16xf32>,
        %get3A_322 = vector.shape_cast %get3A_321 : vector<1x16xf32> to vector<16xf32>
        %get3A_323 = arith.index_cast %sub3A_155 : i32 to index
        %get3A_324 = arith.constant 672 : index
        %get3A_325 = tpu.vector_load %arg7[%get3A_323, %get3A_324] {strides = array<i32>} : memref<4x768xf32, #tpu.memory_space<vmem>>, vector<1x16xf32>,
        %get3A_326 = vector.shape_cast %get3A_325 : vector<1x16xf32> to vector<16xf32>
        %get3A_327 = arith.index_cast %sub3A_155 : i32 to index
        %get3A_328 = arith.constant 688 : index
        %get3A_329 = tpu.vector_load %arg7[%get3A_327, %get3A_328] {strides = array<i32>} : memref<4x768xf32, #tpu.memory_space<vmem>>, vector<1x16xf32>,
        %get3A_330 = vector.shape_cast %get3A_329 : vector<1x16xf32> to vector<16xf32>
        %get3A_331 = arith.index_cast %sub3A_155 : i32 to index
        %get3A_332 = arith.constant 704 : index
        %get3A_333 = tpu.vector_load %arg7[%get3A_331, %get3A_332] {strides = array<i32>} : memref<4x768xf32, #tpu.memory_space<vmem>>, vector<1x16xf32>,
        %get3A_334 = vector.shape_cast %get3A_333 : vector<1x16xf32> to vector<16xf32>
        %get3A_335 = arith.index_cast %sub3A_155 : i32 to index
        %get3A_336 = arith.constant 720 : index
        %get3A_337 = tpu.vector_load %arg7[%get3A_335, %get3A_336] {strides = array<i32>} : memref<4x768xf32, #tpu.memory_space<vmem>>, vector<1x16xf32>,
        %get3A_338 = vector.shape_cast %get3A_337 : vector<1x16xf32> to vector<16xf32>
        %get3A_339 = arith.index_cast %sub3A_155 : i32 to index
        %get3A_340 = arith.constant 736 : index
        %get3A_341 = tpu.vector_load %arg7[%get3A_339, %get3A_340] {strides = array<i32>} : memref<4x768xf32, #tpu.memory_space<vmem>>, vector<1x16xf32>,
        %get3A_342 = vector.shape_cast %get3A_341 : vector<1x16xf32> to vector<16xf32>
        %get3A_343 = arith.index_cast %sub3A_155 : i32 to index
        %get3A_344 = arith.constant 752 : index
        %get3A_345 = tpu.vector_load %arg7[%get3A_343, %get3A_344] {strides = array<i32>} : memref<4x768xf32, #tpu.memory_space<vmem>>, vector<1x16xf32>,
        %get3A_346 = vector.shape_cast %get3A_345 : vector<1x16xf32> to vector<16xf32>
        %scan3A_347 = arith.constant 0 : i32
        %scan3A_348 = arith.constant 32 : i32
        %scan3A_349 = arith.addi %scan3A_347, %scan3A_348 : i32
        %scan3A_350 = arith.constant 1 : i32
        scf.for %scan3A_359 = %scan3A_347 to %scan3A_349 step %scan3A_350  : i32 {
          %swap3A = arith.index_cast %scan3A_359 : i32 to index
          %swap3A_360 = arith.constant 0 : index
          %swap3A_361 = tpu.vector_load %arg10[%swap3A, %swap3A_360] {strides = array<i32>} : memref<32x768xf32, #tpu.memory_space<vmem>>, vector<1x16xf32>,
          %swap3A_362 = vector.shape_cast %swap3A_361 : vector<1x16xf32> to vector<16xf32>
          %swap3A_363 = vector.shape_cast %get3A_158 : vector<16xf32> to vector<1x16xf32>
          tpu.vector_store %arg10[%swap3A, %swap3A_360], %swap3A_363 {add = true, strides = array<i32>} : memref<32x768xf32, #tpu.memory_space<vmem>>, vector<1x16xf32>,
          %swap3A_364 = arith.index_cast %scan3A_359 : i32 to index
          %swap3A_365 = arith.constant 16 : index
          %swap3A_366 = tpu.vector_load %arg10[%swap3A_364, %swap3A_365] {strides = array<i32>} : memref<32x768xf32, #tpu.memory_space<vmem>>, vector<1x16xf32>,
          %swap3A_367 = vector.shape_cast %swap3A_366 : vector<1x16xf32> to vector<16xf32>
          %swap3A_368 = vector.shape_cast %get3A_162 : vector<16xf32> to vector<1x16xf32>
          tpu.vector_store %arg10[%swap3A_364, %swap3A_365], %swap3A_368 {add = true, strides = array<i32>} : memref<32x768xf32, #tpu.memory_space<vmem>>, vector<1x16xf32>,
          %swap3A_369 = arith.index_cast %scan3A_359 : i32 to index
          %swap3A_370 = arith.constant 32 : index
          %swap3A_371 = tpu.vector_load %arg10[%swap3A_369, %swap3A_370] {strides = array<i32>} : memref<32x768xf32, #tpu.memory_space<vmem>>, vector<1x16xf32>,
          %swap3A_372 = vector.shape_cast %swap3A_371 : vector<1x16xf32> to vector<16xf32>
          %swap3A_373 = vector.shape_cast %get3A_166 : vector<16xf32> to vector<1x16xf32>
          tpu.vector_store %arg10[%swap3A_369, %swap3A_370], %swap3A_373 {add = true, strides = array<i32>} : memref<32x768xf32, #tpu.memory_space<vmem>>, vector<1x16xf32>,
          %swap3A_374 = arith.index_cast %scan3A_359 : i32 to index
          %swap3A_375 = arith.constant 48 : index
          %swap3A_376 = tpu.vector_load %arg10[%swap3A_374, %swap3A_375] {strides = array<i32>} : memref<32x768xf32, #tpu.memory_space<vmem>>, vector<1x16xf32>,
          %swap3A_377 = vector.shape_cast %swap3A_376 : vector<1x16xf32> to vector<16xf32>
          %swap3A_378 = vector.shape_cast %get3A_170 : vector<16xf32> to vector<1x16xf32>
          tpu.vector_store %arg10[%swap3A_374, %swap3A_375], %swap3A_378 {add = true, strides = array<i32>} : memref<32x768xf32, #tpu.memory_space<vmem>>, vector<1x16xf32>,
          %swap3A_379 = arith.index_cast %scan3A_359 : i32 to index
          %swap3A_380 = arith.constant 64 : index
          %swap3A_381 = tpu.vector_load %arg10[%swap3A_379, %swap3A_380] {strides = array<i32>} : memref<32x768xf32, #tpu.memory_space<vmem>>, vector<1x16xf32>,
          %swap3A_382 = vector.shape_cast %swap3A_381 : vector<1x16xf32> to vector<16xf32>
          %swap3A_383 = vector.shape_cast %get3A_174 : vector<16xf32> to vector<1x16xf32>
          tpu.vector_store %arg10[%swap3A_379, %swap3A_380], %swap3A_383 {add = true, strides = array<i32>} : memref<32x768xf32, #tpu.memory_space<vmem>>, vector<1x16xf32>,
          %swap3A_384 = arith.index_cast %scan3A_359 : i32 to index
          %swap3A_385 = arith.constant 80 : index
          %swap3A_386 = tpu.vector_load %arg10[%swap3A_384, %swap3A_385] {strides = array<i32>} : memref<32x768xf32, #tpu.memory_space<vmem>>, vector<1x16xf32>,
          %swap3A_387 = vector.shape_cast %swap3A_386 : vector<1x16xf32> to vector<16xf32>
          %swap3A_388 = vector.shape_cast %get3A_178 : vector<16xf32> to vector<1x16xf32>
          tpu.vector_store %arg10[%swap3A_384, %swap3A_385], %swap3A_388 {add = true, strides = array<i32>} : memref<32x768xf32, #tpu.memory_space<vmem>>, vector<1x16xf32>,
          %swap3A_389 = arith.index_cast %scan3A_359 : i32 to index
          %swap3A_390 = arith.constant 96 : index
          %swap3A_391 = tpu.vector_load %arg10[%swap3A_389, %swap3A_390] {strides = array<i32>} : memref<32x768xf32, #tpu.memory_space<vmem>>, vector<1x16xf32>,
          %swap3A_392 = vector.shape_cast %swap3A_391 : vector<1x16xf32> to vector<16xf32>
          %swap3A_393 = vector.shape_cast %get3A_182 : vector<16xf32> to vector<1x16xf32>
          tpu.vector_store %arg10[%swap3A_389, %swap3A_390], %swap3A_393 {add = true, strides = array<i32>} : memref<32x768xf32, #tpu.memory_space<vmem>>, vector<1x16xf32>,
          %swap3A_394 = arith.index_cast %scan3A_359 : i32 to index
          %swap3A_395 = arith.constant 112 : index
          %swap3A_396 = tpu.vector_load %arg10[%swap3A_394, %swap3A_395] {strides = array<i32>} : memref<32x768xf32, #tpu.memory_space<vmem>>, vector<1x16xf32>,
          %swap3A_397 = vector.shape_cast %swap3A_396 : vector<1x16xf32> to vector<16xf32>
          %swap3A_398 = vector.shape_cast %get3A_186 : vector<16xf32> to vector<1x16xf32>
          tpu.vector_store %arg10[%swap3A_394, %swap3A_395], %swap3A_398 {add = true, strides = array<i32>} : memref<32x768xf32, #tpu.memory_space<vmem>>, vector<1x16xf32>,
          %swap3A_399 = arith.index_cast %scan3A_359 : i32 to index
          %swap3A_400 = arith.constant 128 : index
          %swap3A_401 = tpu.vector_load %arg10[%swap3A_399, %swap3A_400] {strides = array<i32>} : memref<32x768xf32, #tpu.memory_space<vmem>>, vector<1x16xf32>,
          %swap3A_402 = vector.shape_cast %swap3A_401 : vector<1x16xf32> to vector<16xf32>
          %swap3A_403 = vector.shape_cast %get3A_190 : vector<16xf32> to vector<1x16xf32>
          tpu.vector_store %arg10[%swap3A_399, %swap3A_400], %swap3A_403 {add = true, strides = array<i32>} : memref<32x768xf32, #tpu.memory_space<vmem>>, vector<1x16xf32>,
          %swap3A_404 = arith.index_cast %scan3A_359 : i32 to index
          %swap3A_405 = arith.constant 144 : index
          %swap3A_406 = tpu.vector_load %arg10[%swap3A_404, %swap3A_405] {strides = array<i32>} : memref<32x768xf32, #tpu.memory_space<vmem>>, vector<1x16xf32>,
          %swap3A_407 = vector.shape_cast %swap3A_406 : vector<1x16xf32> to vector<16xf32>
          %swap3A_408 = vector.shape_cast %get3A_194 : vector<16xf32> to vector<1x16xf32>
          tpu.vector_store %arg10[%swap3A_404, %swap3A_405], %swap3A_408 {add = true, strides = array<i32>} : memref<32x768xf32, #tpu.memory_space<vmem>>, vector<1x16xf32>,
          %swap3A_409 = arith.index_cast %scan3A_359 : i32 to index
          %swap3A_410 = arith.constant 160 : index
          %swap3A_411 = tpu.vector_load %arg10[%swap3A_409, %swap3A_410] {strides = array<i32>} : memref<32x768xf32, #tpu.memory_space<vmem>>, vector<1x16xf32>,
          %swap3A_412 = vector.shape_cast %swap3A_411 : vector<1x16xf32> to vector<16xf32>
          %swap3A_413 = vector.shape_cast %get3A_198 : vector<16xf32> to vector<1x16xf32>
          tpu.vector_store %arg10[%swap3A_409, %swap3A_410], %swap3A_413 {add = true, strides = array<i32>} : memref<32x768xf32, #tpu.memory_space<vmem>>, vector<1x16xf32>,
          %swap3A_414 = arith.index_cast %scan3A_359 : i32 to index
          %swap3A_415 = arith.constant 176 : index
          %swap3A_416 = tpu.vector_load %arg10[%swap3A_414, %swap3A_415] {strides = array<i32>} : memref<32x768xf32, #tpu.memory_space<vmem>>, vector<1x16xf32>,
          %swap3A_417 = vector.shape_cast %swap3A_416 : vector<1x16xf32> to vector<16xf32>
          %swap3A_418 = vector.shape_cast %get3A_202 : vector<16xf32> to vector<1x16xf32>
          tpu.vector_store %arg10[%swap3A_414, %swap3A_415], %swap3A_418 {add = true, strides = array<i32>} : memref<32x768xf32, #tpu.memory_space<vmem>>, vector<1x16xf32>,
          %swap3A_419 = arith.index_cast %scan3A_359 : i32 to index
          %swap3A_420 = arith.constant 192 : index
          %swap3A_421 = tpu.vector_load %arg10[%swap3A_419, %swap3A_420] {strides = array<i32>} : memref<32x768xf32, #tpu.memory_space<vmem>>, vector<1x16xf32>,
          %swap3A_422 = vector.shape_cast %swap3A_421 : vector<1x16xf32> to vector<16xf32>
          %swap3A_423 = vector.shape_cast %get3A_206 : vector<16xf32> to vector<1x16xf32>
          tpu.vector_store %arg10[%swap3A_419, %swap3A_420], %swap3A_423 {add = true, strides = array<i32>} : memref<32x768xf32, #tpu.memory_space<vmem>>, vector<1x16xf32>,
          %swap3A_424 = arith.index_cast %scan3A_359 : i32 to index
          %swap3A_425 = arith.constant 208 : index
          %swap3A_426 = tpu.vector_load %arg10[%swap3A_424, %swap3A_425] {strides = array<i32>} : memref<32x768xf32, #tpu.memory_space<vmem>>, vector<1x16xf32>,
          %swap3A_427 = vector.shape_cast %swap3A_426 : vector<1x16xf32> to vector<16xf32>
          %swap3A_428 = vector.shape_cast %get3A_210 : vector<16xf32> to vector<1x16xf32>
          tpu.vector_store %arg10[%swap3A_424, %swap3A_425], %swap3A_428 {add = true, strides = array<i32>} : memref<32x768xf32, #tpu.memory_space<vmem>>, vector<1x16xf32>,
          %swap3A_429 = arith.index_cast %scan3A_359 : i32 to index
          %swap3A_430 = arith.constant 224 : index
          %swap3A_431 = tpu.vector_load %arg10[%swap3A_429, %swap3A_430] {strides = array<i32>} : memref<32x768xf32, #tpu.memory_space<vmem>>, vector<1x16xf32>,
          %swap3A_432 = vector.shape_cast %swap3A_431 : vector<1x16xf32> to vector<16xf32>
          %swap3A_433 = vector.shape_cast %get3A_214 : vector<16xf32> to vector<1x16xf32>
          tpu.vector_store %arg10[%swap3A_429, %swap3A_430], %swap3A_433 {add = true, strides = array<i32>} : memref<32x768xf32, #tpu.memory_space<vmem>>, vector<1x16xf32>,
          %swap3A_434 = arith.index_cast %scan3A_359 : i32 to index
          %swap3A_435 = arith.constant 240 : index
          %swap3A_436 = tpu.vector_load %arg10[%swap3A_434, %swap3A_435] {strides = array<i32>} : memref<32x768xf32, #tpu.memory_space<vmem>>, vector<1x16xf32>,
          %swap3A_437 = vector.shape_cast %swap3A_436 : vector<1x16xf32> to vector<16xf32>
          %swap3A_438 = vector.shape_cast %get3A_218 : vector<16xf32> to vector<1x16xf32>
          tpu.vector_store %arg10[%swap3A_434, %swap3A_435], %swap3A_438 {add = true, strides = array<i32>} : memref<32x768xf32, #tpu.memory_space<vmem>>, vector<1x16xf32>,
          %swap3A_439 = arith.index_cast %scan3A_359 : i32 to index
          %swap3A_440 = arith.constant 256 : index
          %swap3A_441 = tpu.vector_load %arg10[%swap3A_439, %swap3A_440] {strides = array<i32>} : memref<32x768xf32, #tpu.memory_space<vmem>>, vector<1x16xf32>,
          %swap3A_442 = vector.shape_cast %swap3A_441 : vector<1x16xf32> to vector<16xf32>
          %swap3A_443 = vector.shape_cast %get3A_222 : vector<16xf32> to vector<1x16xf32>
          tpu.vector_store %arg10[%swap3A_439, %swap3A_440], %swap3A_443 {add = true, strides = array<i32>} : memref<32x768xf32, #tpu.memory_space<vmem>>, vector<1x16xf32>,
          %swap3A_444 = arith.index_cast %scan3A_359 : i32 to index
          %swap3A_445 = arith.constant 272 : index
          %swap3A_446 = tpu.vector_load %arg10[%swap3A_444, %swap3A_445] {strides = array<i32>} : memref<32x768xf32, #tpu.memory_space<vmem>>, vector<1x16xf32>,
          %swap3A_447 = vector.shape_cast %swap3A_446 : vector<1x16xf32> to vector<16xf32>
          %swap3A_448 = vector.shape_cast %get3A_226 : vector<16xf32> to vector<1x16xf32>
          tpu.vector_store %arg10[%swap3A_444, %swap3A_445], %swap3A_448 {add = true, strides = array<i32>} : memref<32x768xf32, #tpu.memory_space<vmem>>, vector<1x16xf32>,
          %swap3A_449 = arith.index_cast %scan3A_359 : i32 to index
          %swap3A_450 = arith.constant 288 : index
          %swap3A_451 = tpu.vector_load %arg10[%swap3A_449, %swap3A_450] {strides = array<i32>} : memref<32x768xf32, #tpu.memory_space<vmem>>, vector<1x16xf32>,
          %swap3A_452 = vector.shape_cast %swap3A_451 : vector<1x16xf32> to vector<16xf32>
          %swap3A_453 = vector.shape_cast %get3A_230 : vector<16xf32> to vector<1x16xf32>
          tpu.vector_store %arg10[%swap3A_449, %swap3A_450], %swap3A_453 {add = true, strides = array<i32>} : memref<32x768xf32, #tpu.memory_space<vmem>>, vector<1x16xf32>,
          %swap3A_454 = arith.index_cast %scan3A_359 : i32 to index
          %swap3A_455 = arith.constant 304 : index
          %swap3A_456 = tpu.vector_load %arg10[%swap3A_454, %swap3A_455] {strides = array<i32>} : memref<32x768xf32, #tpu.memory_space<vmem>>, vector<1x16xf32>,
          %swap3A_457 = vector.shape_cast %swap3A_456 : vector<1x16xf32> to vector<16xf32>
          %swap3A_458 = vector.shape_cast %get3A_234 : vector<16xf32> to vector<1x16xf32>
          tpu.vector_store %arg10[%swap3A_454, %swap3A_455], %swap3A_458 {add = true, strides = array<i32>} : memref<32x768xf32, #tpu.memory_space<vmem>>, vector<1x16xf32>,
          %swap3A_459 = arith.index_cast %scan3A_359 : i32 to index
          %swap3A_460 = arith.constant 320 : index
          %swap3A_461 = tpu.vector_load %arg10[%swap3A_459, %swap3A_460] {strides = array<i32>} : memref<32x768xf32, #tpu.memory_space<vmem>>, vector<1x16xf32>,
          %swap3A_462 = vector.shape_cast %swap3A_461 : vector<1x16xf32> to vector<16xf32>
          %swap3A_463 = vector.shape_cast %get3A_238 : vector<16xf32> to vector<1x16xf32>
          tpu.vector_store %arg10[%swap3A_459, %swap3A_460], %swap3A_463 {add = true, strides = array<i32>} : memref<32x768xf32, #tpu.memory_space<vmem>>, vector<1x16xf32>,
          %swap3A_464 = arith.index_cast %scan3A_359 : i32 to index
          %swap3A_465 = arith.constant 336 : index
          %swap3A_466 = tpu.vector_load %arg10[%swap3A_464, %swap3A_465] {strides = array<i32>} : memref<32x768xf32, #tpu.memory_space<vmem>>, vector<1x16xf32>,
          %swap3A_467 = vector.shape_cast %swap3A_466 : vector<1x16xf32> to vector<16xf32>
          %swap3A_468 = vector.shape_cast %get3A_242 : vector<16xf32> to vector<1x16xf32>
          tpu.vector_store %arg10[%swap3A_464, %swap3A_465], %swap3A_468 {add = true, strides = array<i32>} : memref<32x768xf32, #tpu.memory_space<vmem>>, vector<1x16xf32>,
          %swap3A_469 = arith.index_cast %scan3A_359 : i32 to index
          %swap3A_470 = arith.constant 352 : index
          %swap3A_471 = tpu.vector_load %arg10[%swap3A_469, %swap3A_470] {strides = array<i32>} : memref<32x768xf32, #tpu.memory_space<vmem>>, vector<1x16xf32>,
          %swap3A_472 = vector.shape_cast %swap3A_471 : vector<1x16xf32> to vector<16xf32>
          %swap3A_473 = vector.shape_cast %get3A_246 : vector<16xf32> to vector<1x16xf32>
          tpu.vector_store %arg10[%swap3A_469, %swap3A_470], %swap3A_473 {add = true, strides = array<i32>} : memref<32x768xf32, #tpu.memory_space<vmem>>, vector<1x16xf32>,
          %swap3A_474 = arith.index_cast %scan3A_359 : i32 to index
          %swap3A_475 = arith.constant 368 : index
          %swap3A_476 = tpu.vector_load %arg10[%swap3A_474, %swap3A_475] {strides = array<i32>} : memref<32x768xf32, #tpu.memory_space<vmem>>, vector<1x16xf32>,
          %swap3A_477 = vector.shape_cast %swap3A_476 : vector<1x16xf32> to vector<16xf32>
          %swap3A_478 = vector.shape_cast %get3A_250 : vector<16xf32> to vector<1x16xf32>
          tpu.vector_store %arg10[%swap3A_474, %swap3A_475], %swap3A_478 {add = true, strides = array<i32>} : memref<32x768xf32, #tpu.memory_space<vmem>>, vector<1x16xf32>,
          %swap3A_479 = arith.index_cast %scan3A_359 : i32 to index
          %swap3A_480 = arith.constant 384 : index
          %swap3A_481 = tpu.vector_load %arg10[%swap3A_479, %swap3A_480] {strides = array<i32>} : memref<32x768xf32, #tpu.memory_space<vmem>>, vector<1x16xf32>,
          %swap3A_482 = vector.shape_cast %swap3A_481 : vector<1x16xf32> to vector<16xf32>
          %swap3A_483 = vector.shape_cast %get3A_254 : vector<16xf32> to vector<1x16xf32>
          tpu.vector_store %arg10[%swap3A_479, %swap3A_480], %swap3A_483 {add = true, strides = array<i32>} : memref<32x768xf32, #tpu.memory_space<vmem>>, vector<1x16xf32>,
          %swap3A_484 = arith.index_cast %scan3A_359 : i32 to index
          %swap3A_485 = arith.constant 400 : index
          %swap3A_486 = tpu.vector_load %arg10[%swap3A_484, %swap3A_485] {strides = array<i32>} : memref<32x768xf32, #tpu.memory_space<vmem>>, vector<1x16xf32>,
          %swap3A_487 = vector.shape_cast %swap3A_486 : vector<1x16xf32> to vector<16xf32>
          %swap3A_488 = vector.shape_cast %get3A_258 : vector<16xf32> to vector<1x16xf32>
          tpu.vector_store %arg10[%swap3A_484, %swap3A_485], %swap3A_488 {add = true, strides = array<i32>} : memref<32x768xf32, #tpu.memory_space<vmem>>, vector<1x16xf32>,
          %swap3A_489 = arith.index_cast %scan3A_359 : i32 to index
          %swap3A_490 = arith.constant 416 : index
          %swap3A_491 = tpu.vector_load %arg10[%swap3A_489, %swap3A_490] {strides = array<i32>} : memref<32x768xf32, #tpu.memory_space<vmem>>, vector<1x16xf32>,
          %swap3A_492 = vector.shape_cast %swap3A_491 : vector<1x16xf32> to vector<16xf32>
          %swap3A_493 = vector.shape_cast %get3A_262 : vector<16xf32> to vector<1x16xf32>
          tpu.vector_store %arg10[%swap3A_489, %swap3A_490], %swap3A_493 {add = true, strides = array<i32>} : memref<32x768xf32, #tpu.memory_space<vmem>>, vector<1x16xf32>,
          %swap3A_494 = arith.index_cast %scan3A_359 : i32 to index
          %swap3A_495 = arith.constant 432 : index
          %swap3A_496 = tpu.vector_load %arg10[%swap3A_494, %swap3A_495] {strides = array<i32>} : memref<32x768xf32, #tpu.memory_space<vmem>>, vector<1x16xf32>,
          %swap3A_497 = vector.shape_cast %swap3A_496 : vector<1x16xf32> to vector<16xf32>
          %swap3A_498 = vector.shape_cast %get3A_266 : vector<16xf32> to vector<1x16xf32>
          tpu.vector_store %arg10[%swap3A_494, %swap3A_495], %swap3A_498 {add = true, strides = array<i32>} : memref<32x768xf32, #tpu.memory_space<vmem>>, vector<1x16xf32>,
          %swap3A_499 = arith.index_cast %scan3A_359 : i32 to index
          %swap3A_500 = arith.constant 448 : index
          %swap3A_501 = tpu.vector_load %arg10[%swap3A_499, %swap3A_500] {strides = array<i32>} : memref<32x768xf32, #tpu.memory_space<vmem>>, vector<1x16xf32>,
          %swap3A_502 = vector.shape_cast %swap3A_501 : vector<1x16xf32> to vector<16xf32>
          %swap3A_503 = vector.shape_cast %get3A_270 : vector<16xf32> to vector<1x16xf32>
          tpu.vector_store %arg10[%swap3A_499, %swap3A_500], %swap3A_503 {add = true, strides = array<i32>} : memref<32x768xf32, #tpu.memory_space<vmem>>, vector<1x16xf32>,
          %swap3A_504 = arith.index_cast %scan3A_359 : i32 to index
          %swap3A_505 = arith.constant 464 : index
          %swap3A_506 = tpu.vector_load %arg10[%swap3A_504, %swap3A_505] {strides = array<i32>} : memref<32x768xf32, #tpu.memory_space<vmem>>, vector<1x16xf32>,
          %swap3A_507 = vector.shape_cast %swap3A_506 : vector<1x16xf32> to vector<16xf32>
          %swap3A_508 = vector.shape_cast %get3A_274 : vector<16xf32> to vector<1x16xf32>
          tpu.vector_store %arg10[%swap3A_504, %swap3A_505], %swap3A_508 {add = true, strides = array<i32>} : memref<32x768xf32, #tpu.memory_space<vmem>>, vector<1x16xf32>,
          %swap3A_509 = arith.index_cast %scan3A_359 : i32 to index
          %swap3A_510 = arith.constant 480 : index
          %swap3A_511 = tpu.vector_load %arg10[%swap3A_509, %swap3A_510] {strides = array<i32>} : memref<32x768xf32, #tpu.memory_space<vmem>>, vector<1x16xf32>,
          %swap3A_512 = vector.shape_cast %swap3A_511 : vector<1x16xf32> to vector<16xf32>
          %swap3A_513 = vector.shape_cast %get3A_278 : vector<16xf32> to vector<1x16xf32>
          tpu.vector_store %arg10[%swap3A_509, %swap3A_510], %swap3A_513 {add = true, strides = array<i32>} : memref<32x768xf32, #tpu.memory_space<vmem>>, vector<1x16xf32>,
          %swap3A_514 = arith.index_cast %scan3A_359 : i32 to index
          %swap3A_515 = arith.constant 496 : index
          %swap3A_516 = tpu.vector_load %arg10[%swap3A_514, %swap3A_515] {strides = array<i32>} : memref<32x768xf32, #tpu.memory_space<vmem>>, vector<1x16xf32>,
          %swap3A_517 = vector.shape_cast %swap3A_516 : vector<1x16xf32> to vector<16xf32>
          %swap3A_518 = vector.shape_cast %get3A_282 : vector<16xf32> to vector<1x16xf32>
          tpu.vector_store %arg10[%swap3A_514, %swap3A_515], %swap3A_518 {add = true, strides = array<i32>} : memref<32x768xf32, #tpu.memory_space<vmem>>, vector<1x16xf32>,
          %swap3A_519 = arith.index_cast %scan3A_359 : i32 to index
          %swap3A_520 = arith.constant 512 : index
          %swap3A_521 = tpu.vector_load %arg10[%swap3A_519, %swap3A_520] {strides = array<i32>} : memref<32x768xf32, #tpu.memory_space<vmem>>, vector<1x16xf32>,
          %swap3A_522 = vector.shape_cast %swap3A_521 : vector<1x16xf32> to vector<16xf32>
          %swap3A_523 = vector.shape_cast %get3A_286 : vector<16xf32> to vector<1x16xf32>
          tpu.vector_store %arg10[%swap3A_519, %swap3A_520], %swap3A_523 {add = true, strides = array<i32>} : memref<32x768xf32, #tpu.memory_space<vmem>>, vector<1x16xf32>,
          %swap3A_524 = arith.index_cast %scan3A_359 : i32 to index
          %swap3A_525 = arith.constant 528 : index
          %swap3A_526 = tpu.vector_load %arg10[%swap3A_524, %swap3A_525] {strides = array<i32>} : memref<32x768xf32, #tpu.memory_space<vmem>>, vector<1x16xf32>,
          %swap3A_527 = vector.shape_cast %swap3A_526 : vector<1x16xf32> to vector<16xf32>
          %swap3A_528 = vector.shape_cast %get3A_290 : vector<16xf32> to vector<1x16xf32>
          tpu.vector_store %arg10[%swap3A_524, %swap3A_525], %swap3A_528 {add = true, strides = array<i32>} : memref<32x768xf32, #tpu.memory_space<vmem>>, vector<1x16xf32>,
          %swap3A_529 = arith.index_cast %scan3A_359 : i32 to index
          %swap3A_530 = arith.constant 544 : index
          %swap3A_531 = tpu.vector_load %arg10[%swap3A_529, %swap3A_530] {strides = array<i32>} : memref<32x768xf32, #tpu.memory_space<vmem>>, vector<1x16xf32>,
          %swap3A_532 = vector.shape_cast %swap3A_531 : vector<1x16xf32> to vector<16xf32>
          %swap3A_533 = vector.shape_cast %get3A_294 : vector<16xf32> to vector<1x16xf32>
          tpu.vector_store %arg10[%swap3A_529, %swap3A_530], %swap3A_533 {add = true, strides = array<i32>} : memref<32x768xf32, #tpu.memory_space<vmem>>, vector<1x16xf32>,
          %swap3A_534 = arith.index_cast %scan3A_359 : i32 to index
          %swap3A_535 = arith.constant 560 : index
          %swap3A_536 = tpu.vector_load %arg10[%swap3A_534, %swap3A_535] {strides = array<i32>} : memref<32x768xf32, #tpu.memory_space<vmem>>, vector<1x16xf32>,
          %swap3A_537 = vector.shape_cast %swap3A_536 : vector<1x16xf32> to vector<16xf32>
          %swap3A_538 = vector.shape_cast %get3A_298 : vector<16xf32> to vector<1x16xf32>
          tpu.vector_store %arg10[%swap3A_534, %swap3A_535], %swap3A_538 {add = true, strides = array<i32>} : memref<32x768xf32, #tpu.memory_space<vmem>>, vector<1x16xf32>,
          %swap3A_539 = arith.index_cast %scan3A_359 : i32 to index
          %swap3A_540 = arith.constant 576 : index
          %swap3A_541 = tpu.vector_load %arg10[%swap3A_539, %swap3A_540] {strides = array<i32>} : memref<32x768xf32, #tpu.memory_space<vmem>>, vector<1x16xf32>,
          %swap3A_542 = vector.shape_cast %swap3A_541 : vector<1x16xf32> to vector<16xf32>
          %swap3A_543 = vector.shape_cast %get3A_302 : vector<16xf32> to vector<1x16xf32>
          tpu.vector_store %arg10[%swap3A_539, %swap3A_540], %swap3A_543 {add = true, strides = array<i32>} : memref<32x768xf32, #tpu.memory_space<vmem>>, vector<1x16xf32>,
          %swap3A_544 = arith.index_cast %scan3A_359 : i32 to index
          %swap3A_545 = arith.constant 592 : index
          %swap3A_546 = tpu.vector_load %arg10[%swap3A_544, %swap3A_545] {strides = array<i32>} : memref<32x768xf32, #tpu.memory_space<vmem>>, vector<1x16xf32>,
          %swap3A_547 = vector.shape_cast %swap3A_546 : vector<1x16xf32> to vector<16xf32>
          %swap3A_548 = vector.shape_cast %get3A_306 : vector<16xf32> to vector<1x16xf32>
          tpu.vector_store %arg10[%swap3A_544, %swap3A_545], %swap3A_548 {add = true, strides = array<i32>} : memref<32x768xf32, #tpu.memory_space<vmem>>, vector<1x16xf32>,
          %swap3A_549 = arith.index_cast %scan3A_359 : i32 to index
          %swap3A_550 = arith.constant 608 : index
          %swap3A_551 = tpu.vector_load %arg10[%swap3A_549, %swap3A_550] {strides = array<i32>} : memref<32x768xf32, #tpu.memory_space<vmem>>, vector<1x16xf32>,
          %swap3A_552 = vector.shape_cast %swap3A_551 : vector<1x16xf32> to vector<16xf32>
          %swap3A_553 = vector.shape_cast %get3A_310 : vector<16xf32> to vector<1x16xf32>
          tpu.vector_store %arg10[%swap3A_549, %swap3A_550], %swap3A_553 {add = true, strides = array<i32>} : memref<32x768xf32, #tpu.memory_space<vmem>>, vector<1x16xf32>,
          %swap3A_554 = arith.index_cast %scan3A_359 : i32 to index
          %swap3A_555 = arith.constant 624 : index
          %swap3A_556 = tpu.vector_load %arg10[%swap3A_554, %swap3A_555] {strides = array<i32>} : memref<32x768xf32, #tpu.memory_space<vmem>>, vector<1x16xf32>,
          %swap3A_557 = vector.shape_cast %swap3A_556 : vector<1x16xf32> to vector<16xf32>
          %swap3A_558 = vector.shape_cast %get3A_314 : vector<16xf32> to vector<1x16xf32>
          tpu.vector_store %arg10[%swap3A_554, %swap3A_555], %swap3A_558 {add = true, strides = array<i32>} : memref<32x768xf32, #tpu.memory_space<vmem>>, vector<1x16xf32>,
          %swap3A_559 = arith.index_cast %scan3A_359 : i32 to index
          %swap3A_560 = arith.constant 640 : index
          %swap3A_561 = tpu.vector_load %arg10[%swap3A_559, %swap3A_560] {strides = array<i32>} : memref<32x768xf32, #tpu.memory_space<vmem>>, vector<1x16xf32>,
          %swap3A_562 = vector.shape_cast %swap3A_561 : vector<1x16xf32> to vector<16xf32>
          %swap3A_563 = vector.shape_cast %get3A_318 : vector<16xf32> to vector<1x16xf32>
          tpu.vector_store %arg10[%swap3A_559, %swap3A_560], %swap3A_563 {add = true, strides = array<i32>} : memref<32x768xf32, #tpu.memory_space<vmem>>, vector<1x16xf32>,
          %swap3A_564 = arith.index_cast %scan3A_359 : i32 to index
          %swap3A_565 = arith.constant 656 : index
          %swap3A_566 = tpu.vector_load %arg10[%swap3A_564, %swap3A_565] {strides = array<i32>} : memref<32x768xf32, #tpu.memory_space<vmem>>, vector<1x16xf32>,
          %swap3A_567 = vector.shape_cast %swap3A_566 : vector<1x16xf32> to vector<16xf32>
          %swap3A_568 = vector.shape_cast %get3A_322 : vector<16xf32> to vector<1x16xf32>
          tpu.vector_store %arg10[%swap3A_564, %swap3A_565], %swap3A_568 {add = true, strides = array<i32>} : memref<32x768xf32, #tpu.memory_space<vmem>>, vector<1x16xf32>,
          %swap3A_569 = arith.index_cast %scan3A_359 : i32 to index
          %swap3A_570 = arith.constant 672 : index
          %swap3A_571 = tpu.vector_load %arg10[%swap3A_569, %swap3A_570] {strides = array<i32>} : memref<32x768xf32, #tpu.memory_space<vmem>>, vector<1x16xf32>,
          %swap3A_572 = vector.shape_cast %swap3A_571 : vector<1x16xf32> to vector<16xf32>
          %swap3A_573 = vector.shape_cast %get3A_326 : vector<16xf32> to vector<1x16xf32>
          tpu.vector_store %arg10[%swap3A_569, %swap3A_570], %swap3A_573 {add = true, strides = array<i32>} : memref<32x768xf32, #tpu.memory_space<vmem>>, vector<1x16xf32>,
          %swap3A_574 = arith.index_cast %scan3A_359 : i32 to index
          %swap3A_575 = arith.constant 688 : index
          %swap3A_576 = tpu.vector_load %arg10[%swap3A_574, %swap3A_575] {strides = array<i32>} : memref<32x768xf32, #tpu.memory_space<vmem>>, vector<1x16xf32>,
          %swap3A_577 = vector.shape_cast %swap3A_576 : vector<1x16xf32> to vector<16xf32>
          %swap3A_578 = vector.shape_cast %get3A_330 : vector<16xf32> to vector<1x16xf32>
          tpu.vector_store %arg10[%swap3A_574, %swap3A_575], %swap3A_578 {add = true, strides = array<i32>} : memref<32x768xf32, #tpu.memory_space<vmem>>, vector<1x16xf32>,
          %swap3A_579 = arith.index_cast %scan3A_359 : i32 to index
          %swap3A_580 = arith.constant 704 : index
          %swap3A_581 = tpu.vector_load %arg10[%swap3A_579, %swap3A_580] {strides = array<i32>} : memref<32x768xf32, #tpu.memory_space<vmem>>, vector<1x16xf32>,
          %swap3A_582 = vector.shape_cast %swap3A_581 : vector<1x16xf32> to vector<16xf32>
          %swap3A_583 = vector.shape_cast %get3A_334 : vector<16xf32> to vector<1x16xf32>
          tpu.vector_store %arg10[%swap3A_579, %swap3A_580], %swap3A_583 {add = true, strides = array<i32>} : memref<32x768xf32, #tpu.memory_space<vmem>>, vector<1x16xf32>,
          %swap3A_584 = arith.index_cast %scan3A_359 : i32 to index
          %swap3A_585 = arith.constant 720 : index
          %swap3A_586 = tpu.vector_load %arg10[%swap3A_584, %swap3A_585] {strides = array<i32>} : memref<32x768xf32, #tpu.memory_space<vmem>>, vector<1x16xf32>,
          %swap3A_587 = vector.shape_cast %swap3A_586 : vector<1x16xf32> to vector<16xf32>
          %swap3A_588 = vector.shape_cast %get3A_338 : vector<16xf32> to vector<1x16xf32>
          tpu.vector_store %arg10[%swap3A_584, %swap3A_585], %swap3A_588 {add = true, strides = array<i32>} : memref<32x768xf32, #tpu.memory_space<vmem>>, vector<1x16xf32>,
          %swap3A_589 = arith.index_cast %scan3A_359 : i32 to index
          %swap3A_590 = arith.constant 736 : index
          %swap3A_591 = tpu.vector_load %arg10[%swap3A_589, %swap3A_590] {strides = array<i32>} : memref<32x768xf32, #tpu.memory_space<vmem>>, vector<1x16xf32>,
          %swap3A_592 = vector.shape_cast %swap3A_591 : vector<1x16xf32> to vector<16xf32>
          %swap3A_593 = vector.shape_cast %get3A_342 : vector<16xf32> to vector<1x16xf32>
          tpu.vector_store %arg10[%swap3A_589, %swap3A_590], %swap3A_593 {add = true, strides = array<i32>} : memref<32x768xf32, #tpu.memory_space<vmem>>, vector<1x16xf32>,
          %swap3A_594 = arith.index_cast %scan3A_359 : i32 to index
          %swap3A_595 = arith.constant 752 : index
          %swap3A_596 = tpu.vector_load %arg10[%swap3A_594, %swap3A_595] {strides = array<i32>} : memref<32x768xf32, #tpu.memory_space<vmem>>, vector<1x16xf32>,
          %swap3A_597 = vector.shape_cast %swap3A_596 : vector<1x16xf32> to vector<16xf32>
          %swap3A_598 = vector.shape_cast %get3A_346 : vector<16xf32> to vector<1x16xf32>
          tpu.vector_store %arg10[%swap3A_594, %swap3A_595], %swap3A_598 {add = true, strides = array<i32>} : memref<32x768xf32, #tpu.memory_space<vmem>>, vector<1x16xf32>,
        }
        %scan3A_351 = arith.constant 32 : i32
        %mul3A_352 = arith.constant 32 : i32
        %mul3A_353 = arith.muli %add3A_93, %mul3A_352 : i32
        %add3A_354 = arith.addi %mul3A_2, %mul3A_353 : i32
        %dma_start3A_355 = arith.constant 0 : i32
        %dma_start3A_356 = tpu.memref_slice %arg5[%add3A_354, %dma_start3A_355] : memref<78848x768xf32, #tpu.memory_space<hbm>> -> memref<32x768xf32, #tpu.memory_space<hbm>>
        %dma_start3A_357 = arith.constant 0 : i32
        %dma_start3A_358 = tpu.memref_slice %arg5[%add3A_354, %dma_start3A_357] : memref<78848x768xf32, #tpu.memory_space<hbm>> -> memref<32x768xf32, #tpu.memory_space<hbm>>
        tpu.enqueue_dma source(%arg10 : memref<32x768xf32, #tpu.memory_space<vmem>>) target(%dma_start3A_358 : memref<32x768xf32, #tpu.memory_space<hbm>>) target_semaphore(%arg18 : memref<!tpu.dma_semaphore, #tpu.memory_space<semaphore_mem>>)
      } else {
      }
      %mul3A_106 = arith.constant 4 : i32
      %mul3A_107 = arith.muli %mul3A_106, %scan3A_60 : i32
      %add3A_108 = arith.constant 3 : i32
      %add3A_109 = arith.addi %mul3A_107, %add3A_108 : i32
      %add3A_110 = arith.constant 2 : i32
      %add3A_111 = arith.addi %add3A_109, %add3A_110 : i32
      %lt3A_112 = arith.constant 77 : i32
      %lt3A_113 = arith.cmpi slt, %add3A_111, %lt3A_112 : i32
      %convert_element_type3A_114 = arith.extui %lt3A_113 : i1 to i32
      %cond3A_115 = arith.constant 0 : i32
      %cond3A_116 = arith.cmpi ne, %convert_element_type3A_114, %cond3A_115 : i32
      scf.if %cond3A_116 {
        %ge3A = arith.constant 2 : i32
        %ge3A_122 = arith.cmpi sge, %add3A_109, %ge3A : i32
        %convert_element_type3A_123 = arith.extui %ge3A_122 : i1 to i32
        %cond3A_124 = arith.constant 0 : i32
        %cond3A_125 = arith.cmpi ne, %convert_element_type3A_123, %cond3A_124 : i32
        scf.if %cond3A_125 {
          %add3A_134 = arith.constant 2 : i32
          %add3A_135 = arith.addi %add3A_109, %add3A_134 : i32
          %sub3A_136 = arith.constant 4 : i32
          %sub3A_137 = arith.subi %add3A_135, %sub3A_136 : i32
          %mul3A_138 = arith.constant 32 : i32
          %mul3A_139 = arith.muli %sub3A_137, %mul3A_138 : i32
          %add3A_140 = arith.addi %mul3A_2, %mul3A_139 : i32
          %dma_wait3A_141 = arith.constant 0 : i32
          %dma_wait3A_142 = tpu.memref_slice %arg5[%add3A_140, %dma_wait3A_141] : memref<78848x768xf32, #tpu.memory_space<hbm>> -> memref<32x768xf32, #tpu.memory_space<hbm>>
          %dma_wait3A_143 = arith.constant 0 : i32
          %dma_wait3A_144 = tpu.memref_slice %arg5[%add3A_140, %dma_wait3A_143] : memref<78848x768xf32, #tpu.memory_space<hbm>> -> memref<32x768xf32, #tpu.memory_space<hbm>>
          tpu.wait_dma2 semaphore(%arg17 : memref<!tpu.dma_semaphore, #tpu.memory_space<semaphore_mem>>) src(%arg9 : memref<32x768xf32, #tpu.memory_space<vmem>>) dst(%dma_wait3A_144 : memref<32x768xf32, #tpu.memory_space<hbm>>)
        } else {
        }
        %add3A_126 = arith.constant 2 : i32
        %add3A_127 = arith.addi %add3A_109, %add3A_126 : i32
        %dma_start3A_128 = arith.constant 0 : i32
        %dma_start3A_129 = tpu.memref_slice %arg6[%add3A_127, %dma_start3A_128] : memref<77x32xi32, #tpu.memory_space<vmem>> -> memref<1x32xi32, #tpu.memory_space<vmem>>
        %dma_start3A_130 = tpu.memref_squeeze %dma_start3A_129 : memref<1x32xi32, #tpu.memory_space<vmem>> -> memref<32xi32, #tpu.memory_space<vmem>>
        %dma_start3A_131 = arith.constant 0 : i32
        %dma_start3A_132 = arith.constant 0 : i32
        %dma_start3A_133 = tpu.memref_slice %arg4[%dma_start3A_131, %dma_start3A_132] : memref<49408x768xf32, #tpu.memory_space<hbm>> -> memref<49408x768xf32, #tpu.memory_space<hbm>>
        tpu.enqueue_indirect_dma source(%dma_start3A_133 : memref<49408x768xf32, #tpu.memory_space<hbm>>) target(%arg9 : memref<32x768xf32, #tpu.memory_space<vmem>>) offsets(%dma_start3A_130 : memref<32xi32, #tpu.memory_space<vmem>>) semaphore(%arg13 : memref<!tpu.dma_semaphore, #tpu.memory_space<semaphore_mem>>)
      } else {
      }
      %lt3A_117 = arith.constant 77 : i32
      %lt3A_118 = arith.cmpi slt, %add3A_109, %lt3A_117 : i32
      %convert_element_type3A_119 = arith.extui %lt3A_118 : i1 to i32
      %cond3A_120 = arith.constant 0 : i32
      %cond3A_121 = arith.cmpi ne, %convert_element_type3A_119, %cond3A_120 : i32
      scf.if %cond3A_121 {
        %dma_wait3A_122 = arith.constant 0 : i32
        %dma_wait3A_123 = tpu.memref_slice %arg6[%add3A_109, %dma_wait3A_122] : memref<77x32xi32, #tpu.memory_space<vmem>> -> memref<1x32xi32, #tpu.memory_space<vmem>>
        %dma_wait3A_124 = tpu.memref_squeeze %dma_wait3A_123 : memref<1x32xi32, #tpu.memory_space<vmem>> -> memref<32xi32, #tpu.memory_space<vmem>>
        %dma_wait3A_125 = arith.constant 0 : i32
        %dma_wait3A_126 = arith.constant 0 : i32
        %dma_wait3A_127 = tpu.memref_slice %arg4[%dma_wait3A_125, %dma_wait3A_126] : memref<49408x768xf32, #tpu.memory_space<hbm>> -> memref<49408x768xf32, #tpu.memory_space<hbm>>
        tpu.wait_indirect_dma semaphore(%arg15 : memref<!tpu.dma_semaphore, #tpu.memory_space<semaphore_mem>>) src(%dma_wait3A_127 : memref<49408x768xf32, #tpu.memory_space<hbm>>) dst(%arg11 : memref<32x768xf32, #tpu.memory_space<vmem>>)
        %mul3A_128 = arith.constant 32 : i32
        %mul3A_129 = arith.muli %add3A_109, %mul3A_128 : i32
        %add3A_130 = arith.addi %mul3A_2, %mul3A_129 : i32
        %jit3A_131 = arith.constant 1024 : i32
        %div3A_132 = arith.divsi %add3A_130, %jit3A_131 : i32
        %sign3A_133 = arith.constant 0 : i32
        %sign3A_134 = arith.cmpi sgt, %add3A_130, %sign3A_133 : i32
        %sign3A_135 = arith.extui %sign3A_134 : i1 to i32
        %sign3A_136 = arith.constant 0 : i32
        %sign3A_137 = arith.cmpi slt, %add3A_130, %sign3A_136 : i32
        %sign3A_138 = arith.extui %sign3A_137 : i1 to i32
        %sign3A_139 = arith.subi %sign3A_135, %sign3A_138 : i32
        %sign3A_140 = arith.constant 0 : i32
        %sign3A_141 = arith.cmpi sgt, %jit3A_131, %sign3A_140 : i32
        %sign3A_142 = arith.extui %sign3A_141 : i1 to i32
        %sign3A_143 = arith.constant 0 : i32
        %sign3A_144 = arith.cmpi slt, %jit3A_131, %sign3A_143 : i32
        %sign3A_145 = arith.extui %sign3A_144 : i1 to i32
        %sign3A_146 = arith.subi %sign3A_142, %sign3A_145 : i32
        %ne3A_147 = arith.cmpi ne, %sign3A_139, %sign3A_146 : i32
        %rem3A_148 = arith.remsi %add3A_130, %jit3A_131 : i32
        %ne3A_149 = arith.constant 0 : i32
        %ne3A_150 = arith.cmpi ne, %rem3A_148, %ne3A_149 : i32
        %and3A_151 = arith.andi %ne3A_147, %ne3A_150 : i1
        %sub3A_152 = arith.constant 1 : i32
        %sub3A_153 = arith.subi %div3A_132, %sub3A_152 : i32
        %select_n3A_154 = arith.select %and3A_151, %sub3A_153, %div3A_132 : i32
        %sub3A_155 = arith.subi %select_n3A_154, %select_n3A : i32
        %get3A = arith.index_cast %sub3A_155 : i32 to index
        %get3A_156 = arith.constant 0 : index
        %get3A_157 = tpu.vector_load %arg7[%get3A, %get3A_156] {strides = array<i32>} : memref<4x768xf32, #tpu.memory_space<vmem>>, vector<1x16xf32>,
        %get3A_158 = vector.shape_cast %get3A_157 : vector<1x16xf32> to vector<16xf32>
        %get3A_159 = arith.index_cast %sub3A_155 : i32 to index
        %get3A_160 = arith.constant 16 : index
        %get3A_161 = tpu.vector_load %arg7[%get3A_159, %get3A_160] {strides = array<i32>} : memref<4x768xf32, #tpu.memory_space<vmem>>, vector<1x16xf32>,
        %get3A_162 = vector.shape_cast %get3A_161 : vector<1x16xf32> to vector<16xf32>
        %get3A_163 = arith.index_cast %sub3A_155 : i32 to index
        %get3A_164 = arith.constant 32 : index
        %get3A_165 = tpu.vector_load %arg7[%get3A_163, %get3A_164] {strides = array<i32>} : memref<4x768xf32, #tpu.memory_space<vmem>>, vector<1x16xf32>,
        %get3A_166 = vector.shape_cast %get3A_165 : vector<1x16xf32> to vector<16xf32>
        %get3A_167 = arith.index_cast %sub3A_155 : i32 to index
        %get3A_168 = arith.constant 48 : index
        %get3A_169 = tpu.vector_load %arg7[%get3A_167, %get3A_168] {strides = array<i32>} : memref<4x768xf32, #tpu.memory_space<vmem>>, vector<1x16xf32>,
        %get3A_170 = vector.shape_cast %get3A_169 : vector<1x16xf32> to vector<16xf32>
        %get3A_171 = arith.index_cast %sub3A_155 : i32 to index
        %get3A_172 = arith.constant 64 : index
        %get3A_173 = tpu.vector_load %arg7[%get3A_171, %get3A_172] {strides = array<i32>} : memref<4x768xf32, #tpu.memory_space<vmem>>, vector<1x16xf32>,
        %get3A_174 = vector.shape_cast %get3A_173 : vector<1x16xf32> to vector<16xf32>
        %get3A_175 = arith.index_cast %sub3A_155 : i32 to index
        %get3A_176 = arith.constant 80 : index
        %get3A_177 = tpu.vector_load %arg7[%get3A_175, %get3A_176] {strides = array<i32>} : memref<4x768xf32, #tpu.memory_space<vmem>>, vector<1x16xf32>,
        %get3A_178 = vector.shape_cast %get3A_177 : vector<1x16xf32> to vector<16xf32>
        %get3A_179 = arith.index_cast %sub3A_155 : i32 to index
        %get3A_180 = arith.constant 96 : index
        %get3A_181 = tpu.vector_load %arg7[%get3A_179, %get3A_180] {strides = array<i32>} : memref<4x768xf32, #tpu.memory_space<vmem>>, vector<1x16xf32>,
        %get3A_182 = vector.shape_cast %get3A_181 : vector<1x16xf32> to vector<16xf32>
        %get3A_183 = arith.index_cast %sub3A_155 : i32 to index
        %get3A_184 = arith.constant 112 : index
        %get3A_185 = tpu.vector_load %arg7[%get3A_183, %get3A_184] {strides = array<i32>} : memref<4x768xf32, #tpu.memory_space<vmem>>, vector<1x16xf32>,
        %get3A_186 = vector.shape_cast %get3A_185 : vector<1x16xf32> to vector<16xf32>
        %get3A_187 = arith.index_cast %sub3A_155 : i32 to index
        %get3A_188 = arith.constant 128 : index
        %get3A_189 = tpu.vector_load %arg7[%get3A_187, %get3A_188] {strides = array<i32>} : memref<4x768xf32, #tpu.memory_space<vmem>>, vector<1x16xf32>,
        %get3A_190 = vector.shape_cast %get3A_189 : vector<1x16xf32> to vector<16xf32>
        %get3A_191 = arith.index_cast %sub3A_155 : i32 to index
        %get3A_192 = arith.constant 144 : index
        %get3A_193 = tpu.vector_load %arg7[%get3A_191, %get3A_192] {strides = array<i32>} : memref<4x768xf32, #tpu.memory_space<vmem>>, vector<1x16xf32>,
        %get3A_194 = vector.shape_cast %get3A_193 : vector<1x16xf32> to vector<16xf32>
        %get3A_195 = arith.index_cast %sub3A_155 : i32 to index
        %get3A_196 = arith.constant 160 : index
        %get3A_197 = tpu.vector_load %arg7[%get3A_195, %get3A_196] {strides = array<i32>} : memref<4x768xf32, #tpu.memory_space<vmem>>, vector<1x16xf32>,
        %get3A_198 = vector.shape_cast %get3A_197 : vector<1x16xf32> to vector<16xf32>
        %get3A_199 = arith.index_cast %sub3A_155 : i32 to index
        %get3A_200 = arith.constant 176 : index
        %get3A_201 = tpu.vector_load %arg7[%get3A_199, %get3A_200] {strides = array<i32>} : memref<4x768xf32, #tpu.memory_space<vmem>>, vector<1x16xf32>,
        %get3A_202 = vector.shape_cast %get3A_201 : vector<1x16xf32> to vector<16xf32>
        %get3A_203 = arith.index_cast %sub3A_155 : i32 to index
        %get3A_204 = arith.constant 192 : index
        %get3A_205 = tpu.vector_load %arg7[%get3A_203, %get3A_204] {strides = array<i32>} : memref<4x768xf32, #tpu.memory_space<vmem>>, vector<1x16xf32>,
        %get3A_206 = vector.shape_cast %get3A_205 : vector<1x16xf32> to vector<16xf32>
        %get3A_207 = arith.index_cast %sub3A_155 : i32 to index
        %get3A_208 = arith.constant 208 : index
        %get3A_209 = tpu.vector_load %arg7[%get3A_207, %get3A_208] {strides = array<i32>} : memref<4x768xf32, #tpu.memory_space<vmem>>, vector<1x16xf32>,
        %get3A_210 = vector.shape_cast %get3A_209 : vector<1x16xf32> to vector<16xf32>
        %get3A_211 = arith.index_cast %sub3A_155 : i32 to index
        %get3A_212 = arith.constant 224 : index
        %get3A_213 = tpu.vector_load %arg7[%get3A_211, %get3A_212] {strides = array<i32>} : memref<4x768xf32, #tpu.memory_space<vmem>>, vector<1x16xf32>,
        %get3A_214 = vector.shape_cast %get3A_213 : vector<1x16xf32> to vector<16xf32>
        %get3A_215 = arith.index_cast %sub3A_155 : i32 to index
        %get3A_216 = arith.constant 240 : index
        %get3A_217 = tpu.vector_load %arg7[%get3A_215, %get3A_216] {strides = array<i32>} : memref<4x768xf32, #tpu.memory_space<vmem>>, vector<1x16xf32>,
        %get3A_218 = vector.shape_cast %get3A_217 : vector<1x16xf32> to vector<16xf32>
        %get3A_219 = arith.index_cast %sub3A_155 : i32 to index
        %get3A_220 = arith.constant 256 : index
        %get3A_221 = tpu.vector_load %arg7[%get3A_219, %get3A_220] {strides = array<i32>} : memref<4x768xf32, #tpu.memory_space<vmem>>, vector<1x16xf32>,
        %get3A_222 = vector.shape_cast %get3A_221 : vector<1x16xf32> to vector<16xf32>
        %get3A_223 = arith.index_cast %sub3A_155 : i32 to index
        %get3A_224 = arith.constant 272 : index
        %get3A_225 = tpu.vector_load %arg7[%get3A_223, %get3A_224] {strides = array<i32>} : memref<4x768xf32, #tpu.memory_space<vmem>>, vector<1x16xf32>,
        %get3A_226 = vector.shape_cast %get3A_225 : vector<1x16xf32> to vector<16xf32>
        %get3A_227 = arith.index_cast %sub3A_155 : i32 to index
        %get3A_228 = arith.constant 288 : index
        %get3A_229 = tpu.vector_load %arg7[%get3A_227, %get3A_228] {strides = array<i32>} : memref<4x768xf32, #tpu.memory_space<vmem>>, vector<1x16xf32>,
        %get3A_230 = vector.shape_cast %get3A_229 : vector<1x16xf32> to vector<16xf32>
        %get3A_231 = arith.index_cast %sub3A_155 : i32 to index
        %get3A_232 = arith.constant 304 : index
        %get3A_233 = tpu.vector_load %arg7[%get3A_231, %get3A_232] {strides = array<i32>} : memref<4x768xf32, #tpu.memory_space<vmem>>, vector<1x16xf32>,
        %get3A_234 = vector.shape_cast %get3A_233 : vector<1x16xf32> to vector<16xf32>
        %get3A_235 = arith.index_cast %sub3A_155 : i32 to index
        %get3A_236 = arith.constant 320 : index
        %get3A_237 = tpu.vector_load %arg7[%get3A_235, %get3A_236] {strides = array<i32>} : memref<4x768xf32, #tpu.memory_space<vmem>>, vector<1x16xf32>,
        %get3A_238 = vector.shape_cast %get3A_237 : vector<1x16xf32> to vector<16xf32>
        %get3A_239 = arith.index_cast %sub3A_155 : i32 to index
        %get3A_240 = arith.constant 336 : index
        %get3A_241 = tpu.vector_load %arg7[%get3A_239, %get3A_240] {strides = array<i32>} : memref<4x768xf32, #tpu.memory_space<vmem>>, vector<1x16xf32>,
        %get3A_242 = vector.shape_cast %get3A_241 : vector<1x16xf32> to vector<16xf32>
        %get3A_243 = arith.index_cast %sub3A_155 : i32 to index
        %get3A_244 = arith.constant 352 : index
        %get3A_245 = tpu.vector_load %arg7[%get3A_243, %get3A_244] {strides = array<i32>} : memref<4x768xf32, #tpu.memory_space<vmem>>, vector<1x16xf32>,
        %get3A_246 = vector.shape_cast %get3A_245 : vector<1x16xf32> to vector<16xf32>
        %get3A_247 = arith.index_cast %sub3A_155 : i32 to index
        %get3A_248 = arith.constant 368 : index
        %get3A_249 = tpu.vector_load %arg7[%get3A_247, %get3A_248] {strides = array<i32>} : memref<4x768xf32, #tpu.memory_space<vmem>>, vector<1x16xf32>,
        %get3A_250 = vector.shape_cast %get3A_249 : vector<1x16xf32> to vector<16xf32>
        %get3A_251 = arith.index_cast %sub3A_155 : i32 to index
        %get3A_252 = arith.constant 384 : index
        %get3A_253 = tpu.vector_load %arg7[%get3A_251, %get3A_252] {strides = array<i32>} : memref<4x768xf32, #tpu.memory_space<vmem>>, vector<1x16xf32>,
        %get3A_254 = vector.shape_cast %get3A_253 : vector<1x16xf32> to vector<16xf32>
        %get3A_255 = arith.index_cast %sub3A_155 : i32 to index
        %get3A_256 = arith.constant 400 : index
        %get3A_257 = tpu.vector_load %arg7[%get3A_255, %get3A_256] {strides = array<i32>} : memref<4x768xf32, #tpu.memory_space<vmem>>, vector<1x16xf32>,
        %get3A_258 = vector.shape_cast %get3A_257 : vector<1x16xf32> to vector<16xf32>
        %get3A_259 = arith.index_cast %sub3A_155 : i32 to index
        %get3A_260 = arith.constant 416 : index
        %get3A_261 = tpu.vector_load %arg7[%get3A_259, %get3A_260] {strides = array<i32>} : memref<4x768xf32, #tpu.memory_space<vmem>>, vector<1x16xf32>,
        %get3A_262 = vector.shape_cast %get3A_261 : vector<1x16xf32> to vector<16xf32>
        %get3A_263 = arith.index_cast %sub3A_155 : i32 to index
        %get3A_264 = arith.constant 432 : index
        %get3A_265 = tpu.vector_load %arg7[%get3A_263, %get3A_264] {strides = array<i32>} : memref<4x768xf32, #tpu.memory_space<vmem>>, vector<1x16xf32>,
        %get3A_266 = vector.shape_cast %get3A_265 : vector<1x16xf32> to vector<16xf32>
        %get3A_267 = arith.index_cast %sub3A_155 : i32 to index
        %get3A_268 = arith.constant 448 : index
        %get3A_269 = tpu.vector_load %arg7[%get3A_267, %get3A_268] {strides = array<i32>} : memref<4x768xf32, #tpu.memory_space<vmem>>, vector<1x16xf32>,
        %get3A_270 = vector.shape_cast %get3A_269 : vector<1x16xf32> to vector<16xf32>
        %get3A_271 = arith.index_cast %sub3A_155 : i32 to index
        %get3A_272 = arith.constant 464 : index
        %get3A_273 = tpu.vector_load %arg7[%get3A_271, %get3A_272] {strides = array<i32>} : memref<4x768xf32, #tpu.memory_space<vmem>>, vector<1x16xf32>,
        %get3A_274 = vector.shape_cast %get3A_273 : vector<1x16xf32> to vector<16xf32>
        %get3A_275 = arith.index_cast %sub3A_155 : i32 to index
        %get3A_276 = arith.constant 480 : index
        %get3A_277 = tpu.vector_load %arg7[%get3A_275, %get3A_276] {strides = array<i32>} : memref<4x768xf32, #tpu.memory_space<vmem>>, vector<1x16xf32>,
        %get3A_278 = vector.shape_cast %get3A_277 : vector<1x16xf32> to vector<16xf32>
        %get3A_279 = arith.index_cast %sub3A_155 : i32 to index
        %get3A_280 = arith.constant 496 : index
        %get3A_281 = tpu.vector_load %arg7[%get3A_279, %get3A_280] {strides = array<i32>} : memref<4x768xf32, #tpu.memory_space<vmem>>, vector<1x16xf32>,
        %get3A_282 = vector.shape_cast %get3A_281 : vector<1x16xf32> to vector<16xf32>
        %get3A_283 = arith.index_cast %sub3A_155 : i32 to index
        %get3A_284 = arith.constant 512 : index
        %get3A_285 = tpu.vector_load %arg7[%get3A_283, %get3A_284] {strides = array<i32>} : memref<4x768xf32, #tpu.memory_space<vmem>>, vector<1x16xf32>,
        %get3A_286 = vector.shape_cast %get3A_285 : vector<1x16xf32> to vector<16xf32>
        %get3A_287 = arith.index_cast %sub3A_155 : i32 to index
        %get3A_288 = arith.constant 528 : index
        %get3A_289 = tpu.vector_load %arg7[%get3A_287, %get3A_288] {strides = array<i32>} : memref<4x768xf32, #tpu.memory_space<vmem>>, vector<1x16xf32>,
        %get3A_290 = vector.shape_cast %get3A_289 : vector<1x16xf32> to vector<16xf32>
        %get3A_291 = arith.index_cast %sub3A_155 : i32 to index
        %get3A_292 = arith.constant 544 : index
        %get3A_293 = tpu.vector_load %arg7[%get3A_291, %get3A_292] {strides = array<i32>} : memref<4x768xf32, #tpu.memory_space<vmem>>, vector<1x16xf32>,
        %get3A_294 = vector.shape_cast %get3A_293 : vector<1x16xf32> to vector<16xf32>
        %get3A_295 = arith.index_cast %sub3A_155 : i32 to index
        %get3A_296 = arith.constant 560 : index
        %get3A_297 = tpu.vector_load %arg7[%get3A_295, %get3A_296] {strides = array<i32>} : memref<4x768xf32, #tpu.memory_space<vmem>>, vector<1x16xf32>,
        %get3A_298 = vector.shape_cast %get3A_297 : vector<1x16xf32> to vector<16xf32>
        %get3A_299 = arith.index_cast %sub3A_155 : i32 to index
        %get3A_300 = arith.constant 576 : index
        %get3A_301 = tpu.vector_load %arg7[%get3A_299, %get3A_300] {strides = array<i32>} : memref<4x768xf32, #tpu.memory_space<vmem>>, vector<1x16xf32>,
        %get3A_302 = vector.shape_cast %get3A_301 : vector<1x16xf32> to vector<16xf32>
        %get3A_303 = arith.index_cast %sub3A_155 : i32 to index
        %get3A_304 = arith.constant 592 : index
        %get3A_305 = tpu.vector_load %arg7[%get3A_303, %get3A_304] {strides = array<i32>} : memref<4x768xf32, #tpu.memory_space<vmem>>, vector<1x16xf32>,
        %get3A_306 = vector.shape_cast %get3A_305 : vector<1x16xf32> to vector<16xf32>
        %get3A_307 = arith.index_cast %sub3A_155 : i32 to index
        %get3A_308 = arith.constant 608 : index
        %get3A_309 = tpu.vector_load %arg7[%get3A_307, %get3A_308] {strides = array<i32>} : memref<4x768xf32, #tpu.memory_space<vmem>>, vector<1x16xf32>,
        %get3A_310 = vector.shape_cast %get3A_309 : vector<1x16xf32> to vector<16xf32>
        %get3A_311 = arith.index_cast %sub3A_155 : i32 to index
        %get3A_312 = arith.constant 624 : index
        %get3A_313 = tpu.vector_load %arg7[%get3A_311, %get3A_312] {strides = array<i32>} : memref<4x768xf32, #tpu.memory_space<vmem>>, vector<1x16xf32>,
        %get3A_314 = vector.shape_cast %get3A_313 : vector<1x16xf32> to vector<16xf32>
        %get3A_315 = arith.index_cast %sub3A_155 : i32 to index
        %get3A_316 = arith.constant 640 : index
        %get3A_317 = tpu.vector_load %arg7[%get3A_315, %get3A_316] {strides = array<i32>} : memref<4x768xf32, #tpu.memory_space<vmem>>, vector<1x16xf32>,
        %get3A_318 = vector.shape_cast %get3A_317 : vector<1x16xf32> to vector<16xf32>
        %get3A_319 = arith.index_cast %sub3A_155 : i32 to index
        %get3A_320 = arith.constant 656 : index
        %get3A_321 = tpu.vector_load %arg7[%get3A_319, %get3A_320] {strides = array<i32>} : memref<4x768xf32, #tpu.memory_space<vmem>>, vector<1x16xf32>,
        %get3A_322 = vector.shape_cast %get3A_321 : vector<1x16xf32> to vector<16xf32>
        %get3A_323 = arith.index_cast %sub3A_155 : i32 to index
        %get3A_324 = arith.constant 672 : index
        %get3A_325 = tpu.vector_load %arg7[%get3A_323, %get3A_324] {strides = array<i32>} : memref<4x768xf32, #tpu.memory_space<vmem>>, vector<1x16xf32>,
        %get3A_326 = vector.shape_cast %get3A_325 : vector<1x16xf32> to vector<16xf32>
        %get3A_327 = arith.index_cast %sub3A_155 : i32 to index
        %get3A_328 = arith.constant 688 : index
        %get3A_329 = tpu.vector_load %arg7[%get3A_327, %get3A_328] {strides = array<i32>} : memref<4x768xf32, #tpu.memory_space<vmem>>, vector<1x16xf32>,
        %get3A_330 = vector.shape_cast %get3A_329 : vector<1x16xf32> to vector<16xf32>
        %get3A_331 = arith.index_cast %sub3A_155 : i32 to index
        %get3A_332 = arith.constant 704 : index
        %get3A_333 = tpu.vector_load %arg7[%get3A_331, %get3A_332] {strides = array<i32>} : memref<4x768xf32, #tpu.memory_space<vmem>>, vector<1x16xf32>,
        %get3A_334 = vector.shape_cast %get3A_333 : vector<1x16xf32> to vector<16xf32>
        %get3A_335 = arith.index_cast %sub3A_155 : i32 to index
        %get3A_336 = arith.constant 720 : index
        %get3A_337 = tpu.vector_load %arg7[%get3A_335, %get3A_336] {strides = array<i32>} : memref<4x768xf32, #tpu.memory_space<vmem>>, vector<1x16xf32>,
        %get3A_338 = vector.shape_cast %get3A_337 : vector<1x16xf32> to vector<16xf32>
        %get3A_339 = arith.index_cast %sub3A_155 : i32 to index
        %get3A_340 = arith.constant 736 : index
        %get3A_341 = tpu.vector_load %arg7[%get3A_339, %get3A_340] {strides = array<i32>} : memref<4x768xf32, #tpu.memory_space<vmem>>, vector<1x16xf32>,
        %get3A_342 = vector.shape_cast %get3A_341 : vector<1x16xf32> to vector<16xf32>
        %get3A_343 = arith.index_cast %sub3A_155 : i32 to index
        %get3A_344 = arith.constant 752 : index
        %get3A_345 = tpu.vector_load %arg7[%get3A_343, %get3A_344] {strides = array<i32>} : memref<4x768xf32, #tpu.memory_space<vmem>>, vector<1x16xf32>,
        %get3A_346 = vector.shape_cast %get3A_345 : vector<1x16xf32> to vector<16xf32>
        %scan3A_347 = arith.constant 0 : i32
        %scan3A_348 = arith.constant 32 : i32
        %scan3A_349 = arith.addi %scan3A_347, %scan3A_348 : i32
        %scan3A_350 = arith.constant 1 : i32
        scf.for %scan3A_359 = %scan3A_347 to %scan3A_349 step %scan3A_350  : i32 {
          %swap3A = arith.index_cast %scan3A_359 : i32 to index
          %swap3A_360 = arith.constant 0 : index
          %swap3A_361 = tpu.vector_load %arg11[%swap3A, %swap3A_360] {strides = array<i32>} : memref<32x768xf32, #tpu.memory_space<vmem>>, vector<1x16xf32>,
          %swap3A_362 = vector.shape_cast %swap3A_361 : vector<1x16xf32> to vector<16xf32>
          %swap3A_363 = vector.shape_cast %get3A_158 : vector<16xf32> to vector<1x16xf32>
          tpu.vector_store %arg11[%swap3A, %swap3A_360], %swap3A_363 {add = true, strides = array<i32>} : memref<32x768xf32, #tpu.memory_space<vmem>>, vector<1x16xf32>,
          %swap3A_364 = arith.index_cast %scan3A_359 : i32 to index
          %swap3A_365 = arith.constant 16 : index
          %swap3A_366 = tpu.vector_load %arg11[%swap3A_364, %swap3A_365] {strides = array<i32>} : memref<32x768xf32, #tpu.memory_space<vmem>>, vector<1x16xf32>,
          %swap3A_367 = vector.shape_cast %swap3A_366 : vector<1x16xf32> to vector<16xf32>
          %swap3A_368 = vector.shape_cast %get3A_162 : vector<16xf32> to vector<1x16xf32>
          tpu.vector_store %arg11[%swap3A_364, %swap3A_365], %swap3A_368 {add = true, strides = array<i32>} : memref<32x768xf32, #tpu.memory_space<vmem>>, vector<1x16xf32>,
          %swap3A_369 = arith.index_cast %scan3A_359 : i32 to index
          %swap3A_370 = arith.constant 32 : index
          %swap3A_371 = tpu.vector_load %arg11[%swap3A_369, %swap3A_370] {strides = array<i32>} : memref<32x768xf32, #tpu.memory_space<vmem>>, vector<1x16xf32>,
          %swap3A_372 = vector.shape_cast %swap3A_371 : vector<1x16xf32> to vector<16xf32>
          %swap3A_373 = vector.shape_cast %get3A_166 : vector<16xf32> to vector<1x16xf32>
          tpu.vector_store %arg11[%swap3A_369, %swap3A_370], %swap3A_373 {add = true, strides = array<i32>} : memref<32x768xf32, #tpu.memory_space<vmem>>, vector<1x16xf32>,
          %swap3A_374 = arith.index_cast %scan3A_359 : i32 to index
          %swap3A_375 = arith.constant 48 : index
          %swap3A_376 = tpu.vector_load %arg11[%swap3A_374, %swap3A_375] {strides = array<i32>} : memref<32x768xf32, #tpu.memory_space<vmem>>, vector<1x16xf32>,
          %swap3A_377 = vector.shape_cast %swap3A_376 : vector<1x16xf32> to vector<16xf32>
          %swap3A_378 = vector.shape_cast %get3A_170 : vector<16xf32> to vector<1x16xf32>
          tpu.vector_store %arg11[%swap3A_374, %swap3A_375], %swap3A_378 {add = true, strides = array<i32>} : memref<32x768xf32, #tpu.memory_space<vmem>>, vector<1x16xf32>,
          %swap3A_379 = arith.index_cast %scan3A_359 : i32 to index
          %swap3A_380 = arith.constant 64 : index
          %swap3A_381 = tpu.vector_load %arg11[%swap3A_379, %swap3A_380] {strides = array<i32>} : memref<32x768xf32, #tpu.memory_space<vmem>>, vector<1x16xf32>,
          %swap3A_382 = vector.shape_cast %swap3A_381 : vector<1x16xf32> to vector<16xf32>
          %swap3A_383 = vector.shape_cast %get3A_174 : vector<16xf32> to vector<1x16xf32>
          tpu.vector_store %arg11[%swap3A_379, %swap3A_380], %swap3A_383 {add = true, strides = array<i32>} : memref<32x768xf32, #tpu.memory_space<vmem>>, vector<1x16xf32>,
          %swap3A_384 = arith.index_cast %scan3A_359 : i32 to index
          %swap3A_385 = arith.constant 80 : index
          %swap3A_386 = tpu.vector_load %arg11[%swap3A_384, %swap3A_385] {strides = array<i32>} : memref<32x768xf32, #tpu.memory_space<vmem>>, vector<1x16xf32>,
          %swap3A_387 = vector.shape_cast %swap3A_386 : vector<1x16xf32> to vector<16xf32>
          %swap3A_388 = vector.shape_cast %get3A_178 : vector<16xf32> to vector<1x16xf32>
          tpu.vector_store %arg11[%swap3A_384, %swap3A_385], %swap3A_388 {add = true, strides = array<i32>} : memref<32x768xf32, #tpu.memory_space<vmem>>, vector<1x16xf32>,
          %swap3A_389 = arith.index_cast %scan3A_359 : i32 to index
          %swap3A_390 = arith.constant 96 : index
          %swap3A_391 = tpu.vector_load %arg11[%swap3A_389, %swap3A_390] {strides = array<i32>} : memref<32x768xf32, #tpu.memory_space<vmem>>, vector<1x16xf32>,
          %swap3A_392 = vector.shape_cast %swap3A_391 : vector<1x16xf32> to vector<16xf32>
          %swap3A_393 = vector.shape_cast %get3A_182 : vector<16xf32> to vector<1x16xf32>
          tpu.vector_store %arg11[%swap3A_389, %swap3A_390], %swap3A_393 {add = true, strides = array<i32>} : memref<32x768xf32, #tpu.memory_space<vmem>>, vector<1x16xf32>,
          %swap3A_394 = arith.index_cast %scan3A_359 : i32 to index
          %swap3A_395 = arith.constant 112 : index
          %swap3A_396 = tpu.vector_load %arg11[%swap3A_394, %swap3A_395] {strides = array<i32>} : memref<32x768xf32, #tpu.memory_space<vmem>>, vector<1x16xf32>,
          %swap3A_397 = vector.shape_cast %swap3A_396 : vector<1x16xf32> to vector<16xf32>
          %swap3A_398 = vector.shape_cast %get3A_186 : vector<16xf32> to vector<1x16xf32>
          tpu.vector_store %arg11[%swap3A_394, %swap3A_395], %swap3A_398 {add = true, strides = array<i32>} : memref<32x768xf32, #tpu.memory_space<vmem>>, vector<1x16xf32>,
          %swap3A_399 = arith.index_cast %scan3A_359 : i32 to index
          %swap3A_400 = arith.constant 128 : index
          %swap3A_401 = tpu.vector_load %arg11[%swap3A_399, %swap3A_400] {strides = array<i32>} : memref<32x768xf32, #tpu.memory_space<vmem>>, vector<1x16xf32>,
          %swap3A_402 = vector.shape_cast %swap3A_401 : vector<1x16xf32> to vector<16xf32>
          %swap3A_403 = vector.shape_cast %get3A_190 : vector<16xf32> to vector<1x16xf32>
          tpu.vector_store %arg11[%swap3A_399, %swap3A_400], %swap3A_403 {add = true, strides = array<i32>} : memref<32x768xf32, #tpu.memory_space<vmem>>, vector<1x16xf32>,
          %swap3A_404 = arith.index_cast %scan3A_359 : i32 to index
          %swap3A_405 = arith.constant 144 : index
          %swap3A_406 = tpu.vector_load %arg11[%swap3A_404, %swap3A_405] {strides = array<i32>} : memref<32x768xf32, #tpu.memory_space<vmem>>, vector<1x16xf32>,
          %swap3A_407 = vector.shape_cast %swap3A_406 : vector<1x16xf32> to vector<16xf32>
          %swap3A_408 = vector.shape_cast %get3A_194 : vector<16xf32> to vector<1x16xf32>
          tpu.vector_store %arg11[%swap3A_404, %swap3A_405], %swap3A_408 {add = true, strides = array<i32>} : memref<32x768xf32, #tpu.memory_space<vmem>>, vector<1x16xf32>,
          %swap3A_409 = arith.index_cast %scan3A_359 : i32 to index
          %swap3A_410 = arith.constant 160 : index
          %swap3A_411 = tpu.vector_load %arg11[%swap3A_409, %swap3A_410] {strides = array<i32>} : memref<32x768xf32, #tpu.memory_space<vmem>>, vector<1x16xf32>,
          %swap3A_412 = vector.shape_cast %swap3A_411 : vector<1x16xf32> to vector<16xf32>
          %swap3A_413 = vector.shape_cast %get3A_198 : vector<16xf32> to vector<1x16xf32>
          tpu.vector_store %arg11[%swap3A_409, %swap3A_410], %swap3A_413 {add = true, strides = array<i32>} : memref<32x768xf32, #tpu.memory_space<vmem>>, vector<1x16xf32>,
          %swap3A_414 = arith.index_cast %scan3A_359 : i32 to index
          %swap3A_415 = arith.constant 176 : index
          %swap3A_416 = tpu.vector_load %arg11[%swap3A_414, %swap3A_415] {strides = array<i32>} : memref<32x768xf32, #tpu.memory_space<vmem>>, vector<1x16xf32>,
          %swap3A_417 = vector.shape_cast %swap3A_416 : vector<1x16xf32> to vector<16xf32>
          %swap3A_418 = vector.shape_cast %get3A_202 : vector<16xf32> to vector<1x16xf32>
          tpu.vector_store %arg11[%swap3A_414, %swap3A_415], %swap3A_418 {add = true, strides = array<i32>} : memref<32x768xf32, #tpu.memory_space<vmem>>, vector<1x16xf32>,
          %swap3A_419 = arith.index_cast %scan3A_359 : i32 to index
          %swap3A_420 = arith.constant 192 : index
          %swap3A_421 = tpu.vector_load %arg11[%swap3A_419, %swap3A_420] {strides = array<i32>} : memref<32x768xf32, #tpu.memory_space<vmem>>, vector<1x16xf32>,
          %swap3A_422 = vector.shape_cast %swap3A_421 : vector<1x16xf32> to vector<16xf32>
          %swap3A_423 = vector.shape_cast %get3A_206 : vector<16xf32> to vector<1x16xf32>
          tpu.vector_store %arg11[%swap3A_419, %swap3A_420], %swap3A_423 {add = true, strides = array<i32>} : memref<32x768xf32, #tpu.memory_space<vmem>>, vector<1x16xf32>,
          %swap3A_424 = arith.index_cast %scan3A_359 : i32 to index
          %swap3A_425 = arith.constant 208 : index
          %swap3A_426 = tpu.vector_load %arg11[%swap3A_424, %swap3A_425] {strides = array<i32>} : memref<32x768xf32, #tpu.memory_space<vmem>>, vector<1x16xf32>,
          %swap3A_427 = vector.shape_cast %swap3A_426 : vector<1x16xf32> to vector<16xf32>
          %swap3A_428 = vector.shape_cast %get3A_210 : vector<16xf32> to vector<1x16xf32>
          tpu.vector_store %arg11[%swap3A_424, %swap3A_425], %swap3A_428 {add = true, strides = array<i32>} : memref<32x768xf32, #tpu.memory_space<vmem>>, vector<1x16xf32>,
          %swap3A_429 = arith.index_cast %scan3A_359 : i32 to index
          %swap3A_430 = arith.constant 224 : index
          %swap3A_431 = tpu.vector_load %arg11[%swap3A_429, %swap3A_430] {strides = array<i32>} : memref<32x768xf32, #tpu.memory_space<vmem>>, vector<1x16xf32>,
          %swap3A_432 = vector.shape_cast %swap3A_431 : vector<1x16xf32> to vector<16xf32>
          %swap3A_433 = vector.shape_cast %get3A_214 : vector<16xf32> to vector<1x16xf32>
          tpu.vector_store %arg11[%swap3A_429, %swap3A_430], %swap3A_433 {add = true, strides = array<i32>} : memref<32x768xf32, #tpu.memory_space<vmem>>, vector<1x16xf32>,
          %swap3A_434 = arith.index_cast %scan3A_359 : i32 to index
          %swap3A_435 = arith.constant 240 : index
          %swap3A_436 = tpu.vector_load %arg11[%swap3A_434, %swap3A_435] {strides = array<i32>} : memref<32x768xf32, #tpu.memory_space<vmem>>, vector<1x16xf32>,
          %swap3A_437 = vector.shape_cast %swap3A_436 : vector<1x16xf32> to vector<16xf32>
          %swap3A_438 = vector.shape_cast %get3A_218 : vector<16xf32> to vector<1x16xf32>
          tpu.vector_store %arg11[%swap3A_434, %swap3A_435], %swap3A_438 {add = true, strides = array<i32>} : memref<32x768xf32, #tpu.memory_space<vmem>>, vector<1x16xf32>,
          %swap3A_439 = arith.index_cast %scan3A_359 : i32 to index
          %swap3A_440 = arith.constant 256 : index
          %swap3A_441 = tpu.vector_load %arg11[%swap3A_439, %swap3A_440] {strides = array<i32>} : memref<32x768xf32, #tpu.memory_space<vmem>>, vector<1x16xf32>,
          %swap3A_442 = vector.shape_cast %swap3A_441 : vector<1x16xf32> to vector<16xf32>
          %swap3A_443 = vector.shape_cast %get3A_222 : vector<16xf32> to vector<1x16xf32>
          tpu.vector_store %arg11[%swap3A_439, %swap3A_440], %swap3A_443 {add = true, strides = array<i32>} : memref<32x768xf32, #tpu.memory_space<vmem>>, vector<1x16xf32>,
          %swap3A_444 = arith.index_cast %scan3A_359 : i32 to index
          %swap3A_445 = arith.constant 272 : index
          %swap3A_446 = tpu.vector_load %arg11[%swap3A_444, %swap3A_445] {strides = array<i32>} : memref<32x768xf32, #tpu.memory_space<vmem>>, vector<1x16xf32>,
          %swap3A_447 = vector.shape_cast %swap3A_446 : vector<1x16xf32> to vector<16xf32>
          %swap3A_448 = vector.shape_cast %get3A_226 : vector<16xf32> to vector<1x16xf32>
          tpu.vector_store %arg11[%swap3A_444, %swap3A_445], %swap3A_448 {add = true, strides = array<i32>} : memref<32x768xf32, #tpu.memory_space<vmem>>, vector<1x16xf32>,
          %swap3A_449 = arith.index_cast %scan3A_359 : i32 to index
          %swap3A_450 = arith.constant 288 : index
          %swap3A_451 = tpu.vector_load %arg11[%swap3A_449, %swap3A_450] {strides = array<i32>} : memref<32x768xf32, #tpu.memory_space<vmem>>, vector<1x16xf32>,
          %swap3A_452 = vector.shape_cast %swap3A_451 : vector<1x16xf32> to vector<16xf32>
          %swap3A_453 = vector.shape_cast %get3A_230 : vector<16xf32> to vector<1x16xf32>
          tpu.vector_store %arg11[%swap3A_449, %swap3A_450], %swap3A_453 {add = true, strides = array<i32>} : memref<32x768xf32, #tpu.memory_space<vmem>>, vector<1x16xf32>,
          %swap3A_454 = arith.index_cast %scan3A_359 : i32 to index
          %swap3A_455 = arith.constant 304 : index
          %swap3A_456 = tpu.vector_load %arg11[%swap3A_454, %swap3A_455] {strides = array<i32>} : memref<32x768xf32, #tpu.memory_space<vmem>>, vector<1x16xf32>,
          %swap3A_457 = vector.shape_cast %swap3A_456 : vector<1x16xf32> to vector<16xf32>
          %swap3A_458 = vector.shape_cast %get3A_234 : vector<16xf32> to vector<1x16xf32>
          tpu.vector_store %arg11[%swap3A_454, %swap3A_455], %swap3A_458 {add = true, strides = array<i32>} : memref<32x768xf32, #tpu.memory_space<vmem>>, vector<1x16xf32>,
          %swap3A_459 = arith.index_cast %scan3A_359 : i32 to index
          %swap3A_460 = arith.constant 320 : index
          %swap3A_461 = tpu.vector_load %arg11[%swap3A_459, %swap3A_460] {strides = array<i32>} : memref<32x768xf32, #tpu.memory_space<vmem>>, vector<1x16xf32>,
          %swap3A_462 = vector.shape_cast %swap3A_461 : vector<1x16xf32> to vector<16xf32>
          %swap3A_463 = vector.shape_cast %get3A_238 : vector<16xf32> to vector<1x16xf32>
          tpu.vector_store %arg11[%swap3A_459, %swap3A_460], %swap3A_463 {add = true, strides = array<i32>} : memref<32x768xf32, #tpu.memory_space<vmem>>, vector<1x16xf32>,
          %swap3A_464 = arith.index_cast %scan3A_359 : i32 to index
          %swap3A_465 = arith.constant 336 : index
          %swap3A_466 = tpu.vector_load %arg11[%swap3A_464, %swap3A_465] {strides = array<i32>} : memref<32x768xf32, #tpu.memory_space<vmem>>, vector<1x16xf32>,
          %swap3A_467 = vector.shape_cast %swap3A_466 : vector<1x16xf32> to vector<16xf32>
          %swap3A_468 = vector.shape_cast %get3A_242 : vector<16xf32> to vector<1x16xf32>
          tpu.vector_store %arg11[%swap3A_464, %swap3A_465], %swap3A_468 {add = true, strides = array<i32>} : memref<32x768xf32, #tpu.memory_space<vmem>>, vector<1x16xf32>,
          %swap3A_469 = arith.index_cast %scan3A_359 : i32 to index
          %swap3A_470 = arith.constant 352 : index
          %swap3A_471 = tpu.vector_load %arg11[%swap3A_469, %swap3A_470] {strides = array<i32>} : memref<32x768xf32, #tpu.memory_space<vmem>>, vector<1x16xf32>,
          %swap3A_472 = vector.shape_cast %swap3A_471 : vector<1x16xf32> to vector<16xf32>
          %swap3A_473 = vector.shape_cast %get3A_246 : vector<16xf32> to vector<1x16xf32>
          tpu.vector_store %arg11[%swap3A_469, %swap3A_470], %swap3A_473 {add = true, strides = array<i32>} : memref<32x768xf32, #tpu.memory_space<vmem>>, vector<1x16xf32>,
          %swap3A_474 = arith.index_cast %scan3A_359 : i32 to index
          %swap3A_475 = arith.constant 368 : index
          %swap3A_476 = tpu.vector_load %arg11[%swap3A_474, %swap3A_475] {strides = array<i32>} : memref<32x768xf32, #tpu.memory_space<vmem>>, vector<1x16xf32>,
          %swap3A_477 = vector.shape_cast %swap3A_476 : vector<1x16xf32> to vector<16xf32>
          %swap3A_478 = vector.shape_cast %get3A_250 : vector<16xf32> to vector<1x16xf32>
          tpu.vector_store %arg11[%swap3A_474, %swap3A_475], %swap3A_478 {add = true, strides = array<i32>} : memref<32x768xf32, #tpu.memory_space<vmem>>, vector<1x16xf32>,
          %swap3A_479 = arith.index_cast %scan3A_359 : i32 to index
          %swap3A_480 = arith.constant 384 : index
          %swap3A_481 = tpu.vector_load %arg11[%swap3A_479, %swap3A_480] {strides = array<i32>} : memref<32x768xf32, #tpu.memory_space<vmem>>, vector<1x16xf32>,
          %swap3A_482 = vector.shape_cast %swap3A_481 : vector<1x16xf32> to vector<16xf32>
          %swap3A_483 = vector.shape_cast %get3A_254 : vector<16xf32> to vector<1x16xf32>
          tpu.vector_store %arg11[%swap3A_479, %swap3A_480], %swap3A_483 {add = true, strides = array<i32>} : memref<32x768xf32, #tpu.memory_space<vmem>>, vector<1x16xf32>,
          %swap3A_484 = arith.index_cast %scan3A_359 : i32 to index
          %swap3A_485 = arith.constant 400 : index
          %swap3A_486 = tpu.vector_load %arg11[%swap3A_484, %swap3A_485] {strides = array<i32>} : memref<32x768xf32, #tpu.memory_space<vmem>>, vector<1x16xf32>,
          %swap3A_487 = vector.shape_cast %swap3A_486 : vector<1x16xf32> to vector<16xf32>
          %swap3A_488 = vector.shape_cast %get3A_258 : vector<16xf32> to vector<1x16xf32>
          tpu.vector_store %arg11[%swap3A_484, %swap3A_485], %swap3A_488 {add = true, strides = array<i32>} : memref<32x768xf32, #tpu.memory_space<vmem>>, vector<1x16xf32>,
          %swap3A_489 = arith.index_cast %scan3A_359 : i32 to index
          %swap3A_490 = arith.constant 416 : index
          %swap3A_491 = tpu.vector_load %arg11[%swap3A_489, %swap3A_490] {strides = array<i32>} : memref<32x768xf32, #tpu.memory_space<vmem>>, vector<1x16xf32>,
          %swap3A_492 = vector.shape_cast %swap3A_491 : vector<1x16xf32> to vector<16xf32>
          %swap3A_493 = vector.shape_cast %get3A_262 : vector<16xf32> to vector<1x16xf32>
          tpu.vector_store %arg11[%swap3A_489, %swap3A_490], %swap3A_493 {add = true, strides = array<i32>} : memref<32x768xf32, #tpu.memory_space<vmem>>, vector<1x16xf32>,
          %swap3A_494 = arith.index_cast %scan3A_359 : i32 to index
          %swap3A_495 = arith.constant 432 : index
          %swap3A_496 = tpu.vector_load %arg11[%swap3A_494, %swap3A_495] {strides = array<i32>} : memref<32x768xf32, #tpu.memory_space<vmem>>, vector<1x16xf32>,
          %swap3A_497 = vector.shape_cast %swap3A_496 : vector<1x16xf32> to vector<16xf32>
          %swap3A_498 = vector.shape_cast %get3A_266 : vector<16xf32> to vector<1x16xf32>
          tpu.vector_store %arg11[%swap3A_494, %swap3A_495], %swap3A_498 {add = true, strides = array<i32>} : memref<32x768xf32, #tpu.memory_space<vmem>>, vector<1x16xf32>,
          %swap3A_499 = arith.index_cast %scan3A_359 : i32 to index
          %swap3A_500 = arith.constant 448 : index
          %swap3A_501 = tpu.vector_load %arg11[%swap3A_499, %swap3A_500] {strides = array<i32>} : memref<32x768xf32, #tpu.memory_space<vmem>>, vector<1x16xf32>,
          %swap3A_502 = vector.shape_cast %swap3A_501 : vector<1x16xf32> to vector<16xf32>
          %swap3A_503 = vector.shape_cast %get3A_270 : vector<16xf32> to vector<1x16xf32>
          tpu.vector_store %arg11[%swap3A_499, %swap3A_500], %swap3A_503 {add = true, strides = array<i32>} : memref<32x768xf32, #tpu.memory_space<vmem>>, vector<1x16xf32>,
          %swap3A_504 = arith.index_cast %scan3A_359 : i32 to index
          %swap3A_505 = arith.constant 464 : index
          %swap3A_506 = tpu.vector_load %arg11[%swap3A_504, %swap3A_505] {strides = array<i32>} : memref<32x768xf32, #tpu.memory_space<vmem>>, vector<1x16xf32>,
          %swap3A_507 = vector.shape_cast %swap3A_506 : vector<1x16xf32> to vector<16xf32>
          %swap3A_508 = vector.shape_cast %get3A_274 : vector<16xf32> to vector<1x16xf32>
          tpu.vector_store %arg11[%swap3A_504, %swap3A_505], %swap3A_508 {add = true, strides = array<i32>} : memref<32x768xf32, #tpu.memory_space<vmem>>, vector<1x16xf32>,
          %swap3A_509 = arith.index_cast %scan3A_359 : i32 to index
          %swap3A_510 = arith.constant 480 : index
          %swap3A_511 = tpu.vector_load %arg11[%swap3A_509, %swap3A_510] {strides = array<i32>} : memref<32x768xf32, #tpu.memory_space<vmem>>, vector<1x16xf32>,
          %swap3A_512 = vector.shape_cast %swap3A_511 : vector<1x16xf32> to vector<16xf32>
          %swap3A_513 = vector.shape_cast %get3A_278 : vector<16xf32> to vector<1x16xf32>
          tpu.vector_store %arg11[%swap3A_509, %swap3A_510], %swap3A_513 {add = true, strides = array<i32>} : memref<32x768xf32, #tpu.memory_space<vmem>>, vector<1x16xf32>,
          %swap3A_514 = arith.index_cast %scan3A_359 : i32 to index
          %swap3A_515 = arith.constant 496 : index
          %swap3A_516 = tpu.vector_load %arg11[%swap3A_514, %swap3A_515] {strides = array<i32>} : memref<32x768xf32, #tpu.memory_space<vmem>>, vector<1x16xf32>,
          %swap3A_517 = vector.shape_cast %swap3A_516 : vector<1x16xf32> to vector<16xf32>
          %swap3A_518 = vector.shape_cast %get3A_282 : vector<16xf32> to vector<1x16xf32>
          tpu.vector_store %arg11[%swap3A_514, %swap3A_515], %swap3A_518 {add = true, strides = array<i32>} : memref<32x768xf32, #tpu.memory_space<vmem>>, vector<1x16xf32>,
          %swap3A_519 = arith.index_cast %scan3A_359 : i32 to index
          %swap3A_520 = arith.constant 512 : index
          %swap3A_521 = tpu.vector_load %arg11[%swap3A_519, %swap3A_520] {strides = array<i32>} : memref<32x768xf32, #tpu.memory_space<vmem>>, vector<1x16xf32>,
          %swap3A_522 = vector.shape_cast %swap3A_521 : vector<1x16xf32> to vector<16xf32>
          %swap3A_523 = vector.shape_cast %get3A_286 : vector<16xf32> to vector<1x16xf32>
          tpu.vector_store %arg11[%swap3A_519, %swap3A_520], %swap3A_523 {add = true, strides = array<i32>} : memref<32x768xf32, #tpu.memory_space<vmem>>, vector<1x16xf32>,
          %swap3A_524 = arith.index_cast %scan3A_359 : i32 to index
          %swap3A_525 = arith.constant 528 : index
          %swap3A_526 = tpu.vector_load %arg11[%swap3A_524, %swap3A_525] {strides = array<i32>} : memref<32x768xf32, #tpu.memory_space<vmem>>, vector<1x16xf32>,
          %swap3A_527 = vector.shape_cast %swap3A_526 : vector<1x16xf32> to vector<16xf32>
          %swap3A_528 = vector.shape_cast %get3A_290 : vector<16xf32> to vector<1x16xf32>
          tpu.vector_store %arg11[%swap3A_524, %swap3A_525], %swap3A_528 {add = true, strides = array<i32>} : memref<32x768xf32, #tpu.memory_space<vmem>>, vector<1x16xf32>,
          %swap3A_529 = arith.index_cast %scan3A_359 : i32 to index
          %swap3A_530 = arith.constant 544 : index
          %swap3A_531 = tpu.vector_load %arg11[%swap3A_529, %swap3A_530] {strides = array<i32>} : memref<32x768xf32, #tpu.memory_space<vmem>>, vector<1x16xf32>,
          %swap3A_532 = vector.shape_cast %swap3A_531 : vector<1x16xf32> to vector<16xf32>
          %swap3A_533 = vector.shape_cast %get3A_294 : vector<16xf32> to vector<1x16xf32>
          tpu.vector_store %arg11[%swap3A_529, %swap3A_530], %swap3A_533 {add = true, strides = array<i32>} : memref<32x768xf32, #tpu.memory_space<vmem>>, vector<1x16xf32>,
          %swap3A_534 = arith.index_cast %scan3A_359 : i32 to index
          %swap3A_535 = arith.constant 560 : index
          %swap3A_536 = tpu.vector_load %arg11[%swap3A_534, %swap3A_535] {strides = array<i32>} : memref<32x768xf32, #tpu.memory_space<vmem>>, vector<1x16xf32>,
          %swap3A_537 = vector.shape_cast %swap3A_536 : vector<1x16xf32> to vector<16xf32>
          %swap3A_538 = vector.shape_cast %get3A_298 : vector<16xf32> to vector<1x16xf32>
          tpu.vector_store %arg11[%swap3A_534, %swap3A_535], %swap3A_538 {add = true, strides = array<i32>} : memref<32x768xf32, #tpu.memory_space<vmem>>, vector<1x16xf32>,
          %swap3A_539 = arith.index_cast %scan3A_359 : i32 to index
          %swap3A_540 = arith.constant 576 : index
          %swap3A_541 = tpu.vector_load %arg11[%swap3A_539, %swap3A_540] {strides = array<i32>} : memref<32x768xf32, #tpu.memory_space<vmem>>, vector<1x16xf32>,
          %swap3A_542 = vector.shape_cast %swap3A_541 : vector<1x16xf32> to vector<16xf32>
          %swap3A_543 = vector.shape_cast %get3A_302 : vector<16xf32> to vector<1x16xf32>
          tpu.vector_store %arg11[%swap3A_539, %swap3A_540], %swap3A_543 {add = true, strides = array<i32>} : memref<32x768xf32, #tpu.memory_space<vmem>>, vector<1x16xf32>,
          %swap3A_544 = arith.index_cast %scan3A_359 : i32 to index
          %swap3A_545 = arith.constant 592 : index
          %swap3A_546 = tpu.vector_load %arg11[%swap3A_544, %swap3A_545] {strides = array<i32>} : memref<32x768xf32, #tpu.memory_space<vmem>>, vector<1x16xf32>,
          %swap3A_547 = vector.shape_cast %swap3A_546 : vector<1x16xf32> to vector<16xf32>
          %swap3A_548 = vector.shape_cast %get3A_306 : vector<16xf32> to vector<1x16xf32>
          tpu.vector_store %arg11[%swap3A_544, %swap3A_545], %swap3A_548 {add = true, strides = array<i32>} : memref<32x768xf32, #tpu.memory_space<vmem>>, vector<1x16xf32>,
          %swap3A_549 = arith.index_cast %scan3A_359 : i32 to index
          %swap3A_550 = arith.constant 608 : index
          %swap3A_551 = tpu.vector_load %arg11[%swap3A_549, %swap3A_550] {strides = array<i32>} : memref<32x768xf32, #tpu.memory_space<vmem>>, vector<1x16xf32>,
          %swap3A_552 = vector.shape_cast %swap3A_551 : vector<1x16xf32> to vector<16xf32>
          %swap3A_553 = vector.shape_cast %get3A_310 : vector<16xf32> to vector<1x16xf32>
          tpu.vector_store %arg11[%swap3A_549, %swap3A_550], %swap3A_553 {add = true, strides = array<i32>} : memref<32x768xf32, #tpu.memory_space<vmem>>, vector<1x16xf32>,
          %swap3A_554 = arith.index_cast %scan3A_359 : i32 to index
          %swap3A_555 = arith.constant 624 : index
          %swap3A_556 = tpu.vector_load %arg11[%swap3A_554, %swap3A_555] {strides = array<i32>} : memref<32x768xf32, #tpu.memory_space<vmem>>, vector<1x16xf32>,
          %swap3A_557 = vector.shape_cast %swap3A_556 : vector<1x16xf32> to vector<16xf32>
          %swap3A_558 = vector.shape_cast %get3A_314 : vector<16xf32> to vector<1x16xf32>
          tpu.vector_store %arg11[%swap3A_554, %swap3A_555], %swap3A_558 {add = true, strides = array<i32>} : memref<32x768xf32, #tpu.memory_space<vmem>>, vector<1x16xf32>,
          %swap3A_559 = arith.index_cast %scan3A_359 : i32 to index
          %swap3A_560 = arith.constant 640 : index
          %swap3A_561 = tpu.vector_load %arg11[%swap3A_559, %swap3A_560] {strides = array<i32>} : memref<32x768xf32, #tpu.memory_space<vmem>>, vector<1x16xf32>,
          %swap3A_562 = vector.shape_cast %swap3A_561 : vector<1x16xf32> to vector<16xf32>
          %swap3A_563 = vector.shape_cast %get3A_318 : vector<16xf32> to vector<1x16xf32>
          tpu.vector_store %arg11[%swap3A_559, %swap3A_560], %swap3A_563 {add = true, strides = array<i32>} : memref<32x768xf32, #tpu.memory_space<vmem>>, vector<1x16xf32>,
          %swap3A_564 = arith.index_cast %scan3A_359 : i32 to index
          %swap3A_565 = arith.constant 656 : index
          %swap3A_566 = tpu.vector_load %arg11[%swap3A_564, %swap3A_565] {strides = array<i32>} : memref<32x768xf32, #tpu.memory_space<vmem>>, vector<1x16xf32>,
          %swap3A_567 = vector.shape_cast %swap3A_566 : vector<1x16xf32> to vector<16xf32>
          %swap3A_568 = vector.shape_cast %get3A_322 : vector<16xf32> to vector<1x16xf32>
          tpu.vector_store %arg11[%swap3A_564, %swap3A_565], %swap3A_568 {add = true, strides = array<i32>} : memref<32x768xf32, #tpu.memory_space<vmem>>, vector<1x16xf32>,
          %swap3A_569 = arith.index_cast %scan3A_359 : i32 to index
          %swap3A_570 = arith.constant 672 : index
          %swap3A_571 = tpu.vector_load %arg11[%swap3A_569, %swap3A_570] {strides = array<i32>} : memref<32x768xf32, #tpu.memory_space<vmem>>, vector<1x16xf32>,
          %swap3A_572 = vector.shape_cast %swap3A_571 : vector<1x16xf32> to vector<16xf32>
          %swap3A_573 = vector.shape_cast %get3A_326 : vector<16xf32> to vector<1x16xf32>
          tpu.vector_store %arg11[%swap3A_569, %swap3A_570], %swap3A_573 {add = true, strides = array<i32>} : memref<32x768xf32, #tpu.memory_space<vmem>>, vector<1x16xf32>,
          %swap3A_574 = arith.index_cast %scan3A_359 : i32 to index
          %swap3A_575 = arith.constant 688 : index
          %swap3A_576 = tpu.vector_load %arg11[%swap3A_574, %swap3A_575] {strides = array<i32>} : memref<32x768xf32, #tpu.memory_space<vmem>>, vector<1x16xf32>,
          %swap3A_577 = vector.shape_cast %swap3A_576 : vector<1x16xf32> to vector<16xf32>
          %swap3A_578 = vector.shape_cast %get3A_330 : vector<16xf32> to vector<1x16xf32>
          tpu.vector_store %arg11[%swap3A_574, %swap3A_575], %swap3A_578 {add = true, strides = array<i32>} : memref<32x768xf32, #tpu.memory_space<vmem>>, vector<1x16xf32>,
          %swap3A_579 = arith.index_cast %scan3A_359 : i32 to index
          %swap3A_580 = arith.constant 704 : index
          %swap3A_581 = tpu.vector_load %arg11[%swap3A_579, %swap3A_580] {strides = array<i32>} : memref<32x768xf32, #tpu.memory_space<vmem>>, vector<1x16xf32>,
          %swap3A_582 = vector.shape_cast %swap3A_581 : vector<1x16xf32> to vector<16xf32>
          %swap3A_583 = vector.shape_cast %get3A_334 : vector<16xf32> to vector<1x16xf32>
          tpu.vector_store %arg11[%swap3A_579, %swap3A_580], %swap3A_583 {add = true, strides = array<i32>} : memref<32x768xf32, #tpu.memory_space<vmem>>, vector<1x16xf32>,
          %swap3A_584 = arith.index_cast %scan3A_359 : i32 to index
          %swap3A_585 = arith.constant 720 : index
          %swap3A_586 = tpu.vector_load %arg11[%swap3A_584, %swap3A_585] {strides = array<i32>} : memref<32x768xf32, #tpu.memory_space<vmem>>, vector<1x16xf32>,
          %swap3A_587 = vector.shape_cast %swap3A_586 : vector<1x16xf32> to vector<16xf32>
          %swap3A_588 = vector.shape_cast %get3A_338 : vector<16xf32> to vector<1x16xf32>
          tpu.vector_store %arg11[%swap3A_584, %swap3A_585], %swap3A_588 {add = true, strides = array<i32>} : memref<32x768xf32, #tpu.memory_space<vmem>>, vector<1x16xf32>,
          %swap3A_589 = arith.index_cast %scan3A_359 : i32 to index
          %swap3A_590 = arith.constant 736 : index
          %swap3A_591 = tpu.vector_load %arg11[%swap3A_589, %swap3A_590] {strides = array<i32>} : memref<32x768xf32, #tpu.memory_space<vmem>>, vector<1x16xf32>,
          %swap3A_592 = vector.shape_cast %swap3A_591 : vector<1x16xf32> to vector<16xf32>
          %swap3A_593 = vector.shape_cast %get3A_342 : vector<16xf32> to vector<1x16xf32>
          tpu.vector_store %arg11[%swap3A_589, %swap3A_590], %swap3A_593 {add = true, strides = array<i32>} : memref<32x768xf32, #tpu.memory_space<vmem>>, vector<1x16xf32>,
          %swap3A_594 = arith.index_cast %scan3A_359 : i32 to index
          %swap3A_595 = arith.constant 752 : index
          %swap3A_596 = tpu.vector_load %arg11[%swap3A_594, %swap3A_595] {strides = array<i32>} : memref<32x768xf32, #tpu.memory_space<vmem>>, vector<1x16xf32>,
          %swap3A_597 = vector.shape_cast %swap3A_596 : vector<1x16xf32> to vector<16xf32>
          %swap3A_598 = vector.shape_cast %get3A_346 : vector<16xf32> to vector<1x16xf32>
          tpu.vector_store %arg11[%swap3A_594, %swap3A_595], %swap3A_598 {add = true, strides = array<i32>} : memref<32x768xf32, #tpu.memory_space<vmem>>, vector<1x16xf32>,
        }
        %scan3A_351 = arith.constant 32 : i32
        %mul3A_352 = arith.constant 32 : i32
        %mul3A_353 = arith.muli %add3A_109, %mul3A_352 : i32
        %add3A_354 = arith.addi %mul3A_2, %mul3A_353 : i32
        %dma_start3A_355 = arith.constant 0 : i32
        %dma_start3A_356 = tpu.memref_slice %arg5[%add3A_354, %dma_start3A_355] : memref<78848x768xf32, #tpu.memory_space<hbm>> -> memref<32x768xf32, #tpu.memory_space<hbm>>
        %dma_start3A_357 = arith.constant 0 : i32
        %dma_start3A_358 = tpu.memref_slice %arg5[%add3A_354, %dma_start3A_357] : memref<78848x768xf32, #tpu.memory_space<hbm>> -> memref<32x768xf32, #tpu.memory_space<hbm>>
        tpu.enqueue_dma source(%arg11 : memref<32x768xf32, #tpu.memory_space<vmem>>) target(%dma_start3A_358 : memref<32x768xf32, #tpu.memory_space<hbm>>) target_semaphore(%arg19 : memref<!tpu.dma_semaphore, #tpu.memory_space<semaphore_mem>>)
      } else {
      }
    }
    %scan3A_36 = arith.constant 20 : i32
    %add3A_37 = arith.constant 2336 : i32
    %add3A_38 = arith.addi %mul3A_2, %add3A_37 : i32
    %dma_wait3A = arith.constant 0 : i32
    %dma_wait3A_39 = tpu.memref_slice %arg5[%add3A_38, %dma_wait3A] : memref<78848x768xf32, #tpu.memory_space<hbm>> -> memref<32x768xf32, #tpu.memory_space<hbm>>
    %dma_wait3A_40 = arith.constant 0 : i32
    %dma_wait3A_41 = tpu.memref_slice %arg5[%add3A_38, %dma_wait3A_40] : memref<78848x768xf32, #tpu.memory_space<hbm>> -> memref<32x768xf32, #tpu.memory_space<hbm>>
    tpu.wait_dma2 semaphore(%arg17 : memref<!tpu.dma_semaphore, #tpu.memory_space<semaphore_mem>>) src(%arg9 : memref<32x768xf32, #tpu.memory_space<vmem>>) dst(%dma_wait3A_41 : memref<32x768xf32, #tpu.memory_space<hbm>>)
    %add3A_42 = arith.constant 2368 : i32
    %add3A_43 = arith.addi %mul3A_2, %add3A_42 : i32
    %dma_wait3A_44 = arith.constant 0 : i32
    %dma_wait3A_45 = tpu.memref_slice %arg5[%add3A_43, %dma_wait3A_44] : memref<78848x768xf32, #tpu.memory_space<hbm>> -> memref<32x768xf32, #tpu.memory_space<hbm>>
    %dma_wait3A_46 = arith.constant 0 : i32
    %dma_wait3A_47 = tpu.memref_slice %arg5[%add3A_43, %dma_wait3A_46] : memref<78848x768xf32, #tpu.memory_space<hbm>> -> memref<32x768xf32, #tpu.memory_space<hbm>>
    tpu.wait_dma2 semaphore(%arg18 : memref<!tpu.dma_semaphore, #tpu.memory_space<semaphore_mem>>) src(%arg10 : memref<32x768xf32, #tpu.memory_space<vmem>>) dst(%dma_wait3A_47 : memref<32x768xf32, #tpu.memory_space<hbm>>)
    %add3A_48 = arith.constant 2400 : i32
    %add3A_49 = arith.addi %mul3A_2, %add3A_48 : i32
    %dma_wait3A_50 = arith.constant 0 : i32
    %dma_wait3A_51 = tpu.memref_slice %arg5[%add3A_49, %dma_wait3A_50] : memref<78848x768xf32, #tpu.memory_space<hbm>> -> memref<32x768xf32, #tpu.memory_space<hbm>>
    %dma_wait3A_52 = arith.constant 0 : i32
    %dma_wait3A_53 = tpu.memref_slice %arg5[%add3A_49, %dma_wait3A_52] : memref<78848x768xf32, #tpu.memory_space<hbm>> -> memref<32x768xf32, #tpu.memory_space<hbm>>
    tpu.wait_dma2 semaphore(%arg19 : memref<!tpu.dma_semaphore, #tpu.memory_space<semaphore_mem>>) src(%arg11 : memref<32x768xf32, #tpu.memory_space<vmem>>) dst(%dma_wait3A_53 : memref<32x768xf32, #tpu.memory_space<hbm>>)
    %add3A_54 = arith.constant 2432 : i32
    %add3A_55 = arith.addi %mul3A_2, %add3A_54 : i32
    %dma_wait3A_56 = arith.constant 0 : i32
    %dma_wait3A_57 = tpu.memref_slice %arg5[%add3A_55, %dma_wait3A_56] : memref<78848x768xf32, #tpu.memory_space<hbm>> -> memref<32x768xf32, #tpu.memory_space<hbm>>
    %dma_wait3A_58 = arith.constant 0 : i32
    %dma_wait3A_59 = tpu.memref_slice %arg5[%add3A_55, %dma_wait3A_58] : memref<78848x768xf32, #tpu.memory_space<hbm>> -> memref<32x768xf32, #tpu.memory_space<hbm>>
    tpu.wait_dma2 semaphore(%arg16 : memref<!tpu.dma_semaphore, #tpu.memory_space<semaphore_mem>>) src(%arg8 : memref<32x768xf32, #tpu.memory_space<vmem>>) dst(%dma_wait3A_59 : memref<32x768xf32, #tpu.memory_space<hbm>>)
    return
  }
}

</mosaic_0001>

<sc_bundles>
// kernel: _emb.3.cloned.1.call-start
scs
__scs_entry_jumppad:
0x0: {  	(pc) =	sbr.rel $0x88, $3  }
0x1: {  	(tag) =	ssettag $0x0;
	lr =	simm.s32 $0x1  }
0x2: {  	[smem:$0x3F9E] =	sst lr;
	_ =	strace $0xD0000000  }
0x3: {  	_ = 	snop  }
0x4: {  	_ = 	snop  }
0x5: {  	_ = 	snop  }
0x6: {  	_ = 	snop  }
0x7: {  	_ = 	snop  }
__scs_overlays_trampoline_lowered:
0x8: {  	[smem:$0x3FAD] =	sst s0  }
0x9: {  	[smem:$0x3FAE] =	sst s1  }
0xa: {  	[smem:$0x3FAF] =	sst s2  }
0xb: {  	[smem:$0x3FB0] =	sst s3  }
0xc: {  	[smem:$0x3FB1] =	sst s4  }
0xd: {  	[smem:$0x3FB2] =	sst s5  }
0xe: {  	[smem:$0x3FB3] =	sst s6  }
0xf: {  	[smem:$0x3FB4] =	sst s7  }
0x10: {  	[smem:$0x3FB5] =	sst s8  }
0x11: {  	[smem:$0x3FB6] =	sst s9;
	s0 =	simm.s32 @!p0 $0x0  }
0x12: {  	s1 =	sld [smem:$0x3F9C];
	s0 =	simm.s32 @p0 $0x1  }
0x13: {  	[smem:$0x3FB7] =	sst s0;
	s0 =	simm.s32 @!p1 $0x0  }
0x14: {  	s2 =	sld [smem:$0x3F9B];
	s0 =	simm.s32 @p1 $0x1  }
0x15: {  	[smem:$0x3FB8] =	sst s0;
	s0 =	simm.s32 @!p2 $0x0  }
0x16: {  	s3 =	sld [smem:$0x3FDB];
	s0 =	simm.s32 @p2 $0x1  }
0x17: {  	s4 =	simm.s32 $0x1BF5;
	[smem:$0x3FBA] =	sst s0  }
0x18: {  	s0 =	sld [smem:$0x3F9D];
	_ =	swait.ge [sflag:s4], $0x0  }
0x19: {  	s7 =	sld [smem:$0x3F9E]  }
0x1a: {  	s8 =	sadd.s32 $0xFFFFE003, lr  }
0x1b: {  	s9 =	sadd.s32 $0xFFFFFEF7, lr;
	s5 =	simm.s32 $0xFFFFFFFF;
	p2 =	slt.u32 s8, $0xFFFFF086  }
0x1c: {  	p1 =	slt.u32 s9, $0xF7A;
	s5 =	simm.s32 @!p2 $0x0  }
0x1d: {  	s5 =	simm.s32 @p1 $0x1;
	p0 =	seq.s32 s7, s2  }
0x1e: {  	s7 =	smul.u32 @!p0 $0xF7A, s2;
	p2 =	seq.s32 @!p0 s5, $0x0  }
0x1f: {  	s9 =	smul.u32 $0xF7A, s1;
	s8 =	simm.s32 @!p0 $0x1BF5;
	p2 =	por !p2, p0  }
0x20: {  	[sflag:s8] =	ssyncset.s32 @!p0 $0xFFFFF086;
	s6 =	sadd.s32 @!p0 s3, s7;
	s7 =	simm.s32 @!p0 $0x108  }
0x21: {  	s3 =	sadd.s32 s3, s9;
	s6 =	sadd.s32 @!p0 $0x88, s6;
	s7 =	simm.s32 @p2 $0x1082  }
0x22: {  	[simem:s7], [sflag:s8] =	dma.local @!p0 [hbm:s6], $0xF7A  }
0x23: {  	s9 =	sor.u32 $0xD0000000, s2;
	s6 =	simm.s32 $0x108;
	_ =	swait.ge @!p0 [sflag:s8], $0x0  }
0x24: {  	s3 =	sadd.s32 $0x88, s3;
	s6 =	simm.s32 @!p1 $0x1082;
	[sflag:s4] =	ssyncset.s32 $0xFFFFF086  }
0x25: {  	[simem:s6], [sflag:s4] =	dma.local [hbm:s3], $0xF7A  }
0x26: {  	[smem:$0x3F9E] =	sst s1;
	(tag) =	ssettag s2;
	_ =	strace s9  }
0x27: {  	s1 =	sld [smem:$0x3FAE]  }
0x28: {  	s2 =	sld [smem:$0x3FAF]  }
0x29: {  	s4 =	sld [smem:$0x3FB1]  }
0x2a: {  	p0 =	seq.s32 s5, $0x0;
	s5 =	sld [smem:$0x3FB2]  }
0x2b: {  	s6 =	sld [smem:$0x3FB3]  }
0x2c: {  	s7 =	sld [smem:$0x3FB4]  }
0x2d: {  	s3 =	simm.s32 $0x108;
	s8 =	sld [smem:$0x3FB5]  }
0x2e: {  	s3 =	simm.s32 @!p0 $0x1082;
	s9 =	sld [smem:$0x3FB6]  }
0x2f: {  	lr =	sadd.s32 s0, s3;
	s0 =	sld [smem:$0x3FAD]  }
0x30: {  	s3 =	sld [smem:$0x3FB0]  }
0x31: {  	[smem:$0x3FB9] =	sst s10  }
0x32: {  	s10 =	sld [smem:$0x3FB7];
	_ =	sdelay $0x3  }
0x33: {  	p0 =	seq.s32 s10, $0x1;
	s10 =	sld [smem:$0x3FB9];
	_ =	sdelay $0x3  }
0x34: {  	[smem:$0x3FB9] =	sst s10  }
0x35: {  	s10 =	sld [smem:$0x3FB8];
	_ =	sdelay $0x3  }
0x36: {  	p1 =	seq.s32 s10, $0x1;
	s10 =	sld [smem:$0x3FB9];
	_ =	sdelay $0x3  }
0x37: {  	[smem:$0x3FB9] =	sst s10  }
0x38: {  	s10 =	sld [smem:$0x3FBA]  }
0x39: {  	_ = 	snop;
	(pc) =	sbr.ind lr, $3  }
0x3a: {  	_ = 	snop  }
0x3b: {  	_ = 	snop  }
0x3c: {  	p2 =	seq.s32 s10, $0x1;
	s10 =	sld [smem:$0x3FB9]  }
0x3d: {  	_ =	shalt  }
0x3e: {  	_ =	shalt  }
0x3f: {  	_ =	shalt  }
0x40: {  	_ =	shalt  }
0x41: {  	_ =	shalt  }
0x42: {  	_ =	shalt  }
0x43: {  	_ =	shalt  }
0x44: {  	_ =	shalt  }
0x45: {  	_ =	shalt  }
0x46: {  	_ =	shalt  }
0x47: {  	_ =	shalt  }
0x48: {  	_ =	shalt  }
0x49: {  	_ =	shalt  }
0x4a: {  	_ =	shalt  }
0x4b: {  	_ =	shalt  }
0x4c: {  	_ =	shalt  }
0x4d: {  	_ =	shalt  }
0x4e: {  	_ =	shalt  }
0x4f: {  	_ =	shalt  }
0x50: {  	_ =	shalt  }
0x51: {  	_ =	shalt  }
0x52: {  	_ =	shalt  }
0x53: {  	_ =	shalt  }
0x54: {  	_ =	shalt  }
0x55: {  	_ =	shalt  }
0x56: {  	_ =	shalt  }
0x57: {  	_ =	shalt  }
0x58: {  	_ =	shalt  }
0x59: {  	_ =	shalt  }
0x5a: {  	_ =	shalt  }
0x5b: {  	_ =	shalt  }
0x5c: {  	_ =	shalt  }
0x5d: {  	_ =	shalt  }
0x5e: {  	_ =	shalt  }
0x5f: {  	_ =	shalt  }
0x60: {  	_ =	shalt  }
0x61: {  	_ =	shalt  }
0x62: {  	_ =	shalt  }
0x63: {  	_ =	shalt  }
0x64: {  	_ =	shalt  }
0x65: {  	_ =	shalt  }
0x66: {  	_ =	shalt  }
0x67: {  	_ =	shalt  }
0x68: {  	_ =	shalt  }
0x69: {  	_ =	shalt  }
0x6a: {  	_ =	shalt  }
0x6b: {  	_ =	shalt  }
0x6c: {  	_ =	shalt  }
0x6d: {  	_ =	shalt  }
0x6e: {  	_ =	shalt  }
0x6f: {  	_ =	shalt  }
0x70: {  	_ =	shalt  }
0x71: {  	_ =	shalt  }
0x72: {  	_ =	shalt  }
0x73: {  	_ =	shalt  }
0x74: {  	_ =	shalt  }
0x75: {  	_ =	shalt  }
0x76: {  	_ =	shalt  }
0x77: {  	_ =	shalt  }
0x78: {  	_ =	shalt  }
0x79: {  	_ =	shalt  }
0x7a: {  	_ =	shalt  }
0x7b: {  	_ =	shalt  }
0x7c: {  	_ =	shalt  }
0x7d: {  	_ =	shalt  }
0x7e: {  	_ =	shalt  }
0x7f: {  	_ =	shalt  }
0x80: {  	_ =	shalt  }
0x81: {  	_ =	shalt  }
0x82: {  	_ =	shalt  }
0x83: {  	_ =	shalt  }
0x84: {  	_ =	shalt  }
0x85: {  	_ =	shalt  }
0x86: {  	_ =	shalt  }
0x87: {  	_ =	shalt  }
.Lfunc_end0:
.L_simem_size_0:
called_computation_lowered:
.L_overlay_start_0:
0x88: {  	s2 =	sld [smem:$0x3FD9]  }
0x89: {  	s3 =	sld [smem:$0x3FFE];
	_ =	sdelay $0x1  }
0x8a: {  	s1 =	srdreg.scid  }
0x8b: {  	s0 =	sand.u32 $0x1, s1  }
0x8c: {  	s17 =	sshll.u32 s0, $0xA;
	s2 =	sadd.s32 s3, s2  }
0x8d: {  	s2 =	sadd.s32 s2, s17  }
0x8e: {  	[smem:$0x3FC5] =	sst s2  }
0x8f: {  	_ = 	snop  }
0x90: {  	s2 =	sld [smem:$0x3FC8]  }
0x91: {  	s18 =	sld [smem:$0x3FC7]  }
0x92: {  	s4 =	sld [smem:$0x3FD0];
	(tm) =	ssettm $0x1  }
0x93: {  	s5 =	sld [smem:$0x3FFB];
	_ =	sdelay $0x3  }
0x94: {  	_ =	strace s5  }
0x95: {  	s5 =	sld [smem:$0x3FFC];
	_ =	sdelay $0x3  }
0x96: {  	_ =	strace s5  }
0x97: {  	s5 =	sld [smem:$0x3FFD];
	_ =	sdelay $0x3  }
0x98: {  	_ =	strace s5  }
0x99: {  	_ =	strace $0x8FFFFFFF  }
0x9a: {  	s19 =	sld [smem:$0x3FDB];
	_ =	sdelay $0x1  }
0x9b: {  	s6 =	simm.s32 $_scs_section_size  }
0x9c: {  	s7 =	simm.s32 $_size__tile_overlayer_lowered;
	s8 =	simm.s32 $_tile_overlayer_lowered  }
0x9d: {  	s22 =	simm.s32 $0x1BFF;
	s21 =	sshll.u32 s8, $0x1;
	s5 =	sadd.s32 s6, s19  }
0x9e: {  	s9 =	simm.s32 $0x0;
	s20 =	sshll.u32 s7, $0x1;
	s7 =	sadd.s32 s21, s5  }
0x9f: {  	[timem:s9], [sflag:s22] =	dma.local [hbm:s7], s20  }
0xa0: {  	_ =	swait.ge [sflag:s22], s20  }
0xa1: {  	s6 =	ssub.s32 $0x0, s20;
	[sflag:s22] =	ssyncset.done $0x0  }
0xa2: {  	[sflag:s22] =	ssyncadd.s32 s6;
	_ =	sdelay $0x1  }
0xa3: {  	s23 =	simm.s32 $0x1B8B  }
0xa4: {  	_ =	swait.ge [sflag:s23], $0x1  }
0xa5: {  	[sflag:s23] =	ssyncset.done $0x0  }
0xa6: {  	s25 =	simm.s32 $0x1B8E;
	s24 =	sld [smem:$0x3FFE];
	[sflag:s23] =	ssyncadd.s32 $0xFFFFFFFF  }
0xa7: {  	s26 =	simm.s32 $execute0_lowered;
	[smem:$0x3FD2] =	sst s25  }
0xa8: {  	s7 =	sshll.u32 s26, $0x1;
	_ =	strace $0x80000046;
	[dreg:$0x1] =	wrdreg $0xFFFFFFFF  }
0xa9: {  	s28 =	simm.s32 $_size_execute0_lowered;
	s5 =	sadd.s32 s5, s7;
	[dreg:$0x0] =	wrdreg $0x0  }
0xaa: {  	s7 =	sshll.u32 s28, $0x1;
	[dreg:$0x2] =	wrdreg s5  }
0xab: {  	[dreg:$0x3] =	wrdreg s7  }
0xac: {  	[dreg:$0x4] =	wrdreg $0xC0  }
0xad: {  	_ =	task [dreg:s9], $0x5FFFF  }
0xae: {  	[dreg:$0x1] =	wrdreg $0xFFFFFFFF  }
0xaf: {  	[dreg:$0x0] =	wrdreg $0x60  }
0xb0: {  	[dreg:$0x2] =	wrdreg s24  }
0xb1: {  	[dreg:$0x3] =	wrdreg s2  }
0xb2: {  	[dreg:$0x4] =	wrdreg s18  }
0xb3: {  	[dreg:$0x5] =	wrdreg s4  }
0xb4: {  	[dreg:$0x6] =	wrdreg $0x9  }
0xb5: {  	_ =	task.clear_ibuf [dreg:s9], $0x7FFFF;
	_ =	strace $0x90000046  }
0xb6: {  	s29 =	simm.s32 $0x9;
	_ =	strace $0x80000048  }
0xb7: {  	_ =	swait.ge [sflag:s29], $0x1  }
0xb8: {  	[sflag:s29] =	ssyncadd.s32 $0xFFFFFFFF  }
0xb9: {  	_ =	strace $0x90000048  }
0xba: {  	_ =	sfence  }
0xbb: {  	s30 =	sld [smem:$0x0];
	_ =	sdelay $0x2  }
0xbc: {  	s31 =	sshll.u32 s1, $0xD;
	s1 =	sshrl.u32 s1, $0x2  }
0xbd: {  	s3 =	sand.u32 $0x4000, s31;
	s1 =	sadd.s32 s1, s30  }
0xbe: {  	s0 =	sor.u32 s3, s0;
	s1 =	sshll.u32 s1, $0x11  }
0xbf: {  	s0 =	sor.u32 s1, s0  }
0xc0: {  	s0 =	sadd.s32 $0x8F2B, s0  }
0xc1: {  	[sflag:s0] =	ssyncadd.remote.s32 $0x1  }
0xc2: {  	_ =	sfence.sel $0xFFFF  }
0xc3: {  	[dreg:$0x0] =	wrdreg $0xFFFFFFFF;
	(pc) =	sbr.abs _section_cstart, $3  }
0xc4: {  	[dreg:$0x1] =	wrdreg $0xFFFFFFFF  }
0xc5: {  	_ =	task.clear_ibuf [dreg:s9], $0x2FFFF;
	_ =	strace $0x9FFFFFFF  }
0xc6: {  	(tm) =	ssettm $0x7FFFFFFF  }
0xc7: {  	_ =	shalt  }
tec
execute0_lowered:
.L_overlay_start_1:
0x0: {  	(tag) =	ssettag $0x1  }
0x1: {  	s0 =	rddreg [dreg:$0x0]  }
0x2: {  	s1 =	rddreg [dreg:$0x1];
	s3 =	srdreg.scid  }
0x3: {  	s4 =	stileid.u32;
	s2 =	rddreg [dreg:$0x2]  }
0x4: {  	s12 =	simm.s32 $0x9;
	s14 =	simm.s32 $0x3400;
	s19 =	simm.s32 $0x1  }
0x5: {  	s20 =	simm.s32 $0x2;
	s21 =	simm.s32 $0x3;
	s22 =	simm.s32 $0xF400  }
0x6: {  	s23 =	simm.s32 $0x4;
	s5 =	sand.u32 $0x1, s3;
	s4 =	sshll.u32 s4, $0x1  }
0x7: {  	s24 =	simm.s32 $0x15400;
	s29 =	simm.s32 $0x8;
	s6 =	sor.u32 s5, s4  }
0x8: {  	s30 =	simm.s32 $0x5;
	s3 =	rddreg [dreg:$0x3];
	s7 =	smul.u32 $0x500, s6  }
0x9: {  	s4 =	simm.s32 $0x0;
	s8 =	ssub.s32 $0x2, s5;
	s5 =	smul.u32 $0x9A0, s6  }
0xa: {  	s31 =	simm.s32 $0x0;
	[smem:$0x7FF] =	sst s4;
	s10 =	smul.u32 $0x180, s6  }
.Ltmp0:
0xb: {  	s9 =	sshrl.u32 s8, $0x1;
	_ =	strace $0x80000047;
	(pc) =	sbr.rel .LBB2_1-.Ltmp0, $4  }
0xc: {  	s25 =	ssub.s32 s8, s9;
	s9 =	sadd.s32 $0x100, s2;
	s26 =	sadd.s32 s1, s10  }
0xd: {  	v2 =	vlaneseq.u32;
	s0 =	sadd.s32 s7, s0;
	s28 =	smax.u32 s25, $0x1;
	[dreg:$0x6] =	wrdreg s26  }
0xe: {  	vm0 =	vmmov $0xffff;
	v1 =	vshrl.u32 v2, $0x3;
	s6 =	sshrl.u32 s5, $0xA;
	s0 =	sadd.s32 $0x400, s0;
	[dreg:$0x7] =	wrdreg s28  }
0xf: {  	v0 =	vand.u32 $0x7, v2;
	v2 =	vor.u32 $0x8, v2;
	v1 =	vmul.u32 $0x8, v1;
	s10 =	sadd.s32 $0x200, s2;
	s26 =	simm.s32 $0x9400;
	[dreg:$0x5] =	wrdreg s0  }
.LBB2_17:
0x10: {  	s0 =	simm.s32 $0x6  }
0x11: {  	_ =	swait.ge [sflag:s0], $0x6000  }
0x12: {  	[sflag:s0] =	ssyncset.done $0x0  }
0x13: {  	s25 =	simm.s32 $0x7;
	[sflag:s0] =	ssyncadd.s32 $0xFFFFA000  }
0x14: {  	_ =	swait.ge [sflag:s25], $0x6000  }
0x15: {  	[sflag:s25] =	ssyncset.done $0x0  }
0x16: {  	[sflag:s25] =	ssyncadd.s32 $0xFFFFA000  }
0x17: {  	_ =	swait.ge [sflag:s29], $0x6000  }
0x18: {  	[sflag:s29] =	ssyncset.done $0x0  }
0x19: {  	[sflag:s29] =	ssyncadd.s32 $0xFFFFA000  }
0x1a: {  	_ =	swait.ge [sflag:s30], $0x6000  }
0x1b: {  	s31 =	sadd.s32 $0x1, s31;
	s28 =	rddreg [dreg:$0x7]  }
0x1c: {  	p0 =	sne.s32 s31, s28  }
.Ltmp1:
0x1d: {  	_ = 	snop;
	(pc) =	sbr.rel @!p0 .LBB2_18-.Ltmp1, $3  }
0x1e: {  	_ =	sdelay $0x1  }
0x1f: {  	[sflag:s30] =	ssyncset.done $0x0  }
0x20: {  	[sflag:s30] =	ssyncadd.s32 $0xFFFFA000  }
.LBB2_1:
0x21: {  	s0 =	rddreg [dreg:$0x5]  }
0x22: {  	[tilespmem:s4], [sflag:$0x9] =	stream.linear.gather [hbm4b:s0+s4], $0x2680, $0x38;
	[tilespmem:$0x1B400] =	vst v63  }
0x23: {  	_ =	swait.ge [sflag:s12], $0x2680  }
0x24: {  	[sflag:s12] =	ssyncset.done $0x0  }
0x25: {  	s1 =	simm.s32 $0x2800;
	s28 =	rddreg [dreg:$0x6];
	[sflag:s12] =	ssyncadd.s32 $0xFFFFD980  }
0x26: {  	[tilespmem:s1], [sflag:$0x9] =	stream.linear.gather [hbm4b:s28+s4], $0xC00, $0x38;
	[tilespmem:$0x1B400] =	vst v63  }
0x27: {  	_ =	swait.ge [sflag:s12], $0xC00  }
0x28: {  	[sflag:s12] =	ssyncset.done $0x0  }
0x29: {  	[sflag:s12] =	ssyncadd.s32 $0xFFFFF400  }
0x2a: {  	v3 =	vld [tilespmem:$0x0];
	_ =	sdelay $0x4  }
0x2b: {  	v4 =	vshrl.u32 v3, $0x3  }
0x2c: {  	v4 =	vmul.u32 $0x30, v4  }
0x2d: {  	v3 =	vand.u32 $0x7, v3  }
0x2e: {  	v3 =	vor.u32 v3, v4  }
0x2f: {  	v4 =	vperm.xlane v3, v0;
	_ =	sdelay $0x1  }
0x30: {  	v4 =	vadd.s32 v1, v4;
	_ =	sdelay $0x3  }
0x31: {  	v3 =	vperm.xlane v3, v2  }
0x32: {  	[tilespmem:s14], [sflag:$0x1] =	stream.indirect_vreg.gather [hbm4b:s2+s4], $0x80, v4, vm0, $0xb8;
	[tilespmem:$0x1B400] =	vst v63  }
0x33: {  	s1 =	simm.s32 $0x3C00;
	v3 =	vadd.s32 v1, v3  }
0x34: {  	[tilespmem:s1], [sflag:$0x1] =	stream.indirect_vreg.gather [hbm4b:s9+s4], $0x80, v4, vm0, $0xb8;
	[tilespmem:$0x1B400] =	vst v63  }
0x35: {  	s7 =	simm.s32 $0x4400  }
0x36: {  	[tilespmem:s7], [sflag:$0x1] =	stream.indirect_vreg.gather [hbm4b:s10+s4], $0x80, v4, vm0, $0xb8;
	[tilespmem:$0x1B400] =	vst v63  }
0x37: {  	s8 =	simm.s32 $0x4C00  }
0x38: {  	[tilespmem:s8], [sflag:$0x1] =	stream.indirect_vreg.gather [hbm4b:s2+s4], $0x80, v3, vm0, $0xb8;
	[tilespmem:$0x1B400] =	vst v63  }
0x39: {  	s11 =	simm.s32 $0x5400  }
0x3a: {  	[tilespmem:s11], [sflag:$0x1] =	stream.indirect_vreg.gather [hbm4b:s9+s4], $0x80, v3, vm0, $0xb8;
	[tilespmem:$0x1B400] =	vst v63  }
0x3b: {  	s13 =	simm.s32 $0x5C00  }
0x3c: {  	[tilespmem:s13], [sflag:$0x1] =	stream.indirect_vreg.gather [hbm4b:s10+s4], $0x80, v3, vm0, $0xb8;
	[tilespmem:$0x1B400] =	vst v63  }
0x3d: {  	v3 =	vld [tilespmem:$0x10];
	_ =	sdelay $0x4  }
0x3e: {  	v61 =	vshrl.u32 v3, $0x3  }
0x3f: {  	v4 =	vmul.u32 $0x30, v61  }
0x40: {  	v3 =	vand.u32 $0x7, v3  }
0x41: {  	v3 =	vor.u32 v3, v4  }
0x42: {  	v4 =	vperm.xlane v3, v0;
	_ =	sdelay $0x1  }
0x43: {  	v4 =	vadd.s32 v1, v4;
	_ =	sdelay $0x3  }
0x44: {  	s15 =	simm.s32 $0x6400;
	v3 =	vperm.xlane v3, v2  }
0x45: {  	[tilespmem:s15], [sflag:$0x1] =	stream.indirect_vreg.gather [hbm4b:s2+s4], $0x80, v4, vm0, $0xb8;
	[tilespmem:$0x1B400] =	vst v63  }
0x46: {  	s16 =	simm.s32 $0x6C00;
	v3 =	vadd.s32 v1, v3  }
0x47: {  	[tilespmem:s16], [sflag:$0x1] =	stream.indirect_vreg.gather [hbm4b:s9+s4], $0x80, v4, vm0, $0xb8;
	[tilespmem:$0x1B400] =	vst v63  }
0x48: {  	s17 =	simm.s32 $0x7400  }
0x49: {  	[tilespmem:s17], [sflag:$0x1] =	stream.indirect_vreg.gather [hbm4b:s10+s4], $0x80, v4, vm0, $0xb8;
	[tilespmem:$0x1B400] =	vst v63  }
0x4a: {  	s18 =	simm.s32 $0x7C00  }
0x4b: {  	[tilespmem:s18], [sflag:$0x1] =	stream.indirect_vreg.gather [hbm4b:s2+s4], $0x80, v3, vm0, $0xb8;
	[tilespmem:$0x1B400] =	vst v63  }
0x4c: {  	s25 =	simm.s32 $0x8400  }
0x4d: {  	[tilespmem:s25], [sflag:$0x1] =	stream.indirect_vreg.gather [hbm4b:s9+s4], $0x80, v3, vm0, $0xb8;
	[tilespmem:$0x1B400] =	vst v63  }
0x4e: {  	s28 =	simm.s32 $0x8C00  }
0x4f: {  	[tilespmem:s28], [sflag:$0x1] =	stream.indirect_vreg.gather [hbm4b:s10+s4], $0x80, v3, vm0, $0xb8;
	[tilespmem:$0x1B400] =	vst v63  }
0x50: {  	v3 =	vld [tilespmem:$0x80];
	_ =	sdelay $0x4  }
0x51: {  	v62 =	vshrl.u32 v3, $0x3  }
0x52: {  	v4 =	vmul.u32 $0x30, v62  }
0x53: {  	v3 =	vand.u32 $0x7, v3  }
0x54: {  	v3 =	vor.u32 v3, v4  }
0x55: {  	v4 =	vperm.xlane v3, v0;
	_ =	sdelay $0x1  }
0x56: {  	v4 =	vadd.s32 v1, v4;
	_ =	sdelay $0x3  }
0x57: {  	v3 =	vperm.xlane v3, v2  }
0x58: {  	[tilespmem:s26], [sflag:$0x2] =	stream.indirect_vreg.gather [hbm4b:s2+s4], $0x80, v4, vm0, $0xb8;
	[tilespmem:$0x1B400] =	vst v63  }
0x59: {  	s1 =	simm.s32 $0x9C00;
	v3 =	vadd.s32 v1, v3  }
0x5a: {  	[tilespmem:s1], [sflag:$0x2] =	stream.indirect_vreg.gather [hbm4b:s9+s4], $0x80, v4, vm0, $0xb8;
	[tilespmem:$0x1B400] =	vst v63  }
0x5b: {  	s7 =	simm.s32 $0xA400  }
0x5c: {  	[tilespmem:s7], [sflag:$0x2] =	stream.indirect_vreg.gather [hbm4b:s10+s4], $0x80, v4, vm0, $0xb8;
	[tilespmem:$0x1B400] =	vst v63  }
0x5d: {  	s8 =	simm.s32 $0xAC00  }
0x5e: {  	[tilespmem:s8], [sflag:$0x2] =	stream.indirect_vreg.gather [hbm4b:s2+s4], $0x80, v3, vm0, $0xb8;
	[tilespmem:$0x1B400] =	vst v63  }
0x5f: {  	s11 =	simm.s32 $0xB400  }
0x60: {  	[tilespmem:s11], [sflag:$0x2] =	stream.indirect_vreg.gather [hbm4b:s9+s4], $0x80, v3, vm0, $0xb8;
	[tilespmem:$0x1B400] =	vst v63  }
0x61: {  	s13 =	simm.s32 $0xBC00  }
0x62: {  	[tilespmem:s13], [sflag:$0x2] =	stream.indirect_vreg.gather [hbm4b:s10+s4], $0x80, v3, vm0, $0xb8;
	[tilespmem:$0x1B400] =	vst v63  }
0x63: {  	v3 =	vld [tilespmem:$0x90];
	_ =	sdelay $0x4  }
0x64: {  	v63 =	vshrl.u32 v3, $0x3  }
0x65: {  	v4 =	vmul.u32 $0x30, v63  }
0x66: {  	v3 =	vand.u32 $0x7, v3  }
0x67: {  	v3 =	vor.u32 v3, v4  }
0x68: {  	v4 =	vperm.xlane v3, v0;
	_ =	sdelay $0x1  }
0x69: {  	v4 =	vadd.s32 v1, v4;
	_ =	sdelay $0x3  }
0x6a: {  	s15 =	simm.s32 $0xC400;
	v3 =	vperm.xlane v3, v2  }
0x6b: {  	[tilespmem:s15], [sflag:$0x2] =	stream.indirect_vreg.gather [hbm4b:s2+s4], $0x80, v4, vm0, $0xb8;
	[tilespmem:$0x1B400] =	vst v63  }
0x6c: {  	s16 =	simm.s32 $0xCC00;
	v3 =	vadd.s32 v1, v3  }
0x6d: {  	[tilespmem:s16], [sflag:$0x2] =	stream.indirect_vreg.gather [hbm4b:s9+s4], $0x80, v4, vm0, $0xb8;
	[tilespmem:$0x1B400] =	vst v63  }
0x6e: {  	s17 =	simm.s32 $0xD400  }
0x6f: {  	[tilespmem:s17], [sflag:$0x2] =	stream.indirect_vreg.gather [hbm4b:s10+s4], $0x80, v4, vm0, $0xb8;
	[tilespmem:$0x1B400] =	vst v63  }
0x70: {  	s18 =	simm.s32 $0xDC00  }
0x71: {  	[tilespmem:s18], [sflag:$0x2] =	stream.indirect_vreg.gather [hbm4b:s2+s4], $0x80, v3, vm0, $0xb8;
	[tilespmem:$0x1B400] =	vst v63  }
.Ltmp2:
0x72: {  	_ = 	snop;
	(pc) =	sbr.rel .LBB2_2-.Ltmp2, $4  }
0x73: {  	s25 =	simm.s32 $0xE400  }
0x74: {  	[tilespmem:s25], [sflag:$0x2] =	stream.indirect_vreg.gather [hbm4b:s9+s4], $0x80, v3, vm0, $0xb8;
	[tilespmem:$0x1B400] =	vst v63  }
0x75: {  	s28 =	simm.s32 $0xEC00;
	s1 =	simm.s32 $0x0  }
0x76: {  	[tilespmem:s28], [sflag:$0x2] =	stream.indirect_vreg.gather [hbm4b:s10+s4], $0x80, v3, vm0, $0xb8;
	[tilespmem:$0x1B400] =	vst v63  }
.LBB2_16:
0x77: {  	s1 =	sadd.s32 $0x1, s1  }
0x78: {  	p0 =	sne.s32 s1, $0x14  }
.Ltmp3:
0x79: {  	_ = 	snop;
	(pc) =	sbr.rel @!p0 .LBB2_17-.Ltmp3, $1  }
0x7a: {  	_ =	sdelay $0x3  }
.LBB2_2:
0x7b: {  	s15 =	sshll.u32 s1, $0x2  }
0x7c: {  	s0 =	sor.u32 $0x2, s15  }
0x7d: {  	p0 =	sgt.u32 s0, $0x4C  }
0x7e: {  	p1 =	seq.s32 @!p0 s1, $0x0  }
0x7f: {  	p1 =	por p1, p0  }
0x80: {  	s7 =	simm.s32 @!p1 $0x7  }
0x81: {  	_ =	swait.ge @!p1 [sflag:s7], $0x6000  }
0x82: {  	s8 =	sshll.u32 @!p0 s0, $0x7;
	[sflag:s7] =	ssyncset.done @!p1 $0x0  }
0x83: {  	[sflag:s7] =	ssyncadd.s32 @!p1 $0xFFFFA000;
	s7 =	sand.u32 @!p0 $0x3FFFFF80, s8  }
0x84: {  	v3 =	vld @!p0 [tilespmem:s7+$0x0];
	_ =	sdelay $0x4  }
0x85: {  	v4 =	vshrl.u32 @!p0 v3, $0x3  }
0x86: {  	v4 =	vmul.u32 @!p0 $0x30, v4  }
0x87: {  	v5 =	vlaneseq.u32 @!p0;
	v3 =	vand.u32 @!p0 $0x7, v3  }
0x88: {  	v6 =	vshrl.u32 @!p0 v5, $0x3;
	v3 =	vor.u32 @!p0 v3, v4;
	v4 =	vand.u32 @!p0 $0x7, v5  }
0x89: {  	v6 =	vmul.u32 @!p0 $0x8, v6;
	v7 =	vperm.xlane @!p0 v3, v4;
	_ =	sdelay $0x1  }
0x8a: {  	v7 =	vadd.s32 @!p0 v6, v7;
	_ =	sdelay $0x2  }
0x8b: {  	v5 =	vor.u32 @!p0 $0x8, v5  }
0x8c: {  	vm1 =	vmmov @!p0 $0xffff;
	s11 =	simm.s32 @!p0 $0xF400;
	s8 =	simm.s32 @!p0 $0x0;
	v3 =	vperm.xlane @!p0 v3, v5  }
0x8d: {  	[tilespmem:s11], [sflag:$0x3] =	stream.indirect_vreg.gather @!p0 [hbm4b:s2+s8], $0x80, v7, vm1, $0xb8;
	[tilespmem:$0x1B400] =	vst v63  }
0x8e: {  	v3 =	vadd.s32 @!p0 v6, v3;
	s11 =	simm.s32 @!p0 $0xFC00  }
0x8f: {  	[tilespmem:s11], [sflag:$0x3] =	stream.indirect_vreg.gather @!p0 [hbm4b:s9+s8], $0x80, v7, vm1, $0xb8;
	[tilespmem:$0x1B400] =	vst v63  }
0x90: {  	s11 =	simm.s32 @!p0 $0x10400  }
0x91: {  	[tilespmem:s11], [sflag:$0x3] =	stream.indirect_vreg.gather @!p0 [hbm4b:s10+s8], $0x80, v7, vm1, $0xb8;
	[tilespmem:$0x1B400] =	vst v63  }
0x92: {  	s11 =	simm.s32 @!p0 $0x10C00  }
0x93: {  	[tilespmem:s11], [sflag:$0x3] =	stream.indirect_vreg.gather @!p0 [hbm4b:s2+s8], $0x80, v3, vm1, $0xb8;
	[tilespmem:$0x1B400] =	vst v63  }
0x94: {  	s11 =	simm.s32 @!p0 $0x11400  }
0x95: {  	[tilespmem:s11], [sflag:$0x3] =	stream.indirect_vreg.gather @!p0 [hbm4b:s9+s8], $0x80, v3, vm1, $0xb8;
	[tilespmem:$0x1B400] =	vst v63  }
0x96: {  	s11 =	simm.s32 @!p0 $0x11C00  }
0x97: {  	[tilespmem:s11], [sflag:$0x3] =	stream.indirect_vreg.gather @!p0 [hbm4b:s10+s8], $0x80, v3, vm1, $0xb8;
	[tilespmem:$0x1B400] =	vst v63  }
0x98: {  	v3 =	vld @!p0 [tilespmem:s7+$0x10];
	_ =	sdelay $0x4  }
0x99: {  	v7 =	vshrl.u32 @!p0 v3, $0x3  }
0x9a: {  	v7 =	vmul.u32 @!p0 $0x30, v7  }
0x9b: {  	v3 =	vand.u32 @!p0 $0x7, v3  }
0x9c: {  	v3 =	vor.u32 @!p0 v3, v7  }
0x9d: {  	v4 =	vperm.xlane @!p0 v3, v4;
	_ =	sdelay $0x1  }
0x9e: {  	v4 =	vadd.s32 @!p0 v6, v4;
	_ =	sdelay $0x3  }
0x9f: {  	s7 =	simm.s32 @!p0 $0x12400;
	v3 =	vperm.xlane @!p0 v3, v5  }
0xa0: {  	[tilespmem:s7], [sflag:$0x3] =	stream.indirect_vreg.gather @!p0 [hbm4b:s2+s8], $0x80, v4, vm1, $0xb8;
	[tilespmem:$0x1B400] =	vst v63  }
0xa1: {  	v3 =	vadd.s32 @!p0 v6, v3;
	s7 =	simm.s32 @!p0 $0x12C00  }
0xa2: {  	[tilespmem:s7], [sflag:$0x3] =	stream.indirect_vreg.gather @!p0 [hbm4b:s9+s8], $0x80, v4, vm1, $0xb8;
	[tilespmem:$0x1B400] =	vst v63  }
0xa3: {  	s7 =	simm.s32 @!p0 $0x13400  }
0xa4: {  	[tilespmem:s7], [sflag:$0x3] =	stream.indirect_vreg.gather @!p0 [hbm4b:s10+s8], $0x80, v4, vm1, $0xb8;
	[tilespmem:$0x1B400] =	vst v63  }
0xa5: {  	s7 =	simm.s32 @!p0 $0x13C00  }
0xa6: {  	[tilespmem:s7], [sflag:$0x3] =	stream.indirect_vreg.gather @!p0 [hbm4b:s2+s8], $0x80, v3, vm1, $0xb8;
	[tilespmem:$0x1B400] =	vst v63  }
0xa7: {  	s17 =	sshll.u32 s1, $0x7;
	s7 =	simm.s32 @!p0 $0x14400  }
0xa8: {  	[tilespmem:s7], [sflag:$0x3] =	stream.indirect_vreg.gather @!p0 [hbm4b:s9+s8], $0x80, v3, vm1, $0xb8;
	[tilespmem:$0x1B400] =	vst v63  }
0xa9: {  	s13 =	sadd.s32 s5, s17;
	s7 =	simm.s32 @!p0 $0x14C00  }
0xaa: {  	[tilespmem:s7], [sflag:$0x3] =	stream.indirect_vreg.gather @!p0 [hbm4b:s10+s8], $0x80, v3, vm1, $0xb8;
	[tilespmem:$0x1B400] =	vst v63  }
0xab: {  	s7 =	sshrl.u32 s13, $0xA  }
0xac: {  	s7 =	ssub.s32 s7, s6  }
0xad: {  	s18 =	sshrl.u32 s7, $0x2  }
0xae: {  	s8 =	smul.u32 $0x3000, s18  }
0xaf: {  	_ =	swait.ge [sflag:s19], $0x6000;
	s7 =	sshll.u32 s7, $0x7  }
0xb0: {  	[sflag:s19] =	ssyncset.done $0x0;
	s7 =	sand.u32 $0x180, s7;
	s8 =	sshra.s32 s8, $0x2  }
0xb1: {  	[sflag:s19] =	ssyncadd.s32 $0xFFFFA000;
	s7 =	sor.u32 s7, s8  }
0xb2: {  	v3 =	vld [tilespmem:s7+$0x2800]  }
0xb3: {  	v4 =	vld [tilespmem:s7+$0x2810]  }
0xb4: {  	v5 =	vld [tilespmem:s7+$0x2820]  }
0xb5: {  	v6 =	vld [tilespmem:s7+$0x2830]  }
0xb6: {  	v7 =	vld [tilespmem:s7+$0x2840]  }
0xb7: {  	v8 =	vld [tilespmem:s7+$0x2850]  }
0xb8: {  	v9 =	vld [tilespmem:s7+$0x2860]  }
0xb9: {  	v10 =	vld [tilespmem:s7+$0x2870]  }
0xba: {  	v11 =	vld [tilespmem:s7+$0x2A00]  }
0xbb: {  	v12 =	vld [tilespmem:s7+$0x2A10]  }
0xbc: {  	v13 =	vld [tilespmem:s7+$0x2A20]  }
0xbd: {  	v14 =	vld [tilespmem:s7+$0x2A30]  }
0xbe: {  	v15 =	vld [tilespmem:s7+$0x2A40]  }
0xbf: {  	v16 =	vld [tilespmem:s7+$0x2A50]  }
0xc0: {  	v17 =	vld [tilespmem:s7+$0x2A60]  }
0xc1: {  	v18 =	vld [tilespmem:s7+$0x2A70]  }
0xc2: {  	v19 =	vld [tilespmem:s7+$0x2C00]  }
0xc3: {  	v20 =	vld [tilespmem:s7+$0x2C10]  }
0xc4: {  	v21 =	vld [tilespmem:s7+$0x2C20]  }
0xc5: {  	v22 =	vld [tilespmem:s7+$0x2C30]  }
0xc6: {  	v23 =	vld [tilespmem:s7+$0x2C40]  }
0xc7: {  	v24 =	vld [tilespmem:s7+$0x2C50]  }
0xc8: {  	v25 =	vld [tilespmem:s7+$0x2C60]  }
0xc9: {  	v26 =	vld [tilespmem:s7+$0x2C70]  }
0xca: {  	v27 =	vld [tilespmem:s7+$0x2E00]  }
0xcb: {  	v28 =	vld [tilespmem:s7+$0x2E10]  }
0xcc: {  	v29 =	vld [tilespmem:s7+$0x2E20]  }
0xcd: {  	v30 =	vld [tilespmem:s7+$0x2E30]  }
0xce: {  	v31 =	vld [tilespmem:s7+$0x2E40]  }
0xcf: {  	v32 =	vld [tilespmem:s7+$0x2E50]  }
0xd0: {  	v33 =	vld [tilespmem:s7+$0x2E60]  }
0xd1: {  	v34 =	vld [tilespmem:s7+$0x2E70]  }
0xd2: {  	v35 =	vld [tilespmem:s7+$0x3000]  }
0xd3: {  	v36 =	vld [tilespmem:s7+$0x3010]  }
0xd4: {  	v37 =	vld [tilespmem:s7+$0x3020]  }
0xd5: {  	v38 =	vld [tilespmem:s7+$0x3030]  }
0xd6: {  	v39 =	vld [tilespmem:s7+$0x3040]  }
0xd7: {  	v40 =	vld [tilespmem:s7+$0x3050]  }
0xd8: {  	v41 =	vld [tilespmem:s7+$0x3060]  }
0xd9: {  	v42 =	vld [tilespmem:s7+$0x3070]  }
0xda: {  	v43 =	vld [tilespmem:s7+$0x3200]  }
0xdb: {  	v44 =	vld [tilespmem:s7+$0x3210]  }
0xdc: {  	v45 =	vld [tilespmem:s7+$0x3220]  }
0xdd: {  	s25 =	simm.s32 $0x0;
	v50 =	vld [tilespmem:s7+$0x3270]  }
0xde: {  	s8 =	smul.u32 $0x6000, s25;
	v46 =	vld [tilespmem:s7+$0x3230]  }
0xdf: {  	s16 =	simm.s32 $0x0;
	v47 =	vld [tilespmem:s7+$0x3240]  }
0xe0: {  	s28 =	sand.u32 $0x380, s16;
	v48 =	vld [tilespmem:s7+$0x3250];
	s8 =	sshra.s32 s8, $0x2  }
0xe1: {  	v49 =	vld [tilespmem:s7+$0x3260];
	s17 =	sor.u32 s28, s8  }
0xe2: {  	[tilespmem:s17+$0x4870] =	vst.add.f32.msk $0xffff, v50  }
0xe3: {  	[tilespmem:s17+$0x3400] =	vst.add.f32.msk $0xffff, v3  }
0xe4: {  	[tilespmem:s17+$0x3410] =	vst.add.f32.msk $0xffff, v4  }
0xe5: {  	[tilespmem:s17+$0x3420] =	vst.add.f32.msk $0xffff, v5  }
0xe6: {  	[tilespmem:s17+$0x3430] =	vst.add.f32.msk $0xffff, v6  }
0xe7: {  	[tilespmem:s17+$0x3440] =	vst.add.f32.msk $0xffff, v7  }
0xe8: {  	[tilespmem:s17+$0x3450] =	vst.add.f32.msk $0xffff, v8  }
0xe9: {  	[tilespmem:s17+$0x3460] =	vst.add.f32.msk $0xffff, v9  }
0xea: {  	[tilespmem:s17+$0x3470] =	vst.add.f32.msk $0xffff, v10  }
0xeb: {  	[tilespmem:s17+$0x3800] =	vst.add.f32.msk $0xffff, v11  }
0xec: {  	[tilespmem:s17+$0x3810] =	vst.add.f32.msk $0xffff, v12  }
0xed: {  	[tilespmem:s17+$0x3820] =	vst.add.f32.msk $0xffff, v13  }
0xee: {  	[tilespmem:s17+$0x3830] =	vst.add.f32.msk $0xffff, v14  }
0xef: {  	[tilespmem:s17+$0x3840] =	vst.add.f32.msk $0xffff, v15  }
0xf0: {  	[tilespmem:s17+$0x3850] =	vst.add.f32.msk $0xffff, v16  }
0xf1: {  	[tilespmem:s17+$0x3860] =	vst.add.f32.msk $0xffff, v17  }
0xf2: {  	[tilespmem:s17+$0x3870] =	vst.add.f32.msk $0xffff, v18  }
0xf3: {  	[tilespmem:s17+$0x3C00] =	vst.add.f32.msk $0xffff, v19  }
0xf4: {  	[tilespmem:s17+$0x3C10] =	vst.add.f32.msk $0xffff, v20  }
0xf5: {  	[tilespmem:s17+$0x3C20] =	vst.add.f32.msk $0xffff, v21  }
0xf6: {  	[tilespmem:s17+$0x3C30] =	vst.add.f32.msk $0xffff, v22  }
0xf7: {  	[tilespmem:s17+$0x3C40] =	vst.add.f32.msk $0xffff, v23  }
0xf8: {  	[tilespmem:s17+$0x3C50] =	vst.add.f32.msk $0xffff, v24  }
0xf9: {  	[tilespmem:s17+$0x3C60] =	vst.add.f32.msk $0xffff, v25  }
0xfa: {  	[tilespmem:s17+$0x3C70] =	vst.add.f32.msk $0xffff, v26  }
0xfb: {  	[tilespmem:s17+$0x4000] =	vst.add.f32.msk $0xffff, v27  }
0xfc: {  	[tilespmem:s17+$0x4010] =	vst.add.f32.msk $0xffff, v28  }
0xfd: {  	[tilespmem:s17+$0x4020] =	vst.add.f32.msk $0xffff, v29  }
0xfe: {  	[tilespmem:s17+$0x4030] =	vst.add.f32.msk $0xffff, v30  }
0xff: {  	[tilespmem:s17+$0x4040] =	vst.add.f32.msk $0xffff, v31  }
0x100: {  	[tilespmem:s17+$0x4050] =	vst.add.f32.msk $0xffff, v32  }
0x101: {  	[tilespmem:s17+$0x4060] =	vst.add.f32.msk $0xffff, v33  }
0x102: {  	[tilespmem:s17+$0x4070] =	vst.add.f32.msk $0xffff, v34  }
0x103: {  	[tilespmem:s17+$0x4400] =	vst.add.f32.msk $0xffff, v35  }
0x104: {  	[tilespmem:s17+$0x4410] =	vst.add.f32.msk $0xffff, v36  }
0x105: {  	[tilespmem:s17+$0x4420] =	vst.add.f32.msk $0xffff, v37  }
0x106: {  	[tilespmem:s17+$0x4430] =	vst.add.f32.msk $0xffff, v38  }
0x107: {  	[tilespmem:s17+$0x4440] =	vst.add.f32.msk $0xffff, v39  }
0x108: {  	[tilespmem:s17+$0x4450] =	vst.add.f32.msk $0xffff, v40  }
0x109: {  	[tilespmem:s17+$0x4460] =	vst.add.f32.msk $0xffff, v41  }
0x10a: {  	[tilespmem:s17+$0x4470] =	vst.add.f32.msk $0xffff, v42  }
0x10b: {  	[tilespmem:s17+$0x4800] =	vst.add.f32.msk $0xffff, v43  }
0x10c: {  	[tilespmem:s17+$0x4810] =	vst.add.f32.msk $0xffff, v44  }
0x10d: {  	s18 =	simm.s32 $0x2;
	s7 =	simm.s32 $0x0;
	[tilespmem:s17+$0x4820] =	vst.add.f32.msk $0xffff, v45  }
.LBB2_3:
0x10e: {  	p1 =	sne.s32 s18, $0x1F;
	s7 =	smul.u32 $0x6000, s7;
	[tilespmem:s17+$0x4830] =	vst.add.f32.msk $0xffff, v46  }
0x10f: {  	s16 =	sadd.s32 $0x80, s16;
	[tilespmem:s17+$0x4840] =	vst.add.f32.msk $0xffff, v47  }
0x110: {  	s8 =	sand.u32 $0x380, s16;
	s7 =	sshra.s32 s7, $0x2;
	[tilespmem:s17+$0x4850] =	vst.add.f32.msk $0xffff, v48  }
0x111: {  	[tilespmem:s17+$0x4860] =	vst.add.f32.msk $0xffff, v49;
	s17 =	sor.u32 s8, s7  }
0x112: {  	[tilespmem:s17+$0x4870] =	vst.add.f32.msk $0xffff, v50  }
0x113: {  	[tilespmem:s17+$0x3400] =	vst.add.f32.msk $0xffff, v3  }
0x114: {  	[tilespmem:s17+$0x3410] =	vst.add.f32.msk $0xffff, v4  }
0x115: {  	[tilespmem:s17+$0x3420] =	vst.add.f32.msk $0xffff, v5  }
0x116: {  	[tilespmem:s17+$0x3430] =	vst.add.f32.msk $0xffff, v6  }
0x117: {  	[tilespmem:s17+$0x3440] =	vst.add.f32.msk $0xffff, v7  }
0x118: {  	[tilespmem:s17+$0x3450] =	vst.add.f32.msk $0xffff, v8  }
0x119: {  	[tilespmem:s17+$0x3460] =	vst.add.f32.msk $0xffff, v9  }
0x11a: {  	[tilespmem:s17+$0x3470] =	vst.add.f32.msk $0xffff, v10  }
0x11b: {  	[tilespmem:s17+$0x3800] =	vst.add.f32.msk $0xffff, v11  }
0x11c: {  	[tilespmem:s17+$0x3810] =	vst.add.f32.msk $0xffff, v12  }
0x11d: {  	[tilespmem:s17+$0x3820] =	vst.add.f32.msk $0xffff, v13  }
0x11e: {  	[tilespmem:s17+$0x3830] =	vst.add.f32.msk $0xffff, v14  }
0x11f: {  	[tilespmem:s17+$0x3840] =	vst.add.f32.msk $0xffff, v15  }
0x120: {  	[tilespmem:s17+$0x3850] =	vst.add.f32.msk $0xffff, v16  }
0x121: {  	[tilespmem:s17+$0x3860] =	vst.add.f32.msk $0xffff, v17  }
0x122: {  	[tilespmem:s17+$0x3870] =	vst.add.f32.msk $0xffff, v18  }
0x123: {  	[tilespmem:s17+$0x3C00] =	vst.add.f32.msk $0xffff, v19  }
0x124: {  	[tilespmem:s17+$0x3C10] =	vst.add.f32.msk $0xffff, v20  }
0x125: {  	[tilespmem:s17+$0x3C20] =	vst.add.f32.msk $0xffff, v21  }
0x126: {  	[tilespmem:s17+$0x3C30] =	vst.add.f32.msk $0xffff, v22  }
0x127: {  	[tilespmem:s17+$0x3C40] =	vst.add.f32.msk $0xffff, v23  }
0x128: {  	[tilespmem:s17+$0x3C50] =	vst.add.f32.msk $0xffff, v24  }
0x129: {  	[tilespmem:s17+$0x3C60] =	vst.add.f32.msk $0xffff, v25  }
0x12a: {  	[tilespmem:s17+$0x3C70] =	vst.add.f32.msk $0xffff, v26  }
0x12b: {  	[tilespmem:s17+$0x4000] =	vst.add.f32.msk $0xffff, v27  }
0x12c: {  	[tilespmem:s17+$0x4010] =	vst.add.f32.msk $0xffff, v28  }
0x12d: {  	[tilespmem:s17+$0x4020] =	vst.add.f32.msk $0xffff, v29  }
0x12e: {  	[tilespmem:s17+$0x4030] =	vst.add.f32.msk $0xffff, v30  }
0x12f: {  	[tilespmem:s17+$0x4040] =	vst.add.f32.msk $0xffff, v31  }
0x130: {  	[tilespmem:s17+$0x4050] =	vst.add.f32.msk $0xffff, v32  }
0x131: {  	[tilespmem:s17+$0x4060] =	vst.add.f32.msk $0xffff, v33  }
0x132: {  	[tilespmem:s17+$0x4070] =	vst.add.f32.msk $0xffff, v34  }
0x133: {  	[tilespmem:s17+$0x4400] =	vst.add.f32.msk $0xffff, v35  }
0x134: {  	[tilespmem:s17+$0x4410] =	vst.add.f32.msk $0xffff, v36  }
0x135: {  	[tilespmem:s17+$0x4420] =	vst.add.f32.msk $0xffff, v37  }
0x136: {  	[tilespmem:s17+$0x4430] =	vst.add.f32.msk $0xffff, v38  }
0x137: {  	[tilespmem:s17+$0x4440] =	vst.add.f32.msk $0xffff, v39  }
0x138: {  	[tilespmem:s17+$0x4450] =	vst.add.f32.msk $0xffff, v40  }
.Ltmp4:
0x139: {  	[tilespmem:s17+$0x4460] =	vst.add.f32.msk $0xffff, v41;
	(pc) =	sbr.rel @p1 .LBB2_3-.Ltmp4, $4  }
0x13a: {  	[tilespmem:s17+$0x4470] =	vst.add.f32.msk $0xffff, v42  }
0x13b: {  	[tilespmem:s17+$0x4800] =	vst.add.f32.msk $0xffff, v43  }
0x13c: {  	[tilespmem:s17+$0x4810] =	vst.add.f32.msk $0xffff, v44  }
0x13d: {  	s7 =	sshrl.u32 s18, $0x3;
	s18 =	sadd.s32 $0x1, s18;
	[tilespmem:s17+$0x4820] =	vst.add.f32.msk $0xffff, v45  }
0x13e: {  	s7 =	smul.u32 $0x6000, s7;
	[tilespmem:s17+$0x4830] =	vst.add.f32.msk $0xffff, v46  }
0x13f: {  	[tilespmem:s17+$0x4840] =	vst.add.f32.msk $0xffff, v47;
	s8 =	sadd.s32 $0x80, s16  }
0x140: {  	[tilespmem:s17+$0x4850] =	vst.add.f32.msk $0xffff, v48;
	s8 =	sand.u32 $0x380, s8;
	s7 =	sshra.s32 s7, $0x2  }
0x141: {  	[tilespmem:s17+$0x4860] =	vst.add.f32.msk $0xffff, v49;
	s7 =	sor.u32 s8, s7  }
0x142: {  	[tilespmem:s7+$0x4870] =	vst.add.f32.msk $0xffff, v50  }
0x143: {  	[tilespmem:s7+$0x3400] =	vst.add.f32.msk $0xffff, v3  }
0x144: {  	[tilespmem:s7+$0x3410] =	vst.add.f32.msk $0xffff, v4  }
0x145: {  	[tilespmem:s7+$0x3420] =	vst.add.f32.msk $0xffff, v5  }
0x146: {  	[tilespmem:s7+$0x3430] =	vst.add.f32.msk $0xffff, v6  }
0x147: {  	[tilespmem:s7+$0x3440] =	vst.add.f32.msk $0xffff, v7  }
0x148: {  	[tilespmem:s7+$0x3450] =	vst.add.f32.msk $0xffff, v8  }
0x149: {  	[tilespmem:s7+$0x3460] =	vst.add.f32.msk $0xffff, v9  }
0x14a: {  	[tilespmem:s7+$0x3470] =	vst.add.f32.msk $0xffff, v10  }
0x14b: {  	[tilespmem:s7+$0x3800] =	vst.add.f32.msk $0xffff, v11  }
0x14c: {  	[tilespmem:s7+$0x3810] =	vst.add.f32.msk $0xffff, v12  }
0x14d: {  	[tilespmem:s7+$0x3820] =	vst.add.f32.msk $0xffff, v13  }
0x14e: {  	[tilespmem:s7+$0x3830] =	vst.add.f32.msk $0xffff, v14  }
0x14f: {  	[tilespmem:s7+$0x3840] =	vst.add.f32.msk $0xffff, v15  }
0x150: {  	[tilespmem:s7+$0x3850] =	vst.add.f32.msk $0xffff, v16  }
0x151: {  	[tilespmem:s7+$0x3860] =	vst.add.f32.msk $0xffff, v17  }
0x152: {  	[tilespmem:s7+$0x3870] =	vst.add.f32.msk $0xffff, v18  }
0x153: {  	[tilespmem:s7+$0x3C00] =	vst.add.f32.msk $0xffff, v19  }
0x154: {  	[tilespmem:s7+$0x3C10] =	vst.add.f32.msk $0xffff, v20  }
0x155: {  	[tilespmem:s7+$0x3C20] =	vst.add.f32.msk $0xffff, v21  }
0x156: {  	[tilespmem:s7+$0x3C30] =	vst.add.f32.msk $0xffff, v22  }
0x157: {  	[tilespmem:s7+$0x3C40] =	vst.add.f32.msk $0xffff, v23  }
0x158: {  	[tilespmem:s7+$0x3C50] =	vst.add.f32.msk $0xffff, v24  }
0x159: {  	[tilespmem:s7+$0x3C60] =	vst.add.f32.msk $0xffff, v25  }
0x15a: {  	[tilespmem:s7+$0x3C70] =	vst.add.f32.msk $0xffff, v26  }
0x15b: {  	[tilespmem:s7+$0x4000] =	vst.add.f32.msk $0xffff, v27  }
0x15c: {  	[tilespmem:s7+$0x4010] =	vst.add.f32.msk $0xffff, v28  }
0x15d: {  	[tilespmem:s7+$0x4020] =	vst.add.f32.msk $0xffff, v29  }
0x15e: {  	[tilespmem:s7+$0x4030] =	vst.add.f32.msk $0xffff, v30  }
0x15f: {  	[tilespmem:s7+$0x4040] =	vst.add.f32.msk $0xffff, v31  }
0x160: {  	[tilespmem:s7+$0x4050] =	vst.add.f32.msk $0xffff, v32  }
0x161: {  	[tilespmem:s7+$0x4060] =	vst.add.f32.msk $0xffff, v33  }
0x162: {  	[tilespmem:s7+$0x4070] =	vst.add.f32.msk $0xffff, v34  }
0x163: {  	[tilespmem:s7+$0x4400] =	vst.add.f32.msk $0xffff, v35  }
0x164: {  	[tilespmem:s7+$0x4410] =	vst.add.f32.msk $0xffff, v36  }
0x165: {  	[tilespmem:s7+$0x4420] =	vst.add.f32.msk $0xffff, v37  }
0x166: {  	[tilespmem:s7+$0x4430] =	vst.add.f32.msk $0xffff, v38  }
0x167: {  	[tilespmem:s7+$0x4440] =	vst.add.f32.msk $0xffff, v39  }
0x168: {  	[tilespmem:s7+$0x4450] =	vst.add.f32.msk $0xffff, v40  }
0x169: {  	[tilespmem:s7+$0x4460] =	vst.add.f32.msk $0xffff, v41  }
0x16a: {  	[tilespmem:s7+$0x4470] =	vst.add.f32.msk $0xffff, v42  }
0x16b: {  	[tilespmem:s7+$0x4800] =	vst.add.f32.msk $0xffff, v43  }
0x16c: {  	[tilespmem:s7+$0x4810] =	vst.add.f32.msk $0xffff, v44  }
0x16d: {  	s25 =	sshrl.u32 s13, $0x3;
	s13 =	sor.u32 $0x3, s15;
	[tilespmem:s7+$0x4820] =	vst.add.f32.msk $0xffff, v45  }
0x16e: {  	p1 =	sgt.u32 s13, $0x4C;
	[tilespmem:s7+$0x4830] =	vst.add.f32.msk $0xffff, v46  }
0x16f: {  	p2 =	seq.s32 @!p1 s1, $0x0;
	s8 =	smul.u32 $0x300, s25;
	[tilespmem:s7+$0x4840] =	vst.add.f32.msk $0xffff, v47  }
0x170: {  	p2 =	por p2, p1;
	[tilespmem:s7+$0x4850] =	vst.add.f32.msk $0xffff, v48  }
0x171: {  	[tilespmem:s7+$0x4860] =	vst.add.f32.msk $0xffff, v49;
	s7 =	simm.s32 @!p2 $0x8;
	s28 =	sadd.s32 s3, s8  }
0x172: {  	[hbm4b:s28+s4] =	stream.linear.scatter [tilespmem:s14], [sflag:$0x5], $0x6000, $0x38;
	[tilespmem:$0x1B400] =	vst v63  }
0x173: {  	_ =	swait.ge @!p2 [sflag:s7], $0x6000  }
0x174: {  	s8 =	sshll.u32 @!p1 s13, $0x7;
	[sflag:s7] =	ssyncset.done @!p2 $0x0  }
0x175: {  	[sflag:s7] =	ssyncadd.s32 @!p2 $0xFFFFA000;
	s7 =	sand.u32 @!p1 $0x3FFFFF80, s8  }
0x176: {  	v3 =	vld @!p1 [tilespmem:s7+$0x0];
	_ =	sdelay $0x4  }
0x177: {  	v4 =	vshrl.u32 @!p1 v3, $0x3  }
0x178: {  	v4 =	vmul.u32 @!p1 $0x30, v4  }
0x179: {  	v5 =	vlaneseq.u32 @!p1;
	v3 =	vand.u32 @!p1 $0x7, v3  }
0x17a: {  	v6 =	vshrl.u32 @!p1 v5, $0x3;
	v3 =	vor.u32 @!p1 v3, v4;
	v4 =	vand.u32 @!p1 $0x7, v5  }
0x17b: {  	v6 =	vmul.u32 @!p1 $0x8, v6;
	v7 =	vperm.xlane @!p1 v3, v4;
	_ =	sdelay $0x1  }
0x17c: {  	v7 =	vadd.s32 @!p1 v6, v7;
	_ =	sdelay $0x2  }
0x17d: {  	v5 =	vor.u32 @!p1 $0x8, v5  }
0x17e: {  	vm1 =	vmmov @!p1 $0xffff;
	s11 =	simm.s32 @!p1 $0x15400;
	s8 =	simm.s32 @!p1 $0x0;
	v3 =	vperm.xlane @!p1 v3, v5  }
0x17f: {  	[tilespmem:s11], [sflag:$0x4] =	stream.indirect_vreg.gather @!p1 [hbm4b:s2+s8], $0x80, v7, vm1, $0xb8;
	[tilespmem:$0x1B400] =	vst v63  }
0x180: {  	v3 =	vadd.s32 @!p1 v6, v3;
	s11 =	simm.s32 @!p1 $0x15C00  }
0x181: {  	[tilespmem:s11], [sflag:$0x4] =	stream.indirect_vreg.gather @!p1 [hbm4b:s9+s8], $0x80, v7, vm1, $0xb8;
	[tilespmem:$0x1B400] =	vst v63  }
0x182: {  	s11 =	simm.s32 @!p1 $0x16400  }
0x183: {  	[tilespmem:s11], [sflag:$0x4] =	stream.indirect_vreg.gather @!p1 [hbm4b:s10+s8], $0x80, v7, vm1, $0xb8;
	[tilespmem:$0x1B400] =	vst v63  }
0x184: {  	s11 =	simm.s32 @!p1 $0x16C00  }
0x185: {  	[tilespmem:s11], [sflag:$0x4] =	stream.indirect_vreg.gather @!p1 [hbm4b:s2+s8], $0x80, v3, vm1, $0xb8;
	[tilespmem:$0x1B400] =	vst v63  }
0x186: {  	s11 =	simm.s32 @!p1 $0x17400  }
0x187: {  	[tilespmem:s11], [sflag:$0x4] =	stream.indirect_vreg.gather @!p1 [hbm4b:s9+s8], $0x80, v3, vm1, $0xb8;
	[tilespmem:$0x1B400] =	vst v63  }
0x188: {  	s11 =	simm.s32 @!p1 $0x17C00  }
0x189: {  	[tilespmem:s11], [sflag:$0x4] =	stream.indirect_vreg.gather @!p1 [hbm4b:s10+s8], $0x80, v3, vm1, $0xb8;
	[tilespmem:$0x1B400] =	vst v63  }
0x18a: {  	v3 =	vld @!p1 [tilespmem:s7+$0x10];
	_ =	sdelay $0x4  }
0x18b: {  	v7 =	vshrl.u32 @!p1 v3, $0x3  }
0x18c: {  	v7 =	vmul.u32 @!p1 $0x30, v7  }
0x18d: {  	v3 =	vand.u32 @!p1 $0x7, v3  }
0x18e: {  	v3 =	vor.u32 @!p1 v3, v7  }
0x18f: {  	v4 =	vperm.xlane @!p1 v3, v4;
	_ =	sdelay $0x1  }
0x190: {  	v4 =	vadd.s32 @!p1 v6, v4;
	_ =	sdelay $0x3  }
0x191: {  	s7 =	simm.s32 @!p1 $0x18400;
	v3 =	vperm.xlane @!p1 v3, v5  }
0x192: {  	[tilespmem:s7], [sflag:$0x4] =	stream.indirect_vreg.gather @!p1 [hbm4b:s2+s8], $0x80, v4, vm1, $0xb8;
	[tilespmem:$0x1B400] =	vst v63  }
0x193: {  	v3 =	vadd.s32 @!p1 v6, v3;
	s7 =	simm.s32 @!p1 $0x18C00  }
0x194: {  	[tilespmem:s7], [sflag:$0x4] =	stream.indirect_vreg.gather @!p1 [hbm4b:s9+s8], $0x80, v4, vm1, $0xb8;
	[tilespmem:$0x1B400] =	vst v63  }
0x195: {  	s7 =	simm.s32 @!p1 $0x19400  }
0x196: {  	[tilespmem:s7], [sflag:$0x4] =	stream.indirect_vreg.gather @!p1 [hbm4b:s10+s8], $0x80, v4, vm1, $0xb8;
	[tilespmem:$0x1B400] =	vst v63  }
0x197: {  	s7 =	simm.s32 @!p1 $0x19C00  }
0x198: {  	[tilespmem:s7], [sflag:$0x4] =	stream.indirect_vreg.gather @!p1 [hbm4b:s2+s8], $0x80, v3, vm1, $0xb8;
	[tilespmem:$0x1B400] =	vst v63  }
0x199: {  	s7 =	simm.s32 @!p1 $0x1A400  }
0x19a: {  	[tilespmem:s7], [sflag:$0x4] =	stream.indirect_vreg.gather @!p1 [hbm4b:s9+s8], $0x80, v3, vm1, $0xb8;
	[tilespmem:$0x1B400] =	vst v63  }
0x19b: {  	s7 =	sor.u32 $0x1, s15  }
0x19c: {  	p2 =	sgt.u32 s7, $0x4C  }
.Ltmp5:
0x19d: {  	_ = 	snop;
	(pc) =	sbr.rel @p2 .LBB2_8-.Ltmp5, $3  }
0x19e: {  	_ =	sdelay $0x1  }
0x19f: {  	s11 =	simm.s32 @!p1 $0x1AC00  }
0x1a0: {  	[tilespmem:s11], [sflag:$0x4] =	stream.indirect_vreg.gather @!p1 [hbm4b:s10+s8], $0x80, v3, vm1, $0xb8;
	[tilespmem:$0x1B400] =	vst v63  }
0x1a1: {  	s7 =	sshll.u32 s7, $0x5  }
0x1a2: {  	s15 =	sadd.s32 s5, s7  }
0x1a3: {  	s7 =	sshrl.u32 s15, $0xA  }
0x1a4: {  	s7 =	ssub.s32 s7, s6  }
0x1a5: {  	s8 =	sshrl.u32 s7, $0x2  }
0x1a6: {  	s8 =	smul.u32 $0x3000, s8  }
0x1a7: {  	_ =	swait.ge [sflag:s20], $0x6000;
	s7 =	sshll.u32 s7, $0x7  }
0x1a8: {  	[sflag:s20] =	ssyncset.done $0x0;
	s7 =	sand.u32 $0x180, s7;
	s8 =	sshra.s32 s8, $0x2  }
0x1a9: {  	[sflag:s20] =	ssyncadd.s32 $0xFFFFA000;
	s7 =	sor.u32 s7, s8  }
0x1aa: {  	v3 =	vld [tilespmem:s7+$0x2800]  }
0x1ab: {  	v4 =	vld [tilespmem:s7+$0x2810]  }
0x1ac: {  	v5 =	vld [tilespmem:s7+$0x2820]  }
0x1ad: {  	v6 =	vld [tilespmem:s7+$0x2830]  }
0x1ae: {  	v7 =	vld [tilespmem:s7+$0x2840]  }
0x1af: {  	v8 =	vld [tilespmem:s7+$0x2850]  }
0x1b0: {  	v9 =	vld [tilespmem:s7+$0x2860]  }
0x1b1: {  	v10 =	vld [tilespmem:s7+$0x2870]  }
0x1b2: {  	v11 =	vld [tilespmem:s7+$0x2A00]  }
0x1b3: {  	v12 =	vld [tilespmem:s7+$0x2A10]  }
0x1b4: {  	v13 =	vld [tilespmem:s7+$0x2A20]  }
0x1b5: {  	v14 =	vld [tilespmem:s7+$0x2A30]  }
0x1b6: {  	v15 =	vld [tilespmem:s7+$0x2A40]  }
0x1b7: {  	v16 =	vld [tilespmem:s7+$0x2A50]  }
0x1b8: {  	v17 =	vld [tilespmem:s7+$0x2A60]  }
0x1b9: {  	v18 =	vld [tilespmem:s7+$0x2A70]  }
0x1ba: {  	v19 =	vld [tilespmem:s7+$0x2C00]  }
0x1bb: {  	v20 =	vld [tilespmem:s7+$0x2C10]  }
0x1bc: {  	v21 =	vld [tilespmem:s7+$0x2C20]  }
0x1bd: {  	v22 =	vld [tilespmem:s7+$0x2C30]  }
0x1be: {  	v23 =	vld [tilespmem:s7+$0x2C40]  }
0x1bf: {  	v24 =	vld [tilespmem:s7+$0x2C50]  }
0x1c0: {  	v25 =	vld [tilespmem:s7+$0x2C60]  }
0x1c1: {  	v26 =	vld [tilespmem:s7+$0x2C70]  }
0x1c2: {  	v27 =	vld [tilespmem:s7+$0x2E00]  }
0x1c3: {  	v28 =	vld [tilespmem:s7+$0x2E10]  }
0x1c4: {  	v29 =	vld [tilespmem:s7+$0x2E20]  }
0x1c5: {  	v30 =	vld [tilespmem:s7+$0x2E30]  }
0x1c6: {  	v31 =	vld [tilespmem:s7+$0x2E40]  }
0x1c7: {  	v32 =	vld [tilespmem:s7+$0x2E50]  }
0x1c8: {  	v33 =	vld [tilespmem:s7+$0x2E60]  }
0x1c9: {  	v34 =	vld [tilespmem:s7+$0x2E70]  }
0x1ca: {  	v35 =	vld [tilespmem:s7+$0x3000]  }
0x1cb: {  	v36 =	vld [tilespmem:s7+$0x3010]  }
0x1cc: {  	v37 =	vld [tilespmem:s7+$0x3020]  }
0x1cd: {  	v38 =	vld [tilespmem:s7+$0x3030]  }
0x1ce: {  	v39 =	vld [tilespmem:s7+$0x3040]  }
0x1cf: {  	v40 =	vld [tilespmem:s7+$0x3050]  }
0x1d0: {  	v41 =	vld [tilespmem:s7+$0x3060]  }
0x1d1: {  	v42 =	vld [tilespmem:s7+$0x3070]  }
0x1d2: {  	v43 =	vld [tilespmem:s7+$0x3200]  }
0x1d3: {  	v44 =	vld [tilespmem:s7+$0x3210]  }
0x1d4: {  	v45 =	vld [tilespmem:s7+$0x3220]  }
0x1d5: {  	s28 =	simm.s32 $0x0;
	v50 =	vld [tilespmem:s7+$0x3270]  }
0x1d6: {  	s8 =	smul.u32 $0x6000, s28;
	v46 =	vld [tilespmem:s7+$0x3230]  }
0x1d7: {  	s16 =	simm.s32 $0x0;
	v47 =	vld [tilespmem:s7+$0x3240]  }
0x1d8: {  	s11 =	sand.u32 $0x380, s16;
	v48 =	vld [tilespmem:s7+$0x3250];
	s8 =	sshra.s32 s8, $0x2  }
0x1d9: {  	v49 =	vld [tilespmem:s7+$0x3260];
	s17 =	sor.u32 s11, s8  }
0x1da: {  	[tilespmem:s17+$0xA870] =	vst.add.f32.msk $0xffff, v50  }
0x1db: {  	[tilespmem:s17+$0x9400] =	vst.add.f32.msk $0xffff, v3  }
0x1dc: {  	[tilespmem:s17+$0x9410] =	vst.add.f32.msk $0xffff, v4  }
0x1dd: {  	[tilespmem:s17+$0x9420] =	vst.add.f32.msk $0xffff, v5  }
0x1de: {  	[tilespmem:s17+$0x9430] =	vst.add.f32.msk $0xffff, v6  }
0x1df: {  	[tilespmem:s17+$0x9440] =	vst.add.f32.msk $0xffff, v7  }
0x1e0: {  	[tilespmem:s17+$0x9450] =	vst.add.f32.msk $0xffff, v8  }
0x1e1: {  	[tilespmem:s17+$0x9460] =	vst.add.f32.msk $0xffff, v9  }
0x1e2: {  	[tilespmem:s17+$0x9470] =	vst.add.f32.msk $0xffff, v10  }
0x1e3: {  	[tilespmem:s17+$0x9800] =	vst.add.f32.msk $0xffff, v11  }
0x1e4: {  	[tilespmem:s17+$0x9810] =	vst.add.f32.msk $0xffff, v12  }
0x1e5: {  	[tilespmem:s17+$0x9820] =	vst.add.f32.msk $0xffff, v13  }
0x1e6: {  	[tilespmem:s17+$0x9830] =	vst.add.f32.msk $0xffff, v14  }
0x1e7: {  	[tilespmem:s17+$0x9840] =	vst.add.f32.msk $0xffff, v15  }
0x1e8: {  	[tilespmem:s17+$0x9850] =	vst.add.f32.msk $0xffff, v16  }
0x1e9: {  	[tilespmem:s17+$0x9860] =	vst.add.f32.msk $0xffff, v17  }
0x1ea: {  	[tilespmem:s17+$0x9870] =	vst.add.f32.msk $0xffff, v18  }
0x1eb: {  	[tilespmem:s17+$0x9C00] =	vst.add.f32.msk $0xffff, v19  }
0x1ec: {  	[tilespmem:s17+$0x9C10] =	vst.add.f32.msk $0xffff, v20  }
0x1ed: {  	[tilespmem:s17+$0x9C20] =	vst.add.f32.msk $0xffff, v21  }
0x1ee: {  	[tilespmem:s17+$0x9C30] =	vst.add.f32.msk $0xffff, v22  }
0x1ef: {  	[tilespmem:s17+$0x9C40] =	vst.add.f32.msk $0xffff, v23  }
0x1f0: {  	[tilespmem:s17+$0x9C50] =	vst.add.f32.msk $0xffff, v24  }
0x1f1: {  	[tilespmem:s17+$0x9C60] =	vst.add.f32.msk $0xffff, v25  }
0x1f2: {  	[tilespmem:s17+$0x9C70] =	vst.add.f32.msk $0xffff, v26  }
0x1f3: {  	[tilespmem:s17+$0xA000] =	vst.add.f32.msk $0xffff, v27  }
0x1f4: {  	[tilespmem:s17+$0xA010] =	vst.add.f32.msk $0xffff, v28  }
0x1f5: {  	[tilespmem:s17+$0xA020] =	vst.add.f32.msk $0xffff, v29  }
0x1f6: {  	[tilespmem:s17+$0xA030] =	vst.add.f32.msk $0xffff, v30  }
0x1f7: {  	[tilespmem:s17+$0xA040] =	vst.add.f32.msk $0xffff, v31  }
0x1f8: {  	[tilespmem:s17+$0xA050] =	vst.add.f32.msk $0xffff, v32  }
0x1f9: {  	[tilespmem:s17+$0xA060] =	vst.add.f32.msk $0xffff, v33  }
0x1fa: {  	[tilespmem:s17+$0xA070] =	vst.add.f32.msk $0xffff, v34  }
0x1fb: {  	[tilespmem:s17+$0xA400] =	vst.add.f32.msk $0xffff, v35  }
0x1fc: {  	[tilespmem:s17+$0xA410] =	vst.add.f32.msk $0xffff, v36  }
0x1fd: {  	[tilespmem:s17+$0xA420] =	vst.add.f32.msk $0xffff, v37  }
0x1fe: {  	[tilespmem:s17+$0xA430] =	vst.add.f32.msk $0xffff, v38  }
0x1ff: {  	[tilespmem:s17+$0xA440] =	vst.add.f32.msk $0xffff, v39  }
0x200: {  	[tilespmem:s17+$0xA450] =	vst.add.f32.msk $0xffff, v40  }
0x201: {  	[tilespmem:s17+$0xA460] =	vst.add.f32.msk $0xffff, v41  }
0x202: {  	[tilespmem:s17+$0xA470] =	vst.add.f32.msk $0xffff, v42  }
0x203: {  	[tilespmem:s17+$0xA800] =	vst.add.f32.msk $0xffff, v43  }
0x204: {  	[tilespmem:s17+$0xA810] =	vst.add.f32.msk $0xffff, v44  }
0x205: {  	s18 =	simm.s32 $0x2;
	s7 =	simm.s32 $0x0;
	[tilespmem:s17+$0xA820] =	vst.add.f32.msk $0xffff, v45  }
.LBB2_6:
0x206: {  	p2 =	sne.s32 s18, $0x1F;
	s7 =	smul.u32 $0x6000, s7;
	[tilespmem:s17+$0xA830] =	vst.add.f32.msk $0xffff, v46  }
0x207: {  	s16 =	sadd.s32 $0x80, s16;
	[tilespmem:s17+$0xA840] =	vst.add.f32.msk $0xffff, v47  }
0x208: {  	s8 =	sand.u32 $0x380, s16;
	s7 =	sshra.s32 s7, $0x2;
	[tilespmem:s17+$0xA850] =	vst.add.f32.msk $0xffff, v48  }
0x209: {  	[tilespmem:s17+$0xA860] =	vst.add.f32.msk $0xffff, v49;
	s17 =	sor.u32 s8, s7  }
0x20a: {  	[tilespmem:s17+$0xA870] =	vst.add.f32.msk $0xffff, v50  }
0x20b: {  	[tilespmem:s17+$0x9400] =	vst.add.f32.msk $0xffff, v3  }
0x20c: {  	[tilespmem:s17+$0x9410] =	vst.add.f32.msk $0xffff, v4  }
0x20d: {  	[tilespmem:s17+$0x9420] =	vst.add.f32.msk $0xffff, v5  }
0x20e: {  	[tilespmem:s17+$0x9430] =	vst.add.f32.msk $0xffff, v6  }
0x20f: {  	[tilespmem:s17+$0x9440] =	vst.add.f32.msk $0xffff, v7  }
0x210: {  	[tilespmem:s17+$0x9450] =	vst.add.f32.msk $0xffff, v8  }
0x211: {  	[tilespmem:s17+$0x9460] =	vst.add.f32.msk $0xffff, v9  }
0x212: {  	[tilespmem:s17+$0x9470] =	vst.add.f32.msk $0xffff, v10  }
0x213: {  	[tilespmem:s17+$0x9800] =	vst.add.f32.msk $0xffff, v11  }
0x214: {  	[tilespmem:s17+$0x9810] =	vst.add.f32.msk $0xffff, v12  }
0x215: {  	[tilespmem:s17+$0x9820] =	vst.add.f32.msk $0xffff, v13  }
0x216: {  	[tilespmem:s17+$0x9830] =	vst.add.f32.msk $0xffff, v14  }
0x217: {  	[tilespmem:s17+$0x9840] =	vst.add.f32.msk $0xffff, v15  }
0x218: {  	[tilespmem:s17+$0x9850] =	vst.add.f32.msk $0xffff, v16  }
0x219: {  	[tilespmem:s17+$0x9860] =	vst.add.f32.msk $0xffff, v17  }
0x21a: {  	[tilespmem:s17+$0x9870] =	vst.add.f32.msk $0xffff, v18  }
0x21b: {  	[tilespmem:s17+$0x9C00] =	vst.add.f32.msk $0xffff, v19  }
0x21c: {  	[tilespmem:s17+$0x9C10] =	vst.add.f32.msk $0xffff, v20  }
0x21d: {  	[tilespmem:s17+$0x9C20] =	vst.add.f32.msk $0xffff, v21  }
0x21e: {  	[tilespmem:s17+$0x9C30] =	vst.add.f32.msk $0xffff, v22  }
0x21f: {  	[tilespmem:s17+$0x9C40] =	vst.add.f32.msk $0xffff, v23  }
0x220: {  	[tilespmem:s17+$0x9C50] =	vst.add.f32.msk $0xffff, v24  }
0x221: {  	[tilespmem:s17+$0x9C60] =	vst.add.f32.msk $0xffff, v25  }
0x222: {  	[tilespmem:s17+$0x9C70] =	vst.add.f32.msk $0xffff, v26  }
0x223: {  	[tilespmem:s17+$0xA000] =	vst.add.f32.msk $0xffff, v27  }
0x224: {  	[tilespmem:s17+$0xA010] =	vst.add.f32.msk $0xffff, v28  }
0x225: {  	[tilespmem:s17+$0xA020] =	vst.add.f32.msk $0xffff, v29  }
0x226: {  	[tilespmem:s17+$0xA030] =	vst.add.f32.msk $0xffff, v30  }
0x227: {  	[tilespmem:s17+$0xA040] =	vst.add.f32.msk $0xffff, v31  }
0x228: {  	[tilespmem:s17+$0xA050] =	vst.add.f32.msk $0xffff, v32  }
0x229: {  	[tilespmem:s17+$0xA060] =	vst.add.f32.msk $0xffff, v33  }
0x22a: {  	[tilespmem:s17+$0xA070] =	vst.add.f32.msk $0xffff, v34  }
0x22b: {  	[tilespmem:s17+$0xA400] =	vst.add.f32.msk $0xffff, v35  }
0x22c: {  	[tilespmem:s17+$0xA410] =	vst.add.f32.msk $0xffff, v36  }
0x22d: {  	[tilespmem:s17+$0xA420] =	vst.add.f32.msk $0xffff, v37  }
0x22e: {  	[tilespmem:s17+$0xA430] =	vst.add.f32.msk $0xffff, v38  }
0x22f: {  	[tilespmem:s17+$0xA440] =	vst.add.f32.msk $0xffff, v39  }
0x230: {  	[tilespmem:s17+$0xA450] =	vst.add.f32.msk $0xffff, v40  }
.Ltmp6:
0x231: {  	[tilespmem:s17+$0xA460] =	vst.add.f32.msk $0xffff, v41;
	(pc) =	sbr.rel @p2 .LBB2_6-.Ltmp6, $4  }
0x232: {  	[tilespmem:s17+$0xA470] =	vst.add.f32.msk $0xffff, v42  }
0x233: {  	[tilespmem:s17+$0xA800] =	vst.add.f32.msk $0xffff, v43  }
0x234: {  	[tilespmem:s17+$0xA810] =	vst.add.f32.msk $0xffff, v44  }
0x235: {  	s7 =	sshrl.u32 s18, $0x3;
	s18 =	sadd.s32 $0x1, s18;
	[tilespmem:s17+$0xA820] =	vst.add.f32.msk $0xffff, v45  }
0x236: {  	s7 =	smul.u32 $0x6000, s7;
	[tilespmem:s17+$0xA830] =	vst.add.f32.msk $0xffff, v46  }
0x237: {  	[tilespmem:s17+$0xA840] =	vst.add.f32.msk $0xffff, v47;
	s8 =	sadd.s32 $0x80, s16  }
0x238: {  	[tilespmem:s17+$0xA850] =	vst.add.f32.msk $0xffff, v48;
	s8 =	sand.u32 $0x380, s8;
	s7 =	sshra.s32 s7, $0x2  }
0x239: {  	[tilespmem:s17+$0xA860] =	vst.add.f32.msk $0xffff, v49;
	s7 =	sor.u32 s8, s7  }
0x23a: {  	[tilespmem:s7+$0xA870] =	vst.add.f32.msk $0xffff, v50  }
0x23b: {  	[tilespmem:s7+$0x9400] =	vst.add.f32.msk $0xffff, v3  }
0x23c: {  	[tilespmem:s7+$0x9410] =	vst.add.f32.msk $0xffff, v4  }
0x23d: {  	[tilespmem:s7+$0x9420] =	vst.add.f32.msk $0xffff, v5  }
0x23e: {  	[tilespmem:s7+$0x9430] =	vst.add.f32.msk $0xffff, v6  }
0x23f: {  	[tilespmem:s7+$0x9440] =	vst.add.f32.msk $0xffff, v7  }
0x240: {  	[tilespmem:s7+$0x9450] =	vst.add.f32.msk $0xffff, v8  }
0x241: {  	[tilespmem:s7+$0x9460] =	vst.add.f32.msk $0xffff, v9  }
0x242: {  	[tilespmem:s7+$0x9470] =	vst.add.f32.msk $0xffff, v10  }
0x243: {  	[tilespmem:s7+$0x9800] =	vst.add.f32.msk $0xffff, v11  }
0x244: {  	[tilespmem:s7+$0x9810] =	vst.add.f32.msk $0xffff, v12  }
0x245: {  	[tilespmem:s7+$0x9820] =	vst.add.f32.msk $0xffff, v13  }
0x246: {  	[tilespmem:s7+$0x9830] =	vst.add.f32.msk $0xffff, v14  }
0x247: {  	[tilespmem:s7+$0x9840] =	vst.add.f32.msk $0xffff, v15  }
0x248: {  	[tilespmem:s7+$0x9850] =	vst.add.f32.msk $0xffff, v16  }
0x249: {  	[tilespmem:s7+$0x9860] =	vst.add.f32.msk $0xffff, v17  }
0x24a: {  	[tilespmem:s7+$0x9870] =	vst.add.f32.msk $0xffff, v18  }
0x24b: {  	[tilespmem:s7+$0x9C00] =	vst.add.f32.msk $0xffff, v19  }
0x24c: {  	[tilespmem:s7+$0x9C10] =	vst.add.f32.msk $0xffff, v20  }
0x24d: {  	[tilespmem:s7+$0x9C20] =	vst.add.f32.msk $0xffff, v21  }
0x24e: {  	[tilespmem:s7+$0x9C30] =	vst.add.f32.msk $0xffff, v22  }
0x24f: {  	[tilespmem:s7+$0x9C40] =	vst.add.f32.msk $0xffff, v23  }
0x250: {  	[tilespmem:s7+$0x9C50] =	vst.add.f32.msk $0xffff, v24  }
0x251: {  	[tilespmem:s7+$0x9C60] =	vst.add.f32.msk $0xffff, v25  }
0x252: {  	[tilespmem:s7+$0x9C70] =	vst.add.f32.msk $0xffff, v26  }
0x253: {  	[tilespmem:s7+$0xA000] =	vst.add.f32.msk $0xffff, v27  }
0x254: {  	[tilespmem:s7+$0xA010] =	vst.add.f32.msk $0xffff, v28  }
0x255: {  	[tilespmem:s7+$0xA020] =	vst.add.f32.msk $0xffff, v29  }
0x256: {  	[tilespmem:s7+$0xA030] =	vst.add.f32.msk $0xffff, v30  }
0x257: {  	[tilespmem:s7+$0xA040] =	vst.add.f32.msk $0xffff, v31  }
0x258: {  	[tilespmem:s7+$0xA050] =	vst.add.f32.msk $0xffff, v32  }
0x259: {  	[tilespmem:s7+$0xA060] =	vst.add.f32.msk $0xffff, v33  }
0x25a: {  	[tilespmem:s7+$0xA070] =	vst.add.f32.msk $0xffff, v34  }
0x25b: {  	[tilespmem:s7+$0xA400] =	vst.add.f32.msk $0xffff, v35  }
0x25c: {  	[tilespmem:s7+$0xA410] =	vst.add.f32.msk $0xffff, v36  }
0x25d: {  	[tilespmem:s7+$0xA420] =	vst.add.f32.msk $0xffff, v37  }
0x25e: {  	[tilespmem:s7+$0xA430] =	vst.add.f32.msk $0xffff, v38  }
0x25f: {  	[tilespmem:s7+$0xA440] =	vst.add.f32.msk $0xffff, v39  }
0x260: {  	[tilespmem:s7+$0xA450] =	vst.add.f32.msk $0xffff, v40  }
0x261: {  	[tilespmem:s7+$0xA460] =	vst.add.f32.msk $0xffff, v41  }
0x262: {  	[tilespmem:s7+$0xA470] =	vst.add.f32.msk $0xffff, v42  }
0x263: {  	[tilespmem:s7+$0xA800] =	vst.add.f32.msk $0xffff, v43  }
0x264: {  	[tilespmem:s7+$0xA810] =	vst.add.f32.msk $0xffff, v44  }
0x265: {  	[tilespmem:s7+$0xA820] =	vst.add.f32.msk $0xffff, v45  }
0x266: {  	s25 =	sshrl.u32 s15, $0x3;
	[tilespmem:s7+$0xA830] =	vst.add.f32.msk $0xffff, v46  }
0x267: {  	s8 =	smul.u32 $0x300, s25;
	[tilespmem:s7+$0xA840] =	vst.add.f32.msk $0xffff, v47  }
0x268: {  	[tilespmem:s7+$0xA850] =	vst.add.f32.msk $0xffff, v48  }
0x269: {  	[tilespmem:s7+$0xA860] =	vst.add.f32.msk $0xffff, v49;
	s28 =	sadd.s32 s3, s8  }
0x26a: {  	[hbm4b:s28+s4] =	stream.linear.scatter [tilespmem:s26], [sflag:$0x6], $0x6000, $0x38;
	[tilespmem:$0x1B400] =	vst v63  }
.LBB2_8:
0x26b: {  	p2 =	seq.s32 s1, $0x13  }
0x26c: {  	s7 =	simm.s32 @!p2 $0x5  }
0x26d: {  	_ =	swait.ge @!p2 [sflag:s7], $0x6000  }
0x26e: {  	s8 =	sshll.u32 @!p2 s1, $0x9;
	[sflag:s7] =	ssyncset.done @!p2 $0x0  }
0x26f: {  	[sflag:s7] =	ssyncadd.s32 @!p2 $0xFFFFA000;
	s7 =	sand.u32 @!p2 $0x3FFFFE00, s8  }
0x270: {  	v3 =	vld @!p2 [tilespmem:s7+$0x200];
	_ =	sdelay $0x4  }
0x271: {  	v4 =	vshrl.u32 @!p2 v3, $0x3  }
0x272: {  	v4 =	vmul.u32 @!p2 $0x30, v4  }
0x273: {  	v5 =	vlaneseq.u32 @!p2;
	v3 =	vand.u32 @!p2 $0x7, v3  }
0x274: {  	v6 =	vshrl.u32 @!p2 v5, $0x3;
	v3 =	vor.u32 @!p2 v3, v4;
	v4 =	vand.u32 @!p2 $0x7, v5  }
0x275: {  	v6 =	vmul.u32 @!p2 $0x8, v6;
	v7 =	vperm.xlane @!p2 v3, v4;
	_ =	sdelay $0x1  }
0x276: {  	v7 =	vadd.s32 @!p2 v6, v7;
	_ =	sdelay $0x2  }
0x277: {  	v5 =	vor.u32 @!p2 $0x8, v5  }
0x278: {  	vm1 =	vmmov @!p2 $0xffff;
	s11 =	simm.s32 @!p2 $0x3400;
	s8 =	simm.s32 @!p2 $0x0;
	v3 =	vperm.xlane @!p2 v3, v5  }
0x279: {  	[tilespmem:s11], [sflag:$0x1] =	stream.indirect_vreg.gather @!p2 [hbm4b:s2+s8], $0x80, v7, vm1, $0xb8;
	[tilespmem:$0x1B400] =	vst v63  }
0x27a: {  	v3 =	vadd.s32 @!p2 v6, v3;
	s11 =	simm.s32 @!p2 $0x3C00  }
0x27b: {  	[tilespmem:s11], [sflag:$0x1] =	stream.indirect_vreg.gather @!p2 [hbm4b:s9+s8], $0x80, v7, vm1, $0xb8;
	[tilespmem:$0x1B400] =	vst v63  }
0x27c: {  	s11 =	simm.s32 @!p2 $0x4400  }
0x27d: {  	[tilespmem:s11], [sflag:$0x1] =	stream.indirect_vreg.gather @!p2 [hbm4b:s10+s8], $0x80, v7, vm1, $0xb8;
	[tilespmem:$0x1B400] =	vst v63  }
0x27e: {  	s11 =	simm.s32 @!p2 $0x4C00  }
0x27f: {  	[tilespmem:s11], [sflag:$0x1] =	stream.indirect_vreg.gather @!p2 [hbm4b:s2+s8], $0x80, v3, vm1, $0xb8;
	[tilespmem:$0x1B400] =	vst v63  }
0x280: {  	s11 =	simm.s32 @!p2 $0x5400  }
0x281: {  	[tilespmem:s11], [sflag:$0x1] =	stream.indirect_vreg.gather @!p2 [hbm4b:s9+s8], $0x80, v3, vm1, $0xb8;
	[tilespmem:$0x1B400] =	vst v63  }
0x282: {  	s11 =	simm.s32 @!p2 $0x5C00  }
0x283: {  	[tilespmem:s11], [sflag:$0x1] =	stream.indirect_vreg.gather @!p2 [hbm4b:s10+s8], $0x80, v3, vm1, $0xb8;
	[tilespmem:$0x1B400] =	vst v63  }
0x284: {  	v3 =	vld @!p2 [tilespmem:s7+$0x210];
	_ =	sdelay $0x4  }
0x285: {  	v7 =	vshrl.u32 @!p2 v3, $0x3  }
0x286: {  	v7 =	vmul.u32 @!p2 $0x30, v7  }
0x287: {  	v3 =	vand.u32 @!p2 $0x7, v3  }
0x288: {  	v3 =	vor.u32 @!p2 v3, v7  }
0x289: {  	v4 =	vperm.xlane @!p2 v3, v4;
	_ =	sdelay $0x1  }
0x28a: {  	v4 =	vadd.s32 @!p2 v6, v4;
	_ =	sdelay $0x3  }
0x28b: {  	s7 =	simm.s32 @!p2 $0x6400;
	v3 =	vperm.xlane @!p2 v3, v5  }
0x28c: {  	[tilespmem:s7], [sflag:$0x1] =	stream.indirect_vreg.gather @!p2 [hbm4b:s2+s8], $0x80, v4, vm1, $0xb8;
	[tilespmem:$0x1B400] =	vst v63  }
0x28d: {  	v3 =	vadd.s32 @!p2 v6, v3;
	s7 =	simm.s32 @!p2 $0x6C00  }
0x28e: {  	[tilespmem:s7], [sflag:$0x1] =	stream.indirect_vreg.gather @!p2 [hbm4b:s9+s8], $0x80, v4, vm1, $0xb8;
	[tilespmem:$0x1B400] =	vst v63  }
0x28f: {  	s7 =	simm.s32 @!p2 $0x7400  }
0x290: {  	[tilespmem:s7], [sflag:$0x1] =	stream.indirect_vreg.gather @!p2 [hbm4b:s10+s8], $0x80, v4, vm1, $0xb8;
	[tilespmem:$0x1B400] =	vst v63  }
0x291: {  	s7 =	simm.s32 @!p2 $0x7C00  }
0x292: {  	[tilespmem:s7], [sflag:$0x1] =	stream.indirect_vreg.gather @!p2 [hbm4b:s2+s8], $0x80, v3, vm1, $0xb8;
	[tilespmem:$0x1B400] =	vst v63  }
.Ltmp7:
0x293: {  	_ = 	snop;
	(pc) =	sbr.rel @p0 .LBB2_12-.Ltmp7, $4  }
0x294: {  	s7 =	simm.s32 @!p2 $0x8400  }
0x295: {  	[tilespmem:s7], [sflag:$0x1] =	stream.indirect_vreg.gather @!p2 [hbm4b:s9+s8], $0x80, v3, vm1, $0xb8;
	[tilespmem:$0x1B400] =	vst v63  }
0x296: {  	s7 =	simm.s32 @!p2 $0x8C00  }
0x297: {  	[tilespmem:s7], [sflag:$0x1] =	stream.indirect_vreg.gather @!p2 [hbm4b:s10+s8], $0x80, v3, vm1, $0xb8;
	[tilespmem:$0x1B400] =	vst v63  }
0x298: {  	s0 =	sshll.u32 s0, $0x5  }
0x299: {  	s0 =	sadd.s32 s5, s0  }
0x29a: {  	s7 =	sshrl.u32 s0, $0xA  }
0x29b: {  	s7 =	ssub.s32 s7, s6  }
0x29c: {  	s8 =	sshrl.u32 s7, $0x2  }
0x29d: {  	s8 =	smul.u32 $0x3000, s8  }
0x29e: {  	_ =	swait.ge [sflag:s21], $0x6000;
	s7 =	sshll.u32 s7, $0x7  }
0x29f: {  	[sflag:s21] =	ssyncset.done $0x0;
	s7 =	sand.u32 $0x180, s7;
	s8 =	sshra.s32 s8, $0x2  }
0x2a0: {  	[sflag:s21] =	ssyncadd.s32 $0xFFFFA000;
	s7 =	sor.u32 s7, s8  }
0x2a1: {  	v3 =	vld [tilespmem:s7+$0x2800]  }
0x2a2: {  	v4 =	vld [tilespmem:s7+$0x2810]  }
0x2a3: {  	v5 =	vld [tilespmem:s7+$0x2820]  }
0x2a4: {  	v6 =	vld [tilespmem:s7+$0x2830]  }
0x2a5: {  	v7 =	vld [tilespmem:s7+$0x2840]  }
0x2a6: {  	v8 =	vld [tilespmem:s7+$0x2850]  }
0x2a7: {  	v9 =	vld [tilespmem:s7+$0x2860]  }
0x2a8: {  	v10 =	vld [tilespmem:s7+$0x2870]  }
0x2a9: {  	v11 =	vld [tilespmem:s7+$0x2A00]  }
0x2aa: {  	v12 =	vld [tilespmem:s7+$0x2A10]  }
0x2ab: {  	v13 =	vld [tilespmem:s7+$0x2A20]  }
0x2ac: {  	v14 =	vld [tilespmem:s7+$0x2A30]  }
0x2ad: {  	v15 =	vld [tilespmem:s7+$0x2A40]  }
0x2ae: {  	v16 =	vld [tilespmem:s7+$0x2A50]  }
0x2af: {  	v17 =	vld [tilespmem:s7+$0x2A60]  }
0x2b0: {  	v18 =	vld [tilespmem:s7+$0x2A70]  }
0x2b1: {  	v19 =	vld [tilespmem:s7+$0x2C00]  }
0x2b2: {  	v20 =	vld [tilespmem:s7+$0x2C10]  }
0x2b3: {  	v21 =	vld [tilespmem:s7+$0x2C20]  }
0x2b4: {  	v22 =	vld [tilespmem:s7+$0x2C30]  }
0x2b5: {  	v23 =	vld [tilespmem:s7+$0x2C40]  }
0x2b6: {  	v24 =	vld [tilespmem:s7+$0x2C50]  }
0x2b7: {  	v25 =	vld [tilespmem:s7+$0x2C60]  }
0x2b8: {  	v26 =	vld [tilespmem:s7+$0x2C70]  }
0x2b9: {  	v27 =	vld [tilespmem:s7+$0x2E00]  }
0x2ba: {  	v28 =	vld [tilespmem:s7+$0x2E10]  }
0x2bb: {  	v29 =	vld [tilespmem:s7+$0x2E20]  }
0x2bc: {  	v30 =	vld [tilespmem:s7+$0x2E30]  }
0x2bd: {  	v31 =	vld [tilespmem:s7+$0x2E40]  }
0x2be: {  	v32 =	vld [tilespmem:s7+$0x2E50]  }
0x2bf: {  	v33 =	vld [tilespmem:s7+$0x2E60]  }
0x2c0: {  	v34 =	vld [tilespmem:s7+$0x2E70]  }
0x2c1: {  	v35 =	vld [tilespmem:s7+$0x3000]  }
0x2c2: {  	v36 =	vld [tilespmem:s7+$0x3010]  }
0x2c3: {  	v37 =	vld [tilespmem:s7+$0x3020]  }
0x2c4: {  	v38 =	vld [tilespmem:s7+$0x3030]  }
0x2c5: {  	v39 =	vld [tilespmem:s7+$0x3040]  }
0x2c6: {  	v40 =	vld [tilespmem:s7+$0x3050]  }
0x2c7: {  	v41 =	vld [tilespmem:s7+$0x3060]  }
0x2c8: {  	v42 =	vld [tilespmem:s7+$0x3070]  }
0x2c9: {  	v43 =	vld [tilespmem:s7+$0x3200]  }
0x2ca: {  	v45 =	vld [tilespmem:s7+$0x3210]  }
0x2cb: {  	v48 =	vld [tilespmem:s7+$0x3220]  }
0x2cc: {  	s25 =	simm.s32 $0x0;
	v46 =	vld [tilespmem:s7+$0x3230]  }
0x2cd: {  	s8 =	smul.u32 $0x6000, s25;
	v49 =	vld [tilespmem:s7+$0x3240]  }
0x2ce: {  	s15 =	simm.s32 $0x0;
	v47 =	vld [tilespmem:s7+$0x3250]  }
0x2cf: {  	s11 =	sand.u32 $0x380, s15;
	v44 =	vld [tilespmem:s7+$0x3260];
	s8 =	sshra.s32 s8, $0x2  }
0x2d0: {  	v50 =	vld [tilespmem:s7+$0x3270];
	s7 =	sor.u32 s11, s8  }
0x2d1: {  	[tilespmem:s7+$0x10000] =	vst.add.f32.msk $0xffff, v27  }
0x2d2: {  	[tilespmem:s7+$0xFC50] =	vst.add.f32.msk $0xffff, v24  }
0x2d3: {  	[tilespmem:s7+$0xFC70] =	vst.add.f32.msk $0xffff, v26  }
0x2d4: {  	[tilespmem:s7+$0xFC60] =	vst.add.f32.msk $0xffff, v25  }
0x2d5: {  	[tilespmem:s7+$0xFC40] =	vst.add.f32.msk $0xffff, v23  }
0x2d6: {  	[tilespmem:s7+$0xFC30] =	vst.add.f32.msk $0xffff, v22  }
0x2d7: {  	[tilespmem:s7+$0xFC20] =	vst.add.f32.msk $0xffff, v21  }
0x2d8: {  	[tilespmem:s7+$0xFC10] =	vst.add.f32.msk $0xffff, v20  }
0x2d9: {  	[tilespmem:s7+$0xFC00] =	vst.add.f32.msk $0xffff, v19  }
0x2da: {  	[tilespmem:s7+$0xF870] =	vst.add.f32.msk $0xffff, v18  }
0x2db: {  	[tilespmem:s7+$0xF860] =	vst.add.f32.msk $0xffff, v17  }
0x2dc: {  	[tilespmem:s7+$0xF810] =	vst.add.f32.msk $0xffff, v12  }
0x2dd: {  	[tilespmem:s7+$0xF850] =	vst.add.f32.msk $0xffff, v16  }
0x2de: {  	[tilespmem:s7+$0xF840] =	vst.add.f32.msk $0xffff, v15  }
0x2df: {  	[tilespmem:s7+$0xF830] =	vst.add.f32.msk $0xffff, v14  }
0x2e0: {  	[tilespmem:s7+$0xF470] =	vst.add.f32.msk $0xffff, v10  }
0x2e1: {  	[tilespmem:s7+$0xF800] =	vst.add.f32.msk $0xffff, v11  }
0x2e2: {  	[tilespmem:s7+$0xF820] =	vst.add.f32.msk $0xffff, v13  }
0x2e3: {  	[tilespmem:s7+$0xF460] =	vst.add.f32.msk $0xffff, v9  }
0x2e4: {  	[tilespmem:s7+$0xF450] =	vst.add.f32.msk $0xffff, v8  }
0x2e5: {  	[tilespmem:s7+$0xF440] =	vst.add.f32.msk $0xffff, v7  }
0x2e6: {  	[tilespmem:s7+$0xF430] =	vst.add.f32.msk $0xffff, v6  }
0x2e7: {  	[tilespmem:s7+$0xF420] =	vst.add.f32.msk $0xffff, v5  }
0x2e8: {  	s8 =	sadd.s32 $0x10000, s7;
	[tilespmem:s7+$0xF410] =	vst.add.f32.msk $0xffff, v4  }
0x2e9: {  	s28 =	sor.u32 $0x10, s8;
	[tilespmem:s7+$0xF400] =	vst.add.f32.msk $0xffff, v3  }
0x2ea: {  	s16 =	sor.u32 $0x20, s8;
	[tilespmem:s28+$0x0] =	vst.add.f32.msk $0xffff, v28  }
0x2eb: {  	s17 =	sor.u32 $0x30, s8;
	[tilespmem:s16+$0x0] =	vst.add.f32.msk $0xffff, v29  }
0x2ec: {  	s18 =	sor.u32 $0x40, s8;
	[tilespmem:s17+$0x0] =	vst.add.f32.msk $0xffff, v30  }
0x2ed: {  	s25 =	sor.u32 $0x50, s8;
	[tilespmem:s18+$0x0] =	vst.add.f32.msk $0xffff, v31  }
0x2ee: {  	s28 =	sor.u32 $0x60, s8;
	[tilespmem:s25+$0x0] =	vst.add.f32.msk $0xffff, v32  }
0x2ef: {  	s8 =	sor.u32 $0x70, s8;
	[tilespmem:s28+$0x0] =	vst.add.f32.msk $0xffff, v33  }
0x2f0: {  	s11 =	sadd.s32 $0x10400, s7;
	[tilespmem:s8+$0x0] =	vst.add.f32.msk $0xffff, v34  }
0x2f1: {  	s17 =	sor.u32 $0x10, s11;
	[tilespmem:s7+$0x10400] =	vst.add.f32.msk $0xffff, v35  }
0x2f2: {  	s18 =	sor.u32 $0x20, s11;
	[tilespmem:s17+$0x0] =	vst.add.f32.msk $0xffff, v36  }
0x2f3: {  	s25 =	sor.u32 $0x30, s11;
	[tilespmem:s18+$0x0] =	vst.add.f32.msk $0xffff, v37  }
0x2f4: {  	s28 =	sor.u32 $0x40, s11;
	[tilespmem:s25+$0x0] =	vst.add.f32.msk $0xffff, v38  }
0x2f5: {  	s17 =	sor.u32 $0x50, s11;
	[tilespmem:s28+$0x0] =	vst.add.f32.msk $0xffff, v39  }
0x2f6: {  	s18 =	sor.u32 $0x60, s11;
	[tilespmem:s17+$0x0] =	vst.add.f32.msk $0xffff, v40  }
0x2f7: {  	s25 =	sor.u32 $0x70, s11;
	[tilespmem:s18+$0x0] =	vst.add.f32.msk $0xffff, v41  }
0x2f8: {  	s16 =	sadd.s32 $0x10800, s7;
	[tilespmem:s25+$0x0] =	vst.add.f32.msk $0xffff, v42  }
0x2f9: {  	s28 =	sor.u32 $0x10, s16;
	[tilespmem:s7+$0x10800] =	vst.add.f32.msk $0xffff, v43  }
0x2fa: {  	s8 =	sor.u32 $0x40, s16;
	s18 =	sor.u32 $0x20, s16;
	[tilespmem:s28+$0x0] =	vst.add.f32.msk $0xffff, v45  }
0x2fb: {  	s11 =	sor.u32 $0x30, s16;
	s17 =	sor.u32 $0x50, s16;
	s7 =	simm.s32 $0x1;
	[tilespmem:s18+$0x0] =	vst.add.f32.msk $0xffff, v48  }
.LBB2_10:
0x2fc: {  	s25 =	sshrl.u32 s7, $0x3  }
0x2fd: {  	[tilespmem:s11+$0x0] =	vst.add.f32.msk $0xffff, v46;
	s15 =	sadd.s32 $0x80, s15;
	s11 =	smov.u32 s7;
	s18 =	sadd.s32 $0x1, s7  }
0x2fe: {  	p0 =	sne.s32 s7, $0x1F;
	s7 =	sor.u32 $0x60, s16;
	s11 =	smul.u32 $0x6000, s25;
	[tilespmem:s8+$0x0] =	vst.add.f32.msk $0xffff, v49  }
0x2ff: {  	s8 =	sor.u32 $0x70, s16;
	[tilespmem:s17+$0x0] =	vst.add.f32.msk $0xffff, v47  }
0x300: {  	s16 =	sand.u32 $0x380, s15;
	s11 =	sshra.s32 s11, $0x2;
	[tilespmem:s7+$0x0] =	vst.add.f32.msk $0xffff, v44  }
0x301: {  	s7 =	sor.u32 s16, s11;
	[tilespmem:s8+$0x0] =	vst.add.f32.msk $0xffff, v50  }
0x302: {  	s11 =	sadd.s32 $0x10000, s7;
	[tilespmem:s7+$0x10000] =	vst.add.f32.msk $0xffff, v27;
	s8 =	sadd.s32 $0x10400, s7;
	s16 =	sadd.s32 $0x10800, s7  }
0x303: {  	[tilespmem:s7+$0xFC50] =	vst.add.f32.msk $0xffff, v24;
	s17 =	sor.u32 $0x50, s16  }
0x304: {  	[tilespmem:s7+$0xFC70] =	vst.add.f32.msk $0xffff, v26  }
0x305: {  	[tilespmem:s7+$0xFC60] =	vst.add.f32.msk $0xffff, v25  }
0x306: {  	[tilespmem:s7+$0xFC40] =	vst.add.f32.msk $0xffff, v23  }
0x307: {  	[tilespmem:s7+$0xFC30] =	vst.add.f32.msk $0xffff, v22  }
0x308: {  	[tilespmem:s7+$0xFC20] =	vst.add.f32.msk $0xffff, v21  }
0x309: {  	[tilespmem:s7+$0xFC10] =	vst.add.f32.msk $0xffff, v20  }
0x30a: {  	[tilespmem:s7+$0xFC00] =	vst.add.f32.msk $0xffff, v19  }
0x30b: {  	[tilespmem:s7+$0xF870] =	vst.add.f32.msk $0xffff, v18  }
0x30c: {  	[tilespmem:s7+$0xF860] =	vst.add.f32.msk $0xffff, v17  }
0x30d: {  	[tilespmem:s7+$0xF810] =	vst.add.f32.msk $0xffff, v12  }
0x30e: {  	[tilespmem:s7+$0xF850] =	vst.add.f32.msk $0xffff, v16  }
0x30f: {  	[tilespmem:s7+$0xF840] =	vst.add.f32.msk $0xffff, v15  }
0x310: {  	[tilespmem:s7+$0xF830] =	vst.add.f32.msk $0xffff, v14  }
0x311: {  	[tilespmem:s7+$0xF470] =	vst.add.f32.msk $0xffff, v10  }
0x312: {  	[tilespmem:s7+$0xF800] =	vst.add.f32.msk $0xffff, v11  }
0x313: {  	[tilespmem:s7+$0xF820] =	vst.add.f32.msk $0xffff, v13  }
0x314: {  	[tilespmem:s7+$0xF460] =	vst.add.f32.msk $0xffff, v9  }
0x315: {  	[tilespmem:s7+$0xF450] =	vst.add.f32.msk $0xffff, v8  }
0x316: {  	[tilespmem:s7+$0xF440] =	vst.add.f32.msk $0xffff, v7  }
0x317: {  	[tilespmem:s7+$0xF430] =	vst.add.f32.msk $0xffff, v6  }
0x318: {  	[tilespmem:s7+$0xF420] =	vst.add.f32.msk $0xffff, v5  }
0x319: {  	s25 =	sor.u32 $0x10, s11;
	[tilespmem:s7+$0xF410] =	vst.add.f32.msk $0xffff, v4  }
0x31a: {  	s28 =	sor.u32 $0x20, s11;
	[tilespmem:s7+$0xF400] =	vst.add.f32.msk $0xffff, v3  }
0x31b: {  	[tilespmem:s25+$0x0] =	vst.add.f32.msk $0xffff, v28;
	s25 =	sor.u32 $0x30, s11  }
0x31c: {  	[tilespmem:s28+$0x0] =	vst.add.f32.msk $0xffff, v29;
	s28 =	sor.u32 $0x40, s11  }
0x31d: {  	[tilespmem:s25+$0x0] =	vst.add.f32.msk $0xffff, v30;
	s25 =	sor.u32 $0x50, s11  }
0x31e: {  	[tilespmem:s28+$0x0] =	vst.add.f32.msk $0xffff, v31;
	s28 =	sor.u32 $0x60, s11  }
0x31f: {  	s11 =	sor.u32 $0x70, s11;
	[tilespmem:s25+$0x0] =	vst.add.f32.msk $0xffff, v32  }
0x320: {  	[tilespmem:s28+$0x0] =	vst.add.f32.msk $0xffff, v33  }
0x321: {  	[tilespmem:s11+$0x0] =	vst.add.f32.msk $0xffff, v34;
	s11 =	sor.u32 $0x10, s8  }
0x322: {  	s25 =	sor.u32 $0x20, s8;
	[tilespmem:s7+$0x10400] =	vst.add.f32.msk $0xffff, v35  }
0x323: {  	[tilespmem:s11+$0x0] =	vst.add.f32.msk $0xffff, v36;
	s11 =	sor.u32 $0x30, s8  }
0x324: {  	[tilespmem:s25+$0x0] =	vst.add.f32.msk $0xffff, v37;
	s25 =	sor.u32 $0x40, s8  }
0x325: {  	[tilespmem:s11+$0x0] =	vst.add.f32.msk $0xffff, v38;
	s11 =	sor.u32 $0x50, s8  }
0x326: {  	[tilespmem:s25+$0x0] =	vst.add.f32.msk $0xffff, v39;
	s25 =	sor.u32 $0x60, s8  }
0x327: {  	s8 =	sor.u32 $0x70, s8;
	[tilespmem:s11+$0x0] =	vst.add.f32.msk $0xffff, v40  }
.Ltmp8:
0x328: {  	[tilespmem:s25+$0x0] =	vst.add.f32.msk $0xffff, v41;
	(pc) =	sbr.rel @p0 .LBB2_10-.Ltmp8, $4  }
0x329: {  	[tilespmem:s8+$0x0] =	vst.add.f32.msk $0xffff, v42;
	s8 =	sor.u32 $0x10, s16  }
0x32a: {  	[tilespmem:s7+$0x10800] =	vst.add.f32.msk $0xffff, v43;
	s7 =	sor.u32 $0x20, s16  }
0x32b: {  	s11 =	sor.u32 $0x30, s16;
	[tilespmem:s8+$0x0] =	vst.add.f32.msk $0xffff, v45  }
0x32c: {  	s8 =	sor.u32 $0x40, s16;
	[tilespmem:s7+$0x0] =	vst.add.f32.msk $0xffff, v48;
	s7 =	smov.u32 s18  }
0x32d: {  	[tilespmem:s11+$0x0] =	vst.add.f32.msk $0xffff, v46  }
0x32e: {  	s0 =	sshrl.u32 s0, $0x3;
	[tilespmem:s8+$0x0] =	vst.add.f32.msk $0xffff, v49  }
0x32f: {  	s7 =	sor.u32 $0x60, s16;
	s0 =	smul.u32 $0x300, s0;
	[tilespmem:s17+$0x0] =	vst.add.f32.msk $0xffff, v47  }
0x330: {  	s28 =	sor.u32 $0x70, s16;
	[tilespmem:s7+$0x0] =	vst.add.f32.msk $0xffff, v44  }
0x331: {  	s0 =	sadd.s32 s3, s0;
	[tilespmem:s28+$0x0] =	vst.add.f32.msk $0xffff, v50  }
0x332: {  	[hbm4b:s0+s4] =	stream.linear.scatter [tilespmem:s22], [sflag:$0x7], $0x6000, $0x38;
	[tilespmem:$0x1B400] =	vst v63  }
.LBB2_12:
0x333: {  	p0 =	sgt.u32 s1, $0x11  }
0x334: {  	s0 =	simm.s32 @!p0 $0x6  }
0x335: {  	_ =	swait.ge @!p0 [sflag:s0], $0x6000  }
0x336: {  	s7 =	sshll.u32 @!p0 s1, $0x9;
	[sflag:s0] =	ssyncset.done @!p0 $0x0  }
0x337: {  	[sflag:s0] =	ssyncadd.s32 @!p0 $0xFFFFA000;
	s0 =	sand.u32 @!p0 $0x3FFFFE00, s7  }
0x338: {  	v3 =	vld @!p0 [tilespmem:s0+$0x280];
	_ =	sdelay $0x4  }
0x339: {  	v4 =	vshrl.u32 @!p0 v3, $0x3  }
0x33a: {  	v4 =	vmul.u32 @!p0 $0x30, v4  }
0x33b: {  	v5 =	vlaneseq.u32 @!p0;
	v3 =	vand.u32 @!p0 $0x7, v3  }
0x33c: {  	v6 =	vshrl.u32 @!p0 v5, $0x3;
	v3 =	vor.u32 @!p0 v3, v4;
	v4 =	vand.u32 @!p0 $0x7, v5  }
0x33d: {  	v6 =	vmul.u32 @!p0 $0x8, v6;
	v7 =	vperm.xlane @!p0 v3, v4;
	_ =	sdelay $0x1  }
0x33e: {  	v7 =	vadd.s32 @!p0 v6, v7;
	_ =	sdelay $0x2  }
0x33f: {  	v5 =	vor.u32 @!p0 $0x8, v5  }
0x340: {  	vm1 =	vmmov @!p0 $0xffff;
	s8 =	simm.s32 @!p0 $0x9400;
	s7 =	simm.s32 @!p0 $0x0;
	v3 =	vperm.xlane @!p0 v3, v5  }
0x341: {  	[tilespmem:s8], [sflag:$0x2] =	stream.indirect_vreg.gather @!p0 [hbm4b:s2+s7], $0x80, v7, vm1, $0xb8;
	[tilespmem:$0x1B400] =	vst v63  }
0x342: {  	v3 =	vadd.s32 @!p0 v6, v3;
	s8 =	simm.s32 @!p0 $0x9C00  }
0x343: {  	[tilespmem:s8], [sflag:$0x2] =	stream.indirect_vreg.gather @!p0 [hbm4b:s9+s7], $0x80, v7, vm1, $0xb8;
	[tilespmem:$0x1B400] =	vst v63  }
0x344: {  	s8 =	simm.s32 @!p0 $0xA400  }
0x345: {  	[tilespmem:s8], [sflag:$0x2] =	stream.indirect_vreg.gather @!p0 [hbm4b:s10+s7], $0x80, v7, vm1, $0xb8;
	[tilespmem:$0x1B400] =	vst v63  }
0x346: {  	s8 =	simm.s32 @!p0 $0xAC00  }
0x347: {  	[tilespmem:s8], [sflag:$0x2] =	stream.indirect_vreg.gather @!p0 [hbm4b:s2+s7], $0x80, v3, vm1, $0xb8;
	[tilespmem:$0x1B400] =	vst v63  }
0x348: {  	s8 =	simm.s32 @!p0 $0xB400  }
0x349: {  	[tilespmem:s8], [sflag:$0x2] =	stream.indirect_vreg.gather @!p0 [hbm4b:s9+s7], $0x80, v3, vm1, $0xb8;
	[tilespmem:$0x1B400] =	vst v63  }
0x34a: {  	s8 =	simm.s32 @!p0 $0xBC00  }
0x34b: {  	[tilespmem:s8], [sflag:$0x2] =	stream.indirect_vreg.gather @!p0 [hbm4b:s10+s7], $0x80, v3, vm1, $0xb8;
	[tilespmem:$0x1B400] =	vst v63  }
0x34c: {  	v3 =	vld @!p0 [tilespmem:s0+$0x290];
	_ =	sdelay $0x4  }
0x34d: {  	v7 =	vshrl.u32 @!p0 v3, $0x3  }
0x34e: {  	v7 =	vmul.u32 @!p0 $0x30, v7  }
0x34f: {  	v3 =	vand.u32 @!p0 $0x7, v3  }
0x350: {  	v3 =	vor.u32 @!p0 v3, v7  }
0x351: {  	v4 =	vperm.xlane @!p0 v3, v4;
	_ =	sdelay $0x1  }
0x352: {  	v4 =	vadd.s32 @!p0 v6, v4;
	_ =	sdelay $0x3  }
0x353: {  	s0 =	simm.s32 @!p0 $0xC400;
	v3 =	vperm.xlane @!p0 v3, v5  }
0x354: {  	[tilespmem:s0], [sflag:$0x2] =	stream.indirect_vreg.gather @!p0 [hbm4b:s2+s7], $0x80, v4, vm1, $0xb8;
	[tilespmem:$0x1B400] =	vst v63  }
0x355: {  	v3 =	vadd.s32 @!p0 v6, v3;
	s0 =	simm.s32 @!p0 $0xCC00  }
0x356: {  	[tilespmem:s0], [sflag:$0x2] =	stream.indirect_vreg.gather @!p0 [hbm4b:s9+s7], $0x80, v4, vm1, $0xb8;
	[tilespmem:$0x1B400] =	vst v63  }
0x357: {  	s0 =	simm.s32 @!p0 $0xD400  }
0x358: {  	[tilespmem:s0], [sflag:$0x2] =	stream.indirect_vreg.gather @!p0 [hbm4b:s10+s7], $0x80, v4, vm1, $0xb8;
	[tilespmem:$0x1B400] =	vst v63  }
0x359: {  	s0 =	simm.s32 @!p0 $0xDC00  }
0x35a: {  	[tilespmem:s0], [sflag:$0x2] =	stream.indirect_vreg.gather @!p0 [hbm4b:s2+s7], $0x80, v3, vm1, $0xb8;
	[tilespmem:$0x1B400] =	vst v63  }
.Ltmp9:
0x35b: {  	_ = 	snop;
	(pc) =	sbr.rel @p1 .LBB2_16-.Ltmp9, $4  }
0x35c: {  	s0 =	simm.s32 @!p0 $0xE400  }
0x35d: {  	[tilespmem:s0], [sflag:$0x2] =	stream.indirect_vreg.gather @!p0 [hbm4b:s9+s7], $0x80, v3, vm1, $0xb8;
	[tilespmem:$0x1B400] =	vst v63  }
0x35e: {  	s0 =	simm.s32 @!p0 $0xEC00  }
0x35f: {  	[tilespmem:s0], [sflag:$0x2] =	stream.indirect_vreg.gather @!p0 [hbm4b:s10+s7], $0x80, v3, vm1, $0xb8;
	[tilespmem:$0x1B400] =	vst v63  }
0x360: {  	s0 =	sshll.u32 s13, $0x5  }
0x361: {  	s0 =	sadd.s32 s5, s0  }
0x362: {  	s7 =	sshrl.u32 s0, $0xA  }
0x363: {  	s7 =	ssub.s32 s7, s6  }
0x364: {  	s8 =	sshrl.u32 s7, $0x2  }
0x365: {  	s8 =	smul.u32 $0x3000, s8  }
0x366: {  	_ =	swait.ge [sflag:s23], $0x6000;
	s7 =	sshll.u32 s7, $0x7  }
0x367: {  	[sflag:s23] =	ssyncset.done $0x0;
	s7 =	sand.u32 $0x180, s7;
	s8 =	sshra.s32 s8, $0x2  }
0x368: {  	[sflag:s23] =	ssyncadd.s32 $0xFFFFA000;
	s8 =	sor.u32 s7, s8  }
0x369: {  	v3 =	vld [tilespmem:s8+$0x2800]  }
0x36a: {  	v4 =	vld [tilespmem:s8+$0x2810]  }
0x36b: {  	v5 =	vld [tilespmem:s8+$0x2820]  }
0x36c: {  	v6 =	vld [tilespmem:s8+$0x2830]  }
0x36d: {  	v7 =	vld [tilespmem:s8+$0x2840]  }
0x36e: {  	v8 =	vld [tilespmem:s8+$0x2850]  }
0x36f: {  	v9 =	vld [tilespmem:s8+$0x2860]  }
0x370: {  	v10 =	vld [tilespmem:s8+$0x2870]  }
0x371: {  	v11 =	vld [tilespmem:s8+$0x2A00]  }
0x372: {  	v12 =	vld [tilespmem:s8+$0x2A10]  }
0x373: {  	v13 =	vld [tilespmem:s8+$0x2A20]  }
0x374: {  	v14 =	vld [tilespmem:s8+$0x2A30]  }
0x375: {  	v15 =	vld [tilespmem:s8+$0x2A40]  }
0x376: {  	v16 =	vld [tilespmem:s8+$0x2A50]  }
0x377: {  	v17 =	vld [tilespmem:s8+$0x2A60]  }
0x378: {  	v18 =	vld [tilespmem:s8+$0x2A70]  }
0x379: {  	v19 =	vld [tilespmem:s8+$0x2C00]  }
0x37a: {  	v20 =	vld [tilespmem:s8+$0x2C10]  }
0x37b: {  	v21 =	vld [tilespmem:s8+$0x2C20]  }
0x37c: {  	v22 =	vld [tilespmem:s8+$0x2C30]  }
0x37d: {  	v23 =	vld [tilespmem:s8+$0x2C40]  }
0x37e: {  	v24 =	vld [tilespmem:s8+$0x2C50]  }
0x37f: {  	v25 =	vld [tilespmem:s8+$0x2C60]  }
0x380: {  	v26 =	vld [tilespmem:s8+$0x2C70]  }
0x381: {  	v27 =	vld [tilespmem:s8+$0x2E00]  }
0x382: {  	v28 =	vld [tilespmem:s8+$0x2E10]  }
0x383: {  	v29 =	vld [tilespmem:s8+$0x2E20]  }
0x384: {  	v30 =	vld [tilespmem:s8+$0x2E30]  }
0x385: {  	v31 =	vld [tilespmem:s8+$0x2E40]  }
0x386: {  	v32 =	vld [tilespmem:s8+$0x2E50]  }
0x387: {  	v33 =	vld [tilespmem:s8+$0x2E60]  }
0x388: {  	v34 =	vld [tilespmem:s8+$0x2E70]  }
0x389: {  	v35 =	vld [tilespmem:s8+$0x3000]  }
0x38a: {  	v36 =	vld [tilespmem:s8+$0x3010]  }
0x38b: {  	v37 =	vld [tilespmem:s8+$0x3020]  }
0x38c: {  	v38 =	vld [tilespmem:s8+$0x3030]  }
0x38d: {  	v39 =	vld [tilespmem:s8+$0x3040]  }
0x38e: {  	v40 =	vld [tilespmem:s8+$0x3050]  }
0x38f: {  	v41 =	vld [tilespmem:s8+$0x3060]  }
0x390: {  	v42 =	vld [tilespmem:s8+$0x3070]  }
0x391: {  	v43 =	vld [tilespmem:s8+$0x3200]  }
0x392: {  	v47 =	vld [tilespmem:s8+$0x3210]  }
0x393: {  	s13 =	simm.s32 $0x0;
	v44 =	vld [tilespmem:s8+$0x3220]  }
0x394: {  	s7 =	smul.u32 $0x6000, s13;
	v48 =	vld [tilespmem:s8+$0x3230]  }
0x395: {  	s13 =	simm.s32 $0x0;
	v49 =	vld [tilespmem:s8+$0x3240]  }
0x396: {  	v45 =	vld [tilespmem:s8+$0x3250];
	s11 =	sand.u32 $0x380, s13;
	s7 =	sshra.s32 s7, $0x2  }
0x397: {  	v46 =	vld [tilespmem:s8+$0x3260];
	s7 =	sor.u32 s11, s7  }
0x398: {  	v50 =	vld [tilespmem:s8+$0x3270];
	s8 =	sadd.s32 $0x15400, s7  }
0x399: {  	s15 =	sor.u32 $0x10, s8;
	[tilespmem:s7+$0x15400] =	vst.add.f32.msk $0xffff, v3  }
0x39a: {  	s16 =	sor.u32 $0x20, s8;
	[tilespmem:s15+$0x0] =	vst.add.f32.msk $0xffff, v4  }
0x39b: {  	s17 =	sor.u32 $0x30, s8;
	[tilespmem:s16+$0x0] =	vst.add.f32.msk $0xffff, v5  }
0x39c: {  	s18 =	sor.u32 $0x40, s8;
	[tilespmem:s17+$0x0] =	vst.add.f32.msk $0xffff, v6  }
0x39d: {  	s25 =	sor.u32 $0x50, s8;
	[tilespmem:s18+$0x0] =	vst.add.f32.msk $0xffff, v7  }
0x39e: {  	s28 =	sor.u32 $0x60, s8;
	[tilespmem:s25+$0x0] =	vst.add.f32.msk $0xffff, v8  }
0x39f: {  	s15 =	sor.u32 $0x70, s8;
	[tilespmem:s28+$0x0] =	vst.add.f32.msk $0xffff, v9  }
0x3a0: {  	[tilespmem:s15+$0x0] =	vst.add.f32.msk $0xffff, v10  }
0x3a1: {  	[tilespmem:s8+$0x470] =	vst.add.f32.msk $0xffff, v18  }
0x3a2: {  	[tilespmem:s8+$0x460] =	vst.add.f32.msk $0xffff, v17  }
0x3a3: {  	[tilespmem:s8+$0x450] =	vst.add.f32.msk $0xffff, v16  }
0x3a4: {  	[tilespmem:s8+$0x440] =	vst.add.f32.msk $0xffff, v15  }
0x3a5: {  	[tilespmem:s8+$0x430] =	vst.add.f32.msk $0xffff, v14  }
0x3a6: {  	[tilespmem:s8+$0x410] =	vst.add.f32.msk $0xffff, v12  }
0x3a7: {  	[tilespmem:s8+$0x400] =	vst.add.f32.msk $0xffff, v11  }
0x3a8: {  	s11 =	sadd.s32 $0x15C00, s7;
	[tilespmem:s8+$0x420] =	vst.add.f32.msk $0xffff, v13  }
0x3a9: {  	s16 =	sor.u32 $0x10, s11;
	[tilespmem:s7+$0x15C00] =	vst.add.f32.msk $0xffff, v19  }
0x3aa: {  	s15 =	sor.u32 $0x20, s11;
	[tilespmem:s16+$0x0] =	vst.add.f32.msk $0xffff, v20  }
0x3ab: {  	s17 =	sor.u32 $0x30, s11;
	[tilespmem:s15+$0x0] =	vst.add.f32.msk $0xffff, v21  }
0x3ac: {  	s18 =	sor.u32 $0x40, s11;
	[tilespmem:s17+$0x0] =	vst.add.f32.msk $0xffff, v22  }
0x3ad: {  	s25 =	sor.u32 $0x50, s11;
	[tilespmem:s18+$0x0] =	vst.add.f32.msk $0xffff, v23  }
0x3ae: {  	s28 =	sor.u32 $0x60, s11;
	[tilespmem:s25+$0x0] =	vst.add.f32.msk $0xffff, v24  }
0x3af: {  	s16 =	sor.u32 $0x70, s11;
	[tilespmem:s28+$0x0] =	vst.add.f32.msk $0xffff, v25  }
0x3b0: {  	s11 =	sadd.s32 $0x16000, s7;
	[tilespmem:s16+$0x0] =	vst.add.f32.msk $0xffff, v26  }
0x3b1: {  	s17 =	sor.u32 $0x10, s11;
	[tilespmem:s7+$0x16000] =	vst.add.f32.msk $0xffff, v27  }
0x3b2: {  	s18 =	sor.u32 $0x20, s11;
	[tilespmem:s17+$0x0] =	vst.add.f32.msk $0xffff, v28  }
0x3b3: {  	s25 =	sor.u32 $0x30, s11;
	[tilespmem:s18+$0x0] =	vst.add.f32.msk $0xffff, v29  }
0x3b4: {  	s28 =	sor.u32 $0x40, s11;
	[tilespmem:s25+$0x0] =	vst.add.f32.msk $0xffff, v30  }
0x3b5: {  	s16 =	sor.u32 $0x50, s11;
	[tilespmem:s28+$0x0] =	vst.add.f32.msk $0xffff, v31  }
0x3b6: {  	s17 =	sor.u32 $0x60, s11;
	[tilespmem:s16+$0x0] =	vst.add.f32.msk $0xffff, v32  }
0x3b7: {  	s18 =	sor.u32 $0x70, s11;
	[tilespmem:s17+$0x0] =	vst.add.f32.msk $0xffff, v33  }
0x3b8: {  	s11 =	sadd.s32 $0x16400, s7;
	[tilespmem:s18+$0x0] =	vst.add.f32.msk $0xffff, v34  }
0x3b9: {  	s25 =	sor.u32 $0x10, s11;
	[tilespmem:s7+$0x16400] =	vst.add.f32.msk $0xffff, v35  }
0x3ba: {  	s28 =	sor.u32 $0x20, s11;
	[tilespmem:s25+$0x0] =	vst.add.f32.msk $0xffff, v36  }
0x3bb: {  	s16 =	sor.u32 $0x30, s11;
	[tilespmem:s28+$0x0] =	vst.add.f32.msk $0xffff, v37  }
0x3bc: {  	s17 =	sor.u32 $0x40, s11;
	[tilespmem:s16+$0x0] =	vst.add.f32.msk $0xffff, v38  }
0x3bd: {  	s18 =	sor.u32 $0x50, s11;
	[tilespmem:s17+$0x0] =	vst.add.f32.msk $0xffff, v39  }
0x3be: {  	s25 =	sor.u32 $0x60, s11;
	[tilespmem:s18+$0x0] =	vst.add.f32.msk $0xffff, v40  }
0x3bf: {  	s28 =	sor.u32 $0x70, s11;
	[tilespmem:s25+$0x0] =	vst.add.f32.msk $0xffff, v41  }
0x3c0: {  	s15 =	sadd.s32 $0x16800, s7;
	[tilespmem:s28+$0x0] =	vst.add.f32.msk $0xffff, v42  }
0x3c1: {  	s8 =	simm.s32 $0x1;
	s16 =	sor.u32 $0x10, s15;
	[tilespmem:s7+$0x16800] =	vst.add.f32.msk $0xffff, v43  }
0x3c2: {  	s11 =	sor.u32 $0x20, s15;
	s17 =	sor.u32 $0x40, s15;
	s7 =	sor.u32 $0x30, s15;
	[tilespmem:s16+$0x0] =	vst.add.f32.msk $0xffff, v47  }
.LBB2_14:
0x3c3: {  	s18 =	sshrl.u32 s8, $0x3  }
0x3c4: {  	[tilespmem:s11+$0x0] =	vst.add.f32.msk $0xffff, v44;
	s13 =	sadd.s32 $0x80, s13;
	s11 =	smov.u32 s8;
	s16 =	sadd.s32 $0x1, s8  }
0x3c5: {  	p0 =	sne.s32 s8, $0x1F;
	s11 =	smul.u32 $0x6000, s18;
	[tilespmem:s7+$0x0] =	vst.add.f32.msk $0xffff, v48;
	s7 =	sor.u32 $0x50, s15  }
0x3c6: {  	s8 =	sor.u32 $0x60, s15;
	[tilespmem:s17+$0x0] =	vst.add.f32.msk $0xffff, v49  }
0x3c7: {  	s17 =	sand.u32 $0x380, s13;
	s11 =	sshra.s32 s11, $0x2;
	[tilespmem:s7+$0x0] =	vst.add.f32.msk $0xffff, v45;
	s7 =	sor.u32 $0x70, s15  }
0x3c8: {  	s18 =	sor.u32 s17, s11;
	[tilespmem:s8+$0x0] =	vst.add.f32.msk $0xffff, v46  }
0x3c9: {  	s25 =	sadd.s32 $0x15400, s18;
	s11 =	sadd.s32 $0x15C00, s18;
	s8 =	sadd.s32 $0x16000, s18;
	[tilespmem:s7+$0x0] =	vst.add.f32.msk $0xffff, v50  }
0x3ca: {  	s7 =	sadd.s32 $0x16400, s18;
	s15 =	sadd.s32 $0x16800, s18;
	[tilespmem:s18+$0x15400] =	vst.add.f32.msk $0xffff, v3;
	s17 =	sor.u32 $0x10, s25  }
0x3cb: {  	s28 =	sor.u32 $0x20, s25;
	[tilespmem:s17+$0x0] =	vst.add.f32.msk $0xffff, v4;
	s17 =	sor.u32 $0x40, s15  }
0x3cc: {  	[tilespmem:s28+$0x0] =	vst.add.f32.msk $0xffff, v5;
	s28 =	sor.u32 $0x30, s25  }
0x3cd: {  	[tilespmem:s28+$0x0] =	vst.add.f32.msk $0xffff, v6;
	s28 =	sor.u32 $0x40, s25  }
0x3ce: {  	[tilespmem:s28+$0x0] =	vst.add.f32.msk $0xffff, v7;
	s28 =	sor.u32 $0x50, s25  }
0x3cf: {  	[tilespmem:s28+$0x0] =	vst.add.f32.msk $0xffff, v8;
	s28 =	sor.u32 $0x60, s25  }
0x3d0: {  	[tilespmem:s28+$0x0] =	vst.add.f32.msk $0xffff, v9;
	s28 =	sor.u32 $0x70, s25  }
0x3d1: {  	[tilespmem:s28+$0x0] =	vst.add.f32.msk $0xffff, v10  }
0x3d2: {  	[tilespmem:s25+$0x470] =	vst.add.f32.msk $0xffff, v18  }
0x3d3: {  	[tilespmem:s25+$0x460] =	vst.add.f32.msk $0xffff, v17  }
0x3d4: {  	[tilespmem:s25+$0x450] =	vst.add.f32.msk $0xffff, v16  }
0x3d5: {  	[tilespmem:s25+$0x440] =	vst.add.f32.msk $0xffff, v15  }
0x3d6: {  	[tilespmem:s25+$0x430] =	vst.add.f32.msk $0xffff, v14  }
0x3d7: {  	[tilespmem:s25+$0x410] =	vst.add.f32.msk $0xffff, v12  }
0x3d8: {  	[tilespmem:s25+$0x400] =	vst.add.f32.msk $0xffff, v11  }
0x3d9: {  	[tilespmem:s25+$0x420] =	vst.add.f32.msk $0xffff, v13;
	s25 =	sor.u32 $0x10, s11  }
0x3da: {  	s28 =	sor.u32 $0x20, s11;
	[tilespmem:s18+$0x15C00] =	vst.add.f32.msk $0xffff, v19  }
0x3db: {  	[tilespmem:s25+$0x0] =	vst.add.f32.msk $0xffff, v20;
	s25 =	sor.u32 $0x30, s11  }
0x3dc: {  	[tilespmem:s28+$0x0] =	vst.add.f32.msk $0xffff, v21;
	s28 =	sor.u32 $0x40, s11  }
0x3dd: {  	[tilespmem:s25+$0x0] =	vst.add.f32.msk $0xffff, v22;
	s25 =	sor.u32 $0x50, s11  }
0x3de: {  	[tilespmem:s28+$0x0] =	vst.add.f32.msk $0xffff, v23;
	s28 =	sor.u32 $0x60, s11  }
0x3df: {  	s11 =	sor.u32 $0x70, s11;
	[tilespmem:s25+$0x0] =	vst.add.f32.msk $0xffff, v24  }
0x3e0: {  	[tilespmem:s28+$0x0] =	vst.add.f32.msk $0xffff, v25  }
0x3e1: {  	[tilespmem:s11+$0x0] =	vst.add.f32.msk $0xffff, v26;
	s11 =	sor.u32 $0x10, s8  }
0x3e2: {  	s25 =	sor.u32 $0x20, s8;
	[tilespmem:s18+$0x16000] =	vst.add.f32.msk $0xffff, v27  }
0x3e3: {  	[tilespmem:s11+$0x0] =	vst.add.f32.msk $0xffff, v28;
	s11 =	sor.u32 $0x30, s8  }
0x3e4: {  	[tilespmem:s25+$0x0] =	vst.add.f32.msk $0xffff, v29;
	s25 =	sor.u32 $0x40, s8  }
0x3e5: {  	[tilespmem:s11+$0x0] =	vst.add.f32.msk $0xffff, v30;
	s11 =	sor.u32 $0x50, s8  }
0x3e6: {  	[tilespmem:s25+$0x0] =	vst.add.f32.msk $0xffff, v31;
	s25 =	sor.u32 $0x60, s8  }
0x3e7: {  	s8 =	sor.u32 $0x70, s8;
	[tilespmem:s11+$0x0] =	vst.add.f32.msk $0xffff, v32  }
0x3e8: {  	[tilespmem:s25+$0x0] =	vst.add.f32.msk $0xffff, v33  }
0x3e9: {  	[tilespmem:s8+$0x0] =	vst.add.f32.msk $0xffff, v34;
	s8 =	sor.u32 $0x10, s7  }
0x3ea: {  	s11 =	sor.u32 $0x20, s7;
	[tilespmem:s18+$0x16400] =	vst.add.f32.msk $0xffff, v35  }
0x3eb: {  	[tilespmem:s8+$0x0] =	vst.add.f32.msk $0xffff, v36;
	s8 =	sor.u32 $0x30, s7  }
0x3ec: {  	[tilespmem:s11+$0x0] =	vst.add.f32.msk $0xffff, v37;
	s11 =	sor.u32 $0x40, s7  }
0x3ed: {  	[tilespmem:s8+$0x0] =	vst.add.f32.msk $0xffff, v38;
	s8 =	sor.u32 $0x50, s7  }
0x3ee: {  	[tilespmem:s11+$0x0] =	vst.add.f32.msk $0xffff, v39;
	s11 =	sor.u32 $0x60, s7  }
.Ltmp10:
0x3ef: {  	s7 =	sor.u32 $0x70, s7;
	[tilespmem:s8+$0x0] =	vst.add.f32.msk $0xffff, v40;
	(pc) =	sbr.rel @p0 .LBB2_14-.Ltmp10, $4  }
0x3f0: {  	[tilespmem:s11+$0x0] =	vst.add.f32.msk $0xffff, v41  }
0x3f1: {  	[tilespmem:s7+$0x0] =	vst.add.f32.msk $0xffff, v42;
	s7 =	sor.u32 $0x10, s15  }
0x3f2: {  	s11 =	sor.u32 $0x20, s15;
	[tilespmem:s18+$0x16800] =	vst.add.f32.msk $0xffff, v43  }
0x3f3: {  	s8 =	smov.u32 s16;
	[tilespmem:s7+$0x0] =	vst.add.f32.msk $0xffff, v47;
	s7 =	sor.u32 $0x30, s15  }
0x3f4: {  	[tilespmem:s11+$0x0] =	vst.add.f32.msk $0xffff, v44  }
0x3f5: {  	[tilespmem:s7+$0x0] =	vst.add.f32.msk $0xffff, v48  }
.Ltmp11:
0x3f6: {  	s25 =	sor.u32 $0x50, s15;
	s0 =	sshrl.u32 s0, $0x3;
	[tilespmem:s17+$0x0] =	vst.add.f32.msk $0xffff, v49;
	(pc) =	sbr.rel .LBB2_16-.Ltmp11, $4  }
0x3f7: {  	s8 =	sor.u32 $0x60, s15;
	s0 =	smul.u32 $0x300, s0;
	[tilespmem:s25+$0x0] =	vst.add.f32.msk $0xffff, v45  }
0x3f8: {  	s28 =	sor.u32 $0x70, s15;
	[tilespmem:s8+$0x0] =	vst.add.f32.msk $0xffff, v46  }
0x3f9: {  	s0 =	sadd.s32 s3, s0;
	[tilespmem:s28+$0x0] =	vst.add.f32.msk $0xffff, v50  }
0x3fa: {  	[hbm4b:s0+s4] =	stream.linear.scatter [tilespmem:s24], [sflag:$0x8], $0x6000, $0x38;
	[tilespmem:$0x1B400] =	vst v63  }
.LBB2_18:
0x3fb: {  	_ =	sfence.sel $0x180000  }
0x3fc: {  	[bflag:$0x0] =	sbarrier.arrive $0xFFFF  }
0x3fd: {  	_ =	strace $0x90000047  }
0x3fe: {  	s0 =	stileid.u32;
	[bflag:$0x2] =	sbarrier.arrive $0xFFFF  }
0x3ff: {  	p0 =	sne.s32 s0, $0x0;
	s0 =	rddreg [dreg:$0x4]  }
0x400: {  	s0 =	sadd.s32 @!p0 $0x100000, s0  }
0x401: {  	[sflag:s0] =	ssyncadd.tile.s32 @!p0 $0x1;
	_ =	shalt  }
.Lfunc_end2:
_tile_overlayer_lowered:
.L_overlay_start_2:
0x402: {  	(tag) =	ssettag $0x2  }
0x403: {  	s0 =	rddreg [dreg:$0x0];
	s2 =	stileid.u32  }
0x404: {  	s1 =	rddreg [dreg:$0x1];
	p0 =	sne.s32 s2, $0x0  }
0x405: {  	s3 =	rddreg [dreg:$0x2];
	[bflag:$0x3] =	sbarrier.arrive $0xFFFF;
	s2 =	simm.s32 @!p0 $0x1C09  }
0x406: {  	[timem:s3], [sflag:s2] =	dma.local @!p0 [hbm:s0], s1  }
0x407: {  	s0 =	simm.s32 @!p0 $0x9  }
0x408: {  	_ =	swait.ge @!p0 [sflag:s0], s1  }
0x409: {  	s1 =	ssub.s32 @!p0 $0x0, s1;
	[sflag:s0] =	ssyncset.done @!p0 $0x0  }
0x40a: {  	[sflag:s0] =	ssyncadd.s32 @!p0 s1  }
0x40b: {  	[bflag:$0x3] =	sbarrier.arrive $0xFFFF  }
0x40c: {  	_ =	shalt  }

</sc_bundles>
